<compile_context>
chip_gen: v7x
topology: tpu7x:2x2x1
jax: 0.10.2.dev20260603
libtpu: 0.0.44.dev20260713+nightly
codegen_flags: <defaults>
</compile_context>

<pallas_src>
import functools

import jax
import jax.numpy as jnp
from jax import lax
from jax.experimental import pallas as pl
from jax.experimental.pallas import tpu as pltpu
from jax.experimental.pallas import tpu_sc as plsc

_CHUNKS = (64, 64, 128, 128, 128)
_FB = 3


@functools.cache
def _make_kernel(B, D, L, NC, NS):
    NW = NC * NS
    b_per_w = B // NW
    assert sum(_CHUNKS) == b_per_w
    NCH = len(_CHUNKS)
    CM = max(_CHUNKS)
    JU = D // L
    offs = [sum(_CHUNKS[:c]) for c in range(NCH)]
    mesh = plsc.VectorSubcoreMesh(core_axis_name="c", subcore_axis_name="s")

    @functools.partial(
        pl.kernel,
        mesh=mesh,
        out_type=jax.ShapeDtypeStruct((NW, L), jnp.float32),
        scratch_types=[
            pltpu.VMEM((b_per_w,), jnp.int32),
            pltpu.VMEM((b_per_w, D), jnp.float32),
            pltpu.VMEM((_FB, CM, D), jnp.float32),
            pltpu.VMEM((L,), jnp.float32),
            pltpu.SemaphoreType.DMA,
            pltpu.SemaphoreType.DMA,
            pltpu.SemaphoreType.DMA,
        ],
    )
    def k(label_hbm, feat_hbm, centers_hbm, out_hbm, idx_v, rows_v, feat_v,
          part_v, sem_g, sem_f, sem_i):
        wid = lax.axis_index("s") * NC + lax.axis_index("c")
        base = wid * b_per_w

        def start_feat(c):
            return pltpu.async_copy(
                feat_hbm.at[pl.ds(base + offs[c], _CHUNKS[c])],
                feat_v.at[c % _FB, pl.ds(0, _CHUNKS[c])], sem_f)

        def start_gather(c):
            return pltpu.async_copy(
                centers_hbm.at[idx_v.at[pl.ds(offs[c], _CHUNKS[c])]],
                rows_v.at[pl.ds(offs[c], _CHUNKS[c])], sem_g)

        idxs = [pltpu.async_copy(
            label_hbm.at[pl.ds(base + offs[c], _CHUNKS[c])],
            idx_v.at[pl.ds(offs[c], _CHUNKS[c])], sem_i) for c in range(NCH)]
        feats = [start_feat(c) for c in range(_FB)]
        gathers = []
        for c in range(2):
            idxs[c].wait()
            gathers.append(start_gather(c))

        accs = tuple(jnp.zeros((L,), jnp.float32) for _ in range(2 * JU))
        for c in range(NCH):
            if c + 2 < NCH:
                idxs[c + 2].wait()
                gathers.append(start_gather(c + 2))
            gathers[c].wait()
            feats[c].wait()
            fbuf = c % _FB

            def row_body(i, accs, c=c, fbuf=fbuf):
                i2 = i * 2
                new = []
                for u in range(2):
                    for j in range(JU):
                        f = feat_v[fbuf, i2 + u, pl.ds(j * L, L)]
                        r = rows_v[offs[c] + i2 + u, pl.ds(j * L, L)]
                        d = f - r
                        new.append(accs[u * JU + j] + d * d)
                return tuple(new)

            accs = lax.fori_loop(0, _CHUNKS[c] // 2, row_body, accs)
            if c + _FB < NCH:
                feats.append(start_feat(c + _FB))

        tot = accs[0]
        for j in range(1, 2 * JU):
            tot = tot + accs[j]
        part_v[...] = tot
        pltpu.sync_copy(part_v, out_hbm.at[wid])

    return k


def kernel(label, feat, centers):
    B, D = feat.shape
    info = plsc.get_sparse_core_info()
    k = _make_kernel(B, D, info.num_lanes, info.num_cores, info.num_subcores)
    partials = k(label, feat, centers)
    return jnp.sum(partials) / (2.0 * B)

# --- scband reference (transcript-rebuilt; emitter-appended) ---
"""Pipeline reference for scband-center-loss-10110353015326 (READ-ONLY COPY).

The authoritative reference and input builder live on the scoring server;
editing this copy changes nothing except your own understanding.
"""

import jax, jax.numpy as jnp
import numpy as np

NUM_CLASSES = 100000
FEAT_DIM = 128
BATCH = 16384


def setup_inputs(seed: int = 0) -> dict:
    key = jax.random.key(seed)
    k1, k2, k3 = jax.random.split(key, 3)
    label = jax.random.randint(k1, (BATCH,), 0, NUM_CLASSES, dtype=jnp.int32)
    feat = jax.random.normal(k2, (BATCH, FEAT_DIM), dtype=jnp.float32)
    # learned parameter: class centers, initialized like torch.randn in __init__
    centers = jax.random.normal(k3, (NUM_CLASSES, FEAT_DIM), dtype=jnp.float32)
    return {"label": label, "feat": feat, "centers": centers}


def reference(label, feat, centers):
    # CenterLoss.forward with size_average=True
    batch_size = feat.shape[0]
    feat2 = feat.reshape(batch_size, -1)
    # CenterlossFunc.forward: gather centers at labels, squared distance / 2
    centers_batch = jnp.take(centers, label, axis=0)
    loss = jnp.sum((feat2 - centers_batch) ** 2) / 2.0
    loss = loss / batch_size  # size_average
    return loss

if __name__ == "__main__":
    import jax
    _d = setup_inputs()
    print(jax.jit(kernel)(*tuple(_d.values())))

</pallas_src>

<mosaic_0001>
#map = affine_map<(d0, d1) -> (0)>
#map1 = affine_map<(d0, d1) -> (0, 0)>
module attributes {stable_mosaic.version = 14 : i64} {
  func.func @k(%arg0: i32, %arg1: i32, %arg2: memref<16384xi32, #tpu.memory_space<hbm>>, %arg3: memref<16384x128xf32, #tpu.memory_space<hbm>>, %arg4: memref<100000x128xf32, #tpu.memory_space<hbm>>, %arg5: memref<32x16xf32, #tpu.memory_space<hbm>>, %arg6: memref<512xi32, #tpu.memory_space<vmem>>, %arg7: memref<512x128xf32, #tpu.memory_space<vmem>>, %arg8: memref<3x128x128xf32, #tpu.memory_space<vmem>>, %arg9: memref<16xf32, #tpu.memory_space<vmem>>, %arg10: memref<!tpu.dma_semaphore, #tpu.memory_space<semaphore_mem>>, %arg11: memref<!tpu.dma_semaphore, #tpu.memory_space<semaphore_mem>>, %arg12: memref<!tpu.dma_semaphore, #tpu.memory_space<semaphore_mem>>) attributes {dimension_semantics = [#tpu.dimension_semantics<core_parallel>, #tpu.dimension_semantics<subcore_parallel>], iteration_bounds = array<i64: 2, 16>, scalar_prefetch = 0 : i64, scratch_operands = 7 : i64, tpu.core_type = #tpu.core_type<sc_vector_subcore>, window_params = [{transform_indices = #map}, {transform_indices = #map1}, {transform_indices = #map1}, {transform_indices = #map1}]} {
    %mul3A = arith.constant 2 : i32
    %mul3A_0 = arith.muli %arg1, %mul3A : i32
    %add3A = arith.addi %mul3A_0, %arg0 : i32
    %mul3A_1 = arith.constant 512 : i32
    %mul3A_2 = arith.muli %add3A, %mul3A_1 : i32
    %add3A_3 = arith.constant 0 : i32
    %add3A_4 = arith.addi %mul3A_2, %add3A_3 : i32
    %dma_start3A = arith.constant 0 : i32
    %dma_start3A_5 = tpu.memref_slice %arg6[%dma_start3A] : memref<512xi32, #tpu.memory_space<vmem>> -> memref<64xi32, #tpu.memory_space<vmem>>
    %dma_start3A_6 = tpu.memref_slice %arg2[%add3A_4] : memref<16384xi32, #tpu.memory_space<hbm>> -> memref<64xi32, #tpu.memory_space<hbm>>
    %dma_start3A_7 = arith.constant 0 : i32
    %dma_start3A_8 = tpu.memref_slice %arg6[%dma_start3A_7] : memref<512xi32, #tpu.memory_space<vmem>> -> memref<64xi32, #tpu.memory_space<vmem>>
    %dma_start3A_9 = tpu.memref_slice %arg2[%add3A_4] : memref<16384xi32, #tpu.memory_space<hbm>> -> memref<64xi32, #tpu.memory_space<hbm>>
    tpu.enqueue_dma source(%dma_start3A_9 : memref<64xi32, #tpu.memory_space<hbm>>) target(%dma_start3A_8 : memref<64xi32, #tpu.memory_space<vmem>>) target_semaphore(%arg12 : memref<!tpu.dma_semaphore, #tpu.memory_space<semaphore_mem>>)
    %add3A_10 = arith.constant 64 : i32
    %add3A_11 = arith.addi %mul3A_2, %add3A_10 : i32
    %dma_start3A_12 = arith.constant 64 : i32
    %dma_start3A_13 = tpu.memref_slice %arg6[%dma_start3A_12] : memref<512xi32, #tpu.memory_space<vmem>> -> memref<64xi32, #tpu.memory_space<vmem>>
    %dma_start3A_14 = tpu.memref_slice %arg2[%add3A_11] : memref<16384xi32, #tpu.memory_space<hbm>> -> memref<64xi32, #tpu.memory_space<hbm>>
    %dma_start3A_15 = arith.constant 64 : i32
    %dma_start3A_16 = tpu.memref_slice %arg6[%dma_start3A_15] : memref<512xi32, #tpu.memory_space<vmem>> -> memref<64xi32, #tpu.memory_space<vmem>>
    %dma_start3A_17 = tpu.memref_slice %arg2[%add3A_11] : memref<16384xi32, #tpu.memory_space<hbm>> -> memref<64xi32, #tpu.memory_space<hbm>>
    tpu.enqueue_dma source(%dma_start3A_17 : memref<64xi32, #tpu.memory_space<hbm>>) target(%dma_start3A_16 : memref<64xi32, #tpu.memory_space<vmem>>) target_semaphore(%arg12 : memref<!tpu.dma_semaphore, #tpu.memory_space<semaphore_mem>>)
    %add3A_18 = arith.constant 128 : i32
    %add3A_19 = arith.addi %mul3A_2, %add3A_18 : i32
    %dma_start3A_20 = arith.constant 128 : i32
    %dma_start3A_21 = tpu.memref_slice %arg6[%dma_start3A_20] : memref<512xi32, #tpu.memory_space<vmem>> -> memref<128xi32, #tpu.memory_space<vmem>>
    %dma_start3A_22 = tpu.memref_slice %arg2[%add3A_19] : memref<16384xi32, #tpu.memory_space<hbm>> -> memref<128xi32, #tpu.memory_space<hbm>>
    %dma_start3A_23 = arith.constant 128 : i32
    %dma_start3A_24 = tpu.memref_slice %arg6[%dma_start3A_23] : memref<512xi32, #tpu.memory_space<vmem>> -> memref<128xi32, #tpu.memory_space<vmem>>
    %dma_start3A_25 = tpu.memref_slice %arg2[%add3A_19] : memref<16384xi32, #tpu.memory_space<hbm>> -> memref<128xi32, #tpu.memory_space<hbm>>
    tpu.enqueue_dma source(%dma_start3A_25 : memref<128xi32, #tpu.memory_space<hbm>>) target(%dma_start3A_24 : memref<128xi32, #tpu.memory_space<vmem>>) target_semaphore(%arg12 : memref<!tpu.dma_semaphore, #tpu.memory_space<semaphore_mem>>)
    %add3A_26 = arith.constant 256 : i32
    %add3A_27 = arith.addi %mul3A_2, %add3A_26 : i32
    %dma_start3A_28 = arith.constant 256 : i32
    %dma_start3A_29 = tpu.memref_slice %arg6[%dma_start3A_28] : memref<512xi32, #tpu.memory_space<vmem>> -> memref<128xi32, #tpu.memory_space<vmem>>
    %dma_start3A_30 = tpu.memref_slice %arg2[%add3A_27] : memref<16384xi32, #tpu.memory_space<hbm>> -> memref<128xi32, #tpu.memory_space<hbm>>
    %dma_start3A_31 = arith.constant 256 : i32
    %dma_start3A_32 = tpu.memref_slice %arg6[%dma_start3A_31] : memref<512xi32, #tpu.memory_space<vmem>> -> memref<128xi32, #tpu.memory_space<vmem>>
    %dma_start3A_33 = tpu.memref_slice %arg2[%add3A_27] : memref<16384xi32, #tpu.memory_space<hbm>> -> memref<128xi32, #tpu.memory_space<hbm>>
    tpu.enqueue_dma source(%dma_start3A_33 : memref<128xi32, #tpu.memory_space<hbm>>) target(%dma_start3A_32 : memref<128xi32, #tpu.memory_space<vmem>>) target_semaphore(%arg12 : memref<!tpu.dma_semaphore, #tpu.memory_space<semaphore_mem>>)
    %add3A_34 = arith.constant 384 : i32
    %add3A_35 = arith.addi %mul3A_2, %add3A_34 : i32
    %dma_start3A_36 = arith.constant 384 : i32
    %dma_start3A_37 = tpu.memref_slice %arg6[%dma_start3A_36] : memref<512xi32, #tpu.memory_space<vmem>> -> memref<128xi32, #tpu.memory_space<vmem>>
    %dma_start3A_38 = tpu.memref_slice %arg2[%add3A_35] : memref<16384xi32, #tpu.memory_space<hbm>> -> memref<128xi32, #tpu.memory_space<hbm>>
    %dma_start3A_39 = arith.constant 384 : i32
    %dma_start3A_40 = tpu.memref_slice %arg6[%dma_start3A_39] : memref<512xi32, #tpu.memory_space<vmem>> -> memref<128xi32, #tpu.memory_space<vmem>>
    %dma_start3A_41 = tpu.memref_slice %arg2[%add3A_35] : memref<16384xi32, #tpu.memory_space<hbm>> -> memref<128xi32, #tpu.memory_space<hbm>>
    tpu.enqueue_dma source(%dma_start3A_41 : memref<128xi32, #tpu.memory_space<hbm>>) target(%dma_start3A_40 : memref<128xi32, #tpu.memory_space<vmem>>) target_semaphore(%arg12 : memref<!tpu.dma_semaphore, #tpu.memory_space<semaphore_mem>>)
    %add3A_42 = arith.constant 0 : i32
    %add3A_43 = arith.addi %mul3A_2, %add3A_42 : i32
    %dma_start3A_44 = arith.constant 0 : i32
    %dma_start3A_45 = arith.constant 0 : i32
    %dma_start3A_46 = arith.constant 0 : i32
    %dma_start3A_47 = tpu.memref_slice %arg8[%dma_start3A_44, %dma_start3A_45, %dma_start3A_46] : memref<3x128x128xf32, #tpu.memory_space<vmem>> -> memref<1x64x128xf32, #tpu.memory_space<vmem>>
    %dma_start3A_48 = tpu.memref_squeeze %dma_start3A_47 : memref<1x64x128xf32, #tpu.memory_space<vmem>> -> memref<64x128xf32, #tpu.memory_space<vmem>>
    %dma_start3A_49 = arith.constant 0 : i32
    %dma_start3A_50 = tpu.memref_slice %arg3[%add3A_43, %dma_start3A_49] : memref<16384x128xf32, #tpu.memory_space<hbm>> -> memref<64x128xf32, #tpu.memory_space<hbm>>
    %dma_start3A_51 = arith.constant 0 : i32
    %dma_start3A_52 = arith.constant 0 : i32
    %dma_start3A_53 = tpu.memref_slice %arg8[%dma_start3A_44, %dma_start3A_51, %dma_start3A_52] : memref<3x128x128xf32, #tpu.memory_space<vmem>> -> memref<1x64x128xf32, #tpu.memory_space<vmem>>
    %dma_start3A_54 = tpu.memref_squeeze %dma_start3A_53 : memref<1x64x128xf32, #tpu.memory_space<vmem>> -> memref<64x128xf32, #tpu.memory_space<vmem>>
    %dma_start3A_55 = arith.constant 0 : i32
    %dma_start3A_56 = tpu.memref_slice %arg3[%add3A_43, %dma_start3A_55] : memref<16384x128xf32, #tpu.memory_space<hbm>> -> memref<64x128xf32, #tpu.memory_space<hbm>>
    tpu.enqueue_dma source(%dma_start3A_56 : memref<64x128xf32, #tpu.memory_space<hbm>>) target(%dma_start3A_54 : memref<64x128xf32, #tpu.memory_space<vmem>>) target_semaphore(%arg11 : memref<!tpu.dma_semaphore, #tpu.memory_space<semaphore_mem>>)
    %add3A_57 = arith.constant 64 : i32
    %add3A_58 = arith.addi %mul3A_2, %add3A_57 : i32
    %dma_start3A_59 = arith.constant 1 : i32
    %dma_start3A_60 = arith.constant 0 : i32
    %dma_start3A_61 = arith.constant 0 : i32
    %dma_start3A_62 = tpu.memref_slice %arg8[%dma_start3A_59, %dma_start3A_60, %dma_start3A_61] : memref<3x128x128xf32, #tpu.memory_space<vmem>> -> memref<1x64x128xf32, #tpu.memory_space<vmem>>
    %dma_start3A_63 = tpu.memref_squeeze %dma_start3A_62 : memref<1x64x128xf32, #tpu.memory_space<vmem>> -> memref<64x128xf32, #tpu.memory_space<vmem>>
    %dma_start3A_64 = arith.constant 0 : i32
    %dma_start3A_65 = tpu.memref_slice %arg3[%add3A_58, %dma_start3A_64] : memref<16384x128xf32, #tpu.memory_space<hbm>> -> memref<64x128xf32, #tpu.memory_space<hbm>>
    %dma_start3A_66 = arith.constant 0 : i32
    %dma_start3A_67 = arith.constant 0 : i32
    %dma_start3A_68 = tpu.memref_slice %arg8[%dma_start3A_59, %dma_start3A_66, %dma_start3A_67] : memref<3x128x128xf32, #tpu.memory_space<vmem>> -> memref<1x64x128xf32, #tpu.memory_space<vmem>>
    %dma_start3A_69 = tpu.memref_squeeze %dma_start3A_68 : memref<1x64x128xf32, #tpu.memory_space<vmem>> -> memref<64x128xf32, #tpu.memory_space<vmem>>
    %dma_start3A_70 = arith.constant 0 : i32
    %dma_start3A_71 = tpu.memref_slice %arg3[%add3A_58, %dma_start3A_70] : memref<16384x128xf32, #tpu.memory_space<hbm>> -> memref<64x128xf32, #tpu.memory_space<hbm>>
    tpu.enqueue_dma source(%dma_start3A_71 : memref<64x128xf32, #tpu.memory_space<hbm>>) target(%dma_start3A_69 : memref<64x128xf32, #tpu.memory_space<vmem>>) target_semaphore(%arg11 : memref<!tpu.dma_semaphore, #tpu.memory_space<semaphore_mem>>)
    %add3A_72 = arith.constant 128 : i32
    %add3A_73 = arith.addi %mul3A_2, %add3A_72 : i32
    %dma_start3A_74 = arith.constant 2 : i32
    %dma_start3A_75 = arith.constant 0 : i32
    %dma_start3A_76 = arith.constant 0 : i32
    %dma_start3A_77 = tpu.memref_slice %arg8[%dma_start3A_74, %dma_start3A_75, %dma_start3A_76] : memref<3x128x128xf32, #tpu.memory_space<vmem>> -> memref<1x128x128xf32, #tpu.memory_space<vmem>>
    %dma_start3A_78 = tpu.memref_squeeze %dma_start3A_77 : memref<1x128x128xf32, #tpu.memory_space<vmem>> -> memref<128x128xf32, #tpu.memory_space<vmem>>
    %dma_start3A_79 = arith.constant 0 : i32
    %dma_start3A_80 = tpu.memref_slice %arg3[%add3A_73, %dma_start3A_79] : memref<16384x128xf32, #tpu.memory_space<hbm>> -> memref<128x128xf32, #tpu.memory_space<hbm>>
    %dma_start3A_81 = arith.constant 0 : i32
    %dma_start3A_82 = arith.constant 0 : i32
    %dma_start3A_83 = tpu.memref_slice %arg8[%dma_start3A_74, %dma_start3A_81, %dma_start3A_82] : memref<3x128x128xf32, #tpu.memory_space<vmem>> -> memref<1x128x128xf32, #tpu.memory_space<vmem>>
    %dma_start3A_84 = tpu.memref_squeeze %dma_start3A_83 : memref<1x128x128xf32, #tpu.memory_space<vmem>> -> memref<128x128xf32, #tpu.memory_space<vmem>>
    %dma_start3A_85 = arith.constant 0 : i32
    %dma_start3A_86 = tpu.memref_slice %arg3[%add3A_73, %dma_start3A_85] : memref<16384x128xf32, #tpu.memory_space<hbm>> -> memref<128x128xf32, #tpu.memory_space<hbm>>
    tpu.enqueue_dma source(%dma_start3A_86 : memref<128x128xf32, #tpu.memory_space<hbm>>) target(%dma_start3A_84 : memref<128x128xf32, #tpu.memory_space<vmem>>) target_semaphore(%arg11 : memref<!tpu.dma_semaphore, #tpu.memory_space<semaphore_mem>>)
    %dma_wait3A = arith.constant 0 : i32
    %dma_wait3A_87 = tpu.memref_slice %arg6[%dma_wait3A] : memref<512xi32, #tpu.memory_space<vmem>> -> memref<64xi32, #tpu.memory_space<vmem>>
    %dma_wait3A_88 = tpu.memref_slice %arg2[%add3A_4] : memref<16384xi32, #tpu.memory_space<hbm>> -> memref<64xi32, #tpu.memory_space<hbm>>
    %dma_wait3A_89 = arith.constant 0 : i32
    %dma_wait3A_90 = tpu.memref_slice %arg6[%dma_wait3A_89] : memref<512xi32, #tpu.memory_space<vmem>> -> memref<64xi32, #tpu.memory_space<vmem>>
    %dma_wait3A_91 = tpu.memref_slice %arg2[%add3A_4] : memref<16384xi32, #tpu.memory_space<hbm>> -> memref<64xi32, #tpu.memory_space<hbm>>
    tpu.wait_dma2 semaphore(%arg12 : memref<!tpu.dma_semaphore, #tpu.memory_space<semaphore_mem>>) src(%dma_wait3A_91 : memref<64xi32, #tpu.memory_space<hbm>>) dst(%dma_wait3A_90 : memref<64xi32, #tpu.memory_space<vmem>>)
    %dma_start3A_92 = arith.constant 0 : i32
    %dma_start3A_93 = arith.constant 0 : i32
    %dma_start3A_94 = tpu.memref_slice %arg7[%dma_start3A_92, %dma_start3A_93] : memref<512x128xf32, #tpu.memory_space<vmem>> -> memref<64x128xf32, #tpu.memory_space<vmem>>
    %dma_start3A_95 = arith.constant 0 : i32
    %dma_start3A_96 = tpu.memref_slice %arg6[%dma_start3A_95] : memref<512xi32, #tpu.memory_space<vmem>> -> memref<64xi32, #tpu.memory_space<vmem>>
    %dma_start3A_97 = arith.constant 0 : i32
    %dma_start3A_98 = arith.constant 0 : i32
    %dma_start3A_99 = tpu.memref_slice %arg4[%dma_start3A_97, %dma_start3A_98] : memref<100000x128xf32, #tpu.memory_space<hbm>> -> memref<100000x128xf32, #tpu.memory_space<hbm>>
    tpu.enqueue_indirect_dma source(%dma_start3A_99 : memref<100000x128xf32, #tpu.memory_space<hbm>>) target(%dma_start3A_94 : memref<64x128xf32, #tpu.memory_space<vmem>>) offsets(%dma_start3A_96 : memref<64xi32, #tpu.memory_space<vmem>>) semaphore(%arg10 : memref<!tpu.dma_semaphore, #tpu.memory_space<semaphore_mem>>)
    %dma_wait3A_100 = arith.constant 64 : i32
    %dma_wait3A_101 = tpu.memref_slice %arg6[%dma_wait3A_100] : memref<512xi32, #tpu.memory_space<vmem>> -> memref<64xi32, #tpu.memory_space<vmem>>
    %dma_wait3A_102 = tpu.memref_slice %arg2[%add3A_11] : memref<16384xi32, #tpu.memory_space<hbm>> -> memref<64xi32, #tpu.memory_space<hbm>>
    %dma_wait3A_103 = arith.constant 64 : i32
    %dma_wait3A_104 = tpu.memref_slice %arg6[%dma_wait3A_103] : memref<512xi32, #tpu.memory_space<vmem>> -> memref<64xi32, #tpu.memory_space<vmem>>
    %dma_wait3A_105 = tpu.memref_slice %arg2[%add3A_11] : memref<16384xi32, #tpu.memory_space<hbm>> -> memref<64xi32, #tpu.memory_space<hbm>>
    tpu.wait_dma2 semaphore(%arg12 : memref<!tpu.dma_semaphore, #tpu.memory_space<semaphore_mem>>) src(%dma_wait3A_105 : memref<64xi32, #tpu.memory_space<hbm>>) dst(%dma_wait3A_104 : memref<64xi32, #tpu.memory_space<vmem>>)
    %dma_start3A_106 = arith.constant 64 : i32
    %dma_start3A_107 = arith.constant 0 : i32
    %dma_start3A_108 = tpu.memref_slice %arg7[%dma_start3A_106, %dma_start3A_107] : memref<512x128xf32, #tpu.memory_space<vmem>> -> memref<64x128xf32, #tpu.memory_space<vmem>>
    %dma_start3A_109 = arith.constant 64 : i32
    %dma_start3A_110 = tpu.memref_slice %arg6[%dma_start3A_109] : memref<512xi32, #tpu.memory_space<vmem>> -> memref<64xi32, #tpu.memory_space<vmem>>
    %dma_start3A_111 = arith.constant 0 : i32
    %dma_start3A_112 = arith.constant 0 : i32
    %dma_start3A_113 = tpu.memref_slice %arg4[%dma_start3A_111, %dma_start3A_112] : memref<100000x128xf32, #tpu.memory_space<hbm>> -> memref<100000x128xf32, #tpu.memory_space<hbm>>
    tpu.enqueue_indirect_dma source(%dma_start3A_113 : memref<100000x128xf32, #tpu.memory_space<hbm>>) target(%dma_start3A_108 : memref<64x128xf32, #tpu.memory_space<vmem>>) offsets(%dma_start3A_110 : memref<64xi32, #tpu.memory_space<vmem>>) semaphore(%arg10 : memref<!tpu.dma_semaphore, #tpu.memory_space<semaphore_mem>>)
    %broadcast_in_dim3A = arith.constant 0.000000e+00 : f32
    %broadcast_in_dim3A_114 = vector.broadcast %broadcast_in_dim3A : f32 to vector<16xf32>
    %broadcast_in_dim3A_115 = arith.constant 0.000000e+00 : f32
    %broadcast_in_dim3A_116 = vector.broadcast %broadcast_in_dim3A_115 : f32 to vector<16xf32>
    %broadcast_in_dim3A_117 = arith.constant 0.000000e+00 : f32
    %broadcast_in_dim3A_118 = vector.broadcast %broadcast_in_dim3A_117 : f32 to vector<16xf32>
    %broadcast_in_dim3A_119 = arith.constant 0.000000e+00 : f32
    %broadcast_in_dim3A_120 = vector.broadcast %broadcast_in_dim3A_119 : f32 to vector<16xf32>
    %broadcast_in_dim3A_121 = arith.constant 0.000000e+00 : f32
    %broadcast_in_dim3A_122 = vector.broadcast %broadcast_in_dim3A_121 : f32 to vector<16xf32>
    %broadcast_in_dim3A_123 = arith.constant 0.000000e+00 : f32
    %broadcast_in_dim3A_124 = vector.broadcast %broadcast_in_dim3A_123 : f32 to vector<16xf32>
    %broadcast_in_dim3A_125 = arith.constant 0.000000e+00 : f32
    %broadcast_in_dim3A_126 = vector.broadcast %broadcast_in_dim3A_125 : f32 to vector<16xf32>
    %broadcast_in_dim3A_127 = arith.constant 0.000000e+00 : f32
    %broadcast_in_dim3A_128 = vector.broadcast %broadcast_in_dim3A_127 : f32 to vector<16xf32>
    %broadcast_in_dim3A_129 = arith.constant 0.000000e+00 : f32
    %broadcast_in_dim3A_130 = vector.broadcast %broadcast_in_dim3A_129 : f32 to vector<16xf32>
    %broadcast_in_dim3A_131 = arith.constant 0.000000e+00 : f32
    %broadcast_in_dim3A_132 = vector.broadcast %broadcast_in_dim3A_131 : f32 to vector<16xf32>
    %broadcast_in_dim3A_133 = arith.constant 0.000000e+00 : f32
    %broadcast_in_dim3A_134 = vector.broadcast %broadcast_in_dim3A_133 : f32 to vector<16xf32>
    %broadcast_in_dim3A_135 = arith.constant 0.000000e+00 : f32
    %broadcast_in_dim3A_136 = vector.broadcast %broadcast_in_dim3A_135 : f32 to vector<16xf32>
    %broadcast_in_dim3A_137 = arith.constant 0.000000e+00 : f32
    %broadcast_in_dim3A_138 = vector.broadcast %broadcast_in_dim3A_137 : f32 to vector<16xf32>
    %broadcast_in_dim3A_139 = arith.constant 0.000000e+00 : f32
    %broadcast_in_dim3A_140 = vector.broadcast %broadcast_in_dim3A_139 : f32 to vector<16xf32>
    %broadcast_in_dim3A_141 = arith.constant 0.000000e+00 : f32
    %broadcast_in_dim3A_142 = vector.broadcast %broadcast_in_dim3A_141 : f32 to vector<16xf32>
    %broadcast_in_dim3A_143 = arith.constant 0.000000e+00 : f32
    %broadcast_in_dim3A_144 = vector.broadcast %broadcast_in_dim3A_143 : f32 to vector<16xf32>
    %dma_wait3A_145 = arith.constant 128 : i32
    %dma_wait3A_146 = tpu.memref_slice %arg6[%dma_wait3A_145] : memref<512xi32, #tpu.memory_space<vmem>> -> memref<128xi32, #tpu.memory_space<vmem>>
    %dma_wait3A_147 = tpu.memref_slice %arg2[%add3A_19] : memref<16384xi32, #tpu.memory_space<hbm>> -> memref<128xi32, #tpu.memory_space<hbm>>
    %dma_wait3A_148 = arith.constant 128 : i32
    %dma_wait3A_149 = tpu.memref_slice %arg6[%dma_wait3A_148] : memref<512xi32, #tpu.memory_space<vmem>> -> memref<128xi32, #tpu.memory_space<vmem>>
    %dma_wait3A_150 = tpu.memref_slice %arg2[%add3A_19] : memref<16384xi32, #tpu.memory_space<hbm>> -> memref<128xi32, #tpu.memory_space<hbm>>
    tpu.wait_dma2 semaphore(%arg12 : memref<!tpu.dma_semaphore, #tpu.memory_space<semaphore_mem>>) src(%dma_wait3A_150 : memref<128xi32, #tpu.memory_space<hbm>>) dst(%dma_wait3A_149 : memref<128xi32, #tpu.memory_space<vmem>>)
    %dma_start3A_151 = arith.constant 128 : i32
    %dma_start3A_152 = arith.constant 0 : i32
    %dma_start3A_153 = tpu.memref_slice %arg7[%dma_start3A_151, %dma_start3A_152] : memref<512x128xf32, #tpu.memory_space<vmem>> -> memref<128x128xf32, #tpu.memory_space<vmem>>
    %dma_start3A_154 = arith.constant 128 : i32
    %dma_start3A_155 = tpu.memref_slice %arg6[%dma_start3A_154] : memref<512xi32, #tpu.memory_space<vmem>> -> memref<128xi32, #tpu.memory_space<vmem>>
    %dma_start3A_156 = arith.constant 0 : i32
    %dma_start3A_157 = arith.constant 0 : i32
    %dma_start3A_158 = tpu.memref_slice %arg4[%dma_start3A_156, %dma_start3A_157] : memref<100000x128xf32, #tpu.memory_space<hbm>> -> memref<100000x128xf32, #tpu.memory_space<hbm>>
    tpu.enqueue_indirect_dma source(%dma_start3A_158 : memref<100000x128xf32, #tpu.memory_space<hbm>>) target(%dma_start3A_153 : memref<128x128xf32, #tpu.memory_space<vmem>>) offsets(%dma_start3A_155 : memref<128xi32, #tpu.memory_space<vmem>>) semaphore(%arg10 : memref<!tpu.dma_semaphore, #tpu.memory_space<semaphore_mem>>)
    %dma_wait3A_159 = arith.constant 0 : i32
    %dma_wait3A_160 = arith.constant 0 : i32
    %dma_wait3A_161 = tpu.memref_slice %arg7[%dma_wait3A_159, %dma_wait3A_160] : memref<512x128xf32, #tpu.memory_space<vmem>> -> memref<64x128xf32, #tpu.memory_space<vmem>>
    %dma_wait3A_162 = arith.constant 0 : i32
    %dma_wait3A_163 = tpu.memref_slice %arg6[%dma_wait3A_162] : memref<512xi32, #tpu.memory_space<vmem>> -> memref<64xi32, #tpu.memory_space<vmem>>
    %dma_wait3A_164 = arith.constant 0 : i32
    %dma_wait3A_165 = arith.constant 0 : i32
    %dma_wait3A_166 = tpu.memref_slice %arg4[%dma_wait3A_164, %dma_wait3A_165] : memref<100000x128xf32, #tpu.memory_space<hbm>> -> memref<100000x128xf32, #tpu.memory_space<hbm>>
    tpu.wait_indirect_dma semaphore(%arg10 : memref<!tpu.dma_semaphore, #tpu.memory_space<semaphore_mem>>) src(%dma_wait3A_166 : memref<100000x128xf32, #tpu.memory_space<hbm>>) dst(%dma_wait3A_161 : memref<64x128xf32, #tpu.memory_space<vmem>>)
    %dma_wait3A_167 = arith.constant 0 : i32
    %dma_wait3A_168 = arith.constant 0 : i32
    %dma_wait3A_169 = arith.constant 0 : i32
    %dma_wait3A_170 = tpu.memref_slice %arg8[%dma_wait3A_167, %dma_wait3A_168, %dma_wait3A_169] : memref<3x128x128xf32, #tpu.memory_space<vmem>> -> memref<1x64x128xf32, #tpu.memory_space<vmem>>
    %dma_wait3A_171 = tpu.memref_squeeze %dma_wait3A_170 : memref<1x64x128xf32, #tpu.memory_space<vmem>> -> memref<64x128xf32, #tpu.memory_space<vmem>>
    %dma_wait3A_172 = arith.constant 0 : i32
    %dma_wait3A_173 = tpu.memref_slice %arg3[%add3A_43, %dma_wait3A_172] : memref<16384x128xf32, #tpu.memory_space<hbm>> -> memref<64x128xf32, #tpu.memory_space<hbm>>
    %dma_wait3A_174 = arith.constant 0 : i32
    %dma_wait3A_175 = arith.constant 0 : i32
    %dma_wait3A_176 = tpu.memref_slice %arg8[%dma_wait3A_167, %dma_wait3A_174, %dma_wait3A_175] : memref<3x128x128xf32, #tpu.memory_space<vmem>> -> memref<1x64x128xf32, #tpu.memory_space<vmem>>
    %dma_wait3A_177 = tpu.memref_squeeze %dma_wait3A_176 : memref<1x64x128xf32, #tpu.memory_space<vmem>> -> memref<64x128xf32, #tpu.memory_space<vmem>>
    %dma_wait3A_178 = arith.constant 0 : i32
    %dma_wait3A_179 = tpu.memref_slice %arg3[%add3A_43, %dma_wait3A_178] : memref<16384x128xf32, #tpu.memory_space<hbm>> -> memref<64x128xf32, #tpu.memory_space<hbm>>
    tpu.wait_dma2 semaphore(%arg11 : memref<!tpu.dma_semaphore, #tpu.memory_space<semaphore_mem>>) src(%dma_wait3A_179 : memref<64x128xf32, #tpu.memory_space<hbm>>) dst(%dma_wait3A_177 : memref<64x128xf32, #tpu.memory_space<vmem>>)
    %scan3A = arith.constant 0 : i32
    %scan3A_180 = arith.constant 32 : i32
    %scan3A_181 = arith.addi %scan3A, %scan3A_180 : i32
    %scan3A_182 = arith.constant 1 : i32
    %scan3A_183:16 = scf.for %scan3A_369 = %scan3A to %scan3A_181 step %scan3A_182 iter_args(%scan3A_370 = %broadcast_in_dim3A_114, %scan3A_371 = %broadcast_in_dim3A_116, %scan3A_372 = %broadcast_in_dim3A_118, %scan3A_373 = %broadcast_in_dim3A_120, %scan3A_374 = %broadcast_in_dim3A_122, %scan3A_375 = %broadcast_in_dim3A_124, %scan3A_376 = %broadcast_in_dim3A_126, %scan3A_377 = %broadcast_in_dim3A_128, %scan3A_378 = %broadcast_in_dim3A_130, %scan3A_379 = %broadcast_in_dim3A_132, %scan3A_380 = %broadcast_in_dim3A_134, %scan3A_381 = %broadcast_in_dim3A_136, %scan3A_382 = %broadcast_in_dim3A_138, %scan3A_383 = %broadcast_in_dim3A_140, %scan3A_384 = %broadcast_in_dim3A_142, %scan3A_385 = %broadcast_in_dim3A_144) -> (vector<16xf32>, vector<16xf32>, vector<16xf32>, vector<16xf32>, vector<16xf32>, vector<16xf32>, vector<16xf32>, vector<16xf32>, vector<16xf32>, vector<16xf32>, vector<16xf32>, vector<16xf32>, vector<16xf32>, vector<16xf32>, vector<16xf32>, vector<16xf32>)  : i32 {
      %mul3A_386 = arith.constant 2 : i32
      %mul3A_387 = arith.muli %scan3A_369, %mul3A_386 : i32
      %add3A_388 = arith.constant 0 : i32
      %add3A_389 = arith.addi %mul3A_387, %add3A_388 : i32
      %get3A = arith.constant 0 : i32
      %get3A_390 = arith.index_cast %get3A : i32 to index
      %get3A_391 = arith.index_cast %add3A_389 : i32 to index
      %get3A_392 = arith.constant 0 : index
      %get3A_393 = tpu.vector_load %arg8[%get3A_390, %get3A_391, %get3A_392] {strides = array<i32>} : memref<3x128x128xf32, #tpu.memory_space<vmem>>, vector<1x1x16xf32>,
      %get3A_394 = vector.shape_cast %get3A_393 : vector<1x1x16xf32> to vector<16xf32>
      %add3A_395 = arith.constant 0 : i32
      %add3A_396 = arith.addi %add3A_395, %mul3A_387 : i32
      %add3A_397 = arith.constant 0 : i32
      %add3A_398 = arith.addi %add3A_396, %add3A_397 : i32
      %get3A_399 = arith.index_cast %add3A_398 : i32 to index
      %get3A_400 = arith.constant 0 : index
      %get3A_401 = tpu.vector_load %arg7[%get3A_399, %get3A_400] {strides = array<i32>} : memref<512x128xf32, #tpu.memory_space<vmem>>, vector<1x16xf32>,
      %get3A_402 = vector.shape_cast %get3A_401 : vector<1x16xf32> to vector<16xf32>
      %sub3A = arith.subf %get3A_394, %get3A_402 : vector<16xf32>
      %mul3A_403 = arith.mulf %sub3A, %sub3A : vector<16xf32>
      %add3A_404 = arith.addf %scan3A_370, %mul3A_403 : vector<16xf32>
      %add3A_405 = arith.constant 0 : i32
      %add3A_406 = arith.addi %mul3A_387, %add3A_405 : i32
      %get3A_407 = arith.constant 0 : i32
      %get3A_408 = arith.index_cast %get3A_407 : i32 to index
      %get3A_409 = arith.index_cast %add3A_406 : i32 to index
      %get3A_410 = arith.constant 16 : index
      %get3A_411 = tpu.vector_load %arg8[%get3A_408, %get3A_409, %get3A_410] {strides = array<i32>} : memref<3x128x128xf32, #tpu.memory_space<vmem>>, vector<1x1x16xf32>,
      %get3A_412 = vector.shape_cast %get3A_411 : vector<1x1x16xf32> to vector<16xf32>
      %add3A_413 = arith.constant 0 : i32
      %add3A_414 = arith.addi %add3A_413, %mul3A_387 : i32
      %add3A_415 = arith.constant 0 : i32
      %add3A_416 = arith.addi %add3A_414, %add3A_415 : i32
      %get3A_417 = arith.index_cast %add3A_416 : i32 to index
      %get3A_418 = arith.constant 16 : index
      %get3A_419 = tpu.vector_load %arg7[%get3A_417, %get3A_418] {strides = array<i32>} : memref<512x128xf32, #tpu.memory_space<vmem>>, vector<1x16xf32>,
      %get3A_420 = vector.shape_cast %get3A_419 : vector<1x16xf32> to vector<16xf32>
      %sub3A_421 = arith.subf %get3A_412, %get3A_420 : vector<16xf32>
      %mul3A_422 = arith.mulf %sub3A_421, %sub3A_421 : vector<16xf32>
      %add3A_423 = arith.addf %scan3A_371, %mul3A_422 : vector<16xf32>
      %add3A_424 = arith.constant 0 : i32
      %add3A_425 = arith.addi %mul3A_387, %add3A_424 : i32
      %get3A_426 = arith.constant 0 : i32
      %get3A_427 = arith.index_cast %get3A_426 : i32 to index
      %get3A_428 = arith.index_cast %add3A_425 : i32 to index
      %get3A_429 = arith.constant 32 : index
      %get3A_430 = tpu.vector_load %arg8[%get3A_427, %get3A_428, %get3A_429] {strides = array<i32>} : memref<3x128x128xf32, #tpu.memory_space<vmem>>, vector<1x1x16xf32>,
      %get3A_431 = vector.shape_cast %get3A_430 : vector<1x1x16xf32> to vector<16xf32>
      %add3A_432 = arith.constant 0 : i32
      %add3A_433 = arith.addi %add3A_432, %mul3A_387 : i32
      %add3A_434 = arith.constant 0 : i32
      %add3A_435 = arith.addi %add3A_433, %add3A_434 : i32
      %get3A_436 = arith.index_cast %add3A_435 : i32 to index
      %get3A_437 = arith.constant 32 : index
      %get3A_438 = tpu.vector_load %arg7[%get3A_436, %get3A_437] {strides = array<i32>} : memref<512x128xf32, #tpu.memory_space<vmem>>, vector<1x16xf32>,
      %get3A_439 = vector.shape_cast %get3A_438 : vector<1x16xf32> to vector<16xf32>
      %sub3A_440 = arith.subf %get3A_431, %get3A_439 : vector<16xf32>
      %mul3A_441 = arith.mulf %sub3A_440, %sub3A_440 : vector<16xf32>
      %add3A_442 = arith.addf %scan3A_372, %mul3A_441 : vector<16xf32>
      %add3A_443 = arith.constant 0 : i32
      %add3A_444 = arith.addi %mul3A_387, %add3A_443 : i32
      %get3A_445 = arith.constant 0 : i32
      %get3A_446 = arith.index_cast %get3A_445 : i32 to index
      %get3A_447 = arith.index_cast %add3A_444 : i32 to index
      %get3A_448 = arith.constant 48 : index
      %get3A_449 = tpu.vector_load %arg8[%get3A_446, %get3A_447, %get3A_448] {strides = array<i32>} : memref<3x128x128xf32, #tpu.memory_space<vmem>>, vector<1x1x16xf32>,
      %get3A_450 = vector.shape_cast %get3A_449 : vector<1x1x16xf32> to vector<16xf32>
      %add3A_451 = arith.constant 0 : i32
      %add3A_452 = arith.addi %add3A_451, %mul3A_387 : i32
      %add3A_453 = arith.constant 0 : i32
      %add3A_454 = arith.addi %add3A_452, %add3A_453 : i32
      %get3A_455 = arith.index_cast %add3A_454 : i32 to index
      %get3A_456 = arith.constant 48 : index
      %get3A_457 = tpu.vector_load %arg7[%get3A_455, %get3A_456] {strides = array<i32>} : memref<512x128xf32, #tpu.memory_space<vmem>>, vector<1x16xf32>,
      %get3A_458 = vector.shape_cast %get3A_457 : vector<1x16xf32> to vector<16xf32>
      %sub3A_459 = arith.subf %get3A_450, %get3A_458 : vector<16xf32>
      %mul3A_460 = arith.mulf %sub3A_459, %sub3A_459 : vector<16xf32>
      %add3A_461 = arith.addf %scan3A_373, %mul3A_460 : vector<16xf32>
      %add3A_462 = arith.constant 0 : i32
      %add3A_463 = arith.addi %mul3A_387, %add3A_462 : i32
      %get3A_464 = arith.constant 0 : i32
      %get3A_465 = arith.index_cast %get3A_464 : i32 to index
      %get3A_466 = arith.index_cast %add3A_463 : i32 to index
      %get3A_467 = arith.constant 64 : index
      %get3A_468 = tpu.vector_load %arg8[%get3A_465, %get3A_466, %get3A_467] {strides = array<i32>} : memref<3x128x128xf32, #tpu.memory_space<vmem>>, vector<1x1x16xf32>,
      %get3A_469 = vector.shape_cast %get3A_468 : vector<1x1x16xf32> to vector<16xf32>
      %add3A_470 = arith.constant 0 : i32
      %add3A_471 = arith.addi %add3A_470, %mul3A_387 : i32
      %add3A_472 = arith.constant 0 : i32
      %add3A_473 = arith.addi %add3A_471, %add3A_472 : i32
      %get3A_474 = arith.index_cast %add3A_473 : i32 to index
      %get3A_475 = arith.constant 64 : index
      %get3A_476 = tpu.vector_load %arg7[%get3A_474, %get3A_475] {strides = array<i32>} : memref<512x128xf32, #tpu.memory_space<vmem>>, vector<1x16xf32>,
      %get3A_477 = vector.shape_cast %get3A_476 : vector<1x16xf32> to vector<16xf32>
      %sub3A_478 = arith.subf %get3A_469, %get3A_477 : vector<16xf32>
      %mul3A_479 = arith.mulf %sub3A_478, %sub3A_478 : vector<16xf32>
      %add3A_480 = arith.addf %scan3A_374, %mul3A_479 : vector<16xf32>
      %add3A_481 = arith.constant 0 : i32
      %add3A_482 = arith.addi %mul3A_387, %add3A_481 : i32
      %get3A_483 = arith.constant 0 : i32
      %get3A_484 = arith.index_cast %get3A_483 : i32 to index
      %get3A_485 = arith.index_cast %add3A_482 : i32 to index
      %get3A_486 = arith.constant 80 : index
      %get3A_487 = tpu.vector_load %arg8[%get3A_484, %get3A_485, %get3A_486] {strides = array<i32>} : memref<3x128x128xf32, #tpu.memory_space<vmem>>, vector<1x1x16xf32>,
      %get3A_488 = vector.shape_cast %get3A_487 : vector<1x1x16xf32> to vector<16xf32>
      %add3A_489 = arith.constant 0 : i32
      %add3A_490 = arith.addi %add3A_489, %mul3A_387 : i32
      %add3A_491 = arith.constant 0 : i32
      %add3A_492 = arith.addi %add3A_490, %add3A_491 : i32
      %get3A_493 = arith.index_cast %add3A_492 : i32 to index
      %get3A_494 = arith.constant 80 : index
      %get3A_495 = tpu.vector_load %arg7[%get3A_493, %get3A_494] {strides = array<i32>} : memref<512x128xf32, #tpu.memory_space<vmem>>, vector<1x16xf32>,
      %get3A_496 = vector.shape_cast %get3A_495 : vector<1x16xf32> to vector<16xf32>
      %sub3A_497 = arith.subf %get3A_488, %get3A_496 : vector<16xf32>
      %mul3A_498 = arith.mulf %sub3A_497, %sub3A_497 : vector<16xf32>
      %add3A_499 = arith.addf %scan3A_375, %mul3A_498 : vector<16xf32>
      %add3A_500 = arith.constant 0 : i32
      %add3A_501 = arith.addi %mul3A_387, %add3A_500 : i32
      %get3A_502 = arith.constant 0 : i32
      %get3A_503 = arith.index_cast %get3A_502 : i32 to index
      %get3A_504 = arith.index_cast %add3A_501 : i32 to index
      %get3A_505 = arith.constant 96 : index
      %get3A_506 = tpu.vector_load %arg8[%get3A_503, %get3A_504, %get3A_505] {strides = array<i32>} : memref<3x128x128xf32, #tpu.memory_space<vmem>>, vector<1x1x16xf32>,
      %get3A_507 = vector.shape_cast %get3A_506 : vector<1x1x16xf32> to vector<16xf32>
      %add3A_508 = arith.constant 0 : i32
      %add3A_509 = arith.addi %add3A_508, %mul3A_387 : i32
      %add3A_510 = arith.constant 0 : i32
      %add3A_511 = arith.addi %add3A_509, %add3A_510 : i32
      %get3A_512 = arith.index_cast %add3A_511 : i32 to index
      %get3A_513 = arith.constant 96 : index
      %get3A_514 = tpu.vector_load %arg7[%get3A_512, %get3A_513] {strides = array<i32>} : memref<512x128xf32, #tpu.memory_space<vmem>>, vector<1x16xf32>,
      %get3A_515 = vector.shape_cast %get3A_514 : vector<1x16xf32> to vector<16xf32>
      %sub3A_516 = arith.subf %get3A_507, %get3A_515 : vector<16xf32>
      %mul3A_517 = arith.mulf %sub3A_516, %sub3A_516 : vector<16xf32>
      %add3A_518 = arith.addf %scan3A_376, %mul3A_517 : vector<16xf32>
      %add3A_519 = arith.constant 0 : i32
      %add3A_520 = arith.addi %mul3A_387, %add3A_519 : i32
      %get3A_521 = arith.constant 0 : i32
      %get3A_522 = arith.index_cast %get3A_521 : i32 to index
      %get3A_523 = arith.index_cast %add3A_520 : i32 to index
      %get3A_524 = arith.constant 112 : index
      %get3A_525 = tpu.vector_load %arg8[%get3A_522, %get3A_523, %get3A_524] {strides = array<i32>} : memref<3x128x128xf32, #tpu.memory_space<vmem>>, vector<1x1x16xf32>,
      %get3A_526 = vector.shape_cast %get3A_525 : vector<1x1x16xf32> to vector<16xf32>
      %add3A_527 = arith.constant 0 : i32
      %add3A_528 = arith.addi %add3A_527, %mul3A_387 : i32
      %add3A_529 = arith.constant 0 : i32
      %add3A_530 = arith.addi %add3A_528, %add3A_529 : i32
      %get3A_531 = arith.index_cast %add3A_530 : i32 to index
      %get3A_532 = arith.constant 112 : index
      %get3A_533 = tpu.vector_load %arg7[%get3A_531, %get3A_532] {strides = array<i32>} : memref<512x128xf32, #tpu.memory_space<vmem>>, vector<1x16xf32>,
      %get3A_534 = vector.shape_cast %get3A_533 : vector<1x16xf32> to vector<16xf32>
      %sub3A_535 = arith.subf %get3A_526, %get3A_534 : vector<16xf32>
      %mul3A_536 = arith.mulf %sub3A_535, %sub3A_535 : vector<16xf32>
      %add3A_537 = arith.addf %scan3A_377, %mul3A_536 : vector<16xf32>
      %add3A_538 = arith.constant 1 : i32
      %add3A_539 = arith.addi %mul3A_387, %add3A_538 : i32
      %get3A_540 = arith.constant 0 : i32
      %get3A_541 = arith.index_cast %get3A_540 : i32 to index
      %get3A_542 = arith.index_cast %add3A_539 : i32 to index
      %get3A_543 = arith.constant 0 : index
      %get3A_544 = tpu.vector_load %arg8[%get3A_541, %get3A_542, %get3A_543] {strides = array<i32>} : memref<3x128x128xf32, #tpu.memory_space<vmem>>, vector<1x1x16xf32>,
      %get3A_545 = vector.shape_cast %get3A_544 : vector<1x1x16xf32> to vector<16xf32>
      %add3A_546 = arith.constant 0 : i32
      %add3A_547 = arith.addi %add3A_546, %mul3A_387 : i32
      %add3A_548 = arith.constant 1 : i32
      %add3A_549 = arith.addi %add3A_547, %add3A_548 : i32
      %get3A_550 = arith.index_cast %add3A_549 : i32 to index
      %get3A_551 = arith.constant 0 : index
      %get3A_552 = tpu.vector_load %arg7[%get3A_550, %get3A_551] {strides = array<i32>} : memref<512x128xf32, #tpu.memory_space<vmem>>, vector<1x16xf32>,
      %get3A_553 = vector.shape_cast %get3A_552 : vector<1x16xf32> to vector<16xf32>
      %sub3A_554 = arith.subf %get3A_545, %get3A_553 : vector<16xf32>
      %mul3A_555 = arith.mulf %sub3A_554, %sub3A_554 : vector<16xf32>
      %add3A_556 = arith.addf %scan3A_378, %mul3A_555 : vector<16xf32>
      %add3A_557 = arith.constant 1 : i32
      %add3A_558 = arith.addi %mul3A_387, %add3A_557 : i32
      %get3A_559 = arith.constant 0 : i32
      %get3A_560 = arith.index_cast %get3A_559 : i32 to index
      %get3A_561 = arith.index_cast %add3A_558 : i32 to index
      %get3A_562 = arith.constant 16 : index
      %get3A_563 = tpu.vector_load %arg8[%get3A_560, %get3A_561, %get3A_562] {strides = array<i32>} : memref<3x128x128xf32, #tpu.memory_space<vmem>>, vector<1x1x16xf32>,
      %get3A_564 = vector.shape_cast %get3A_563 : vector<1x1x16xf32> to vector<16xf32>
      %add3A_565 = arith.constant 0 : i32
      %add3A_566 = arith.addi %add3A_565, %mul3A_387 : i32
      %add3A_567 = arith.constant 1 : i32
      %add3A_568 = arith.addi %add3A_566, %add3A_567 : i32
      %get3A_569 = arith.index_cast %add3A_568 : i32 to index
      %get3A_570 = arith.constant 16 : index
      %get3A_571 = tpu.vector_load %arg7[%get3A_569, %get3A_570] {strides = array<i32>} : memref<512x128xf32, #tpu.memory_space<vmem>>, vector<1x16xf32>,
      %get3A_572 = vector.shape_cast %get3A_571 : vector<1x16xf32> to vector<16xf32>
      %sub3A_573 = arith.subf %get3A_564, %get3A_572 : vector<16xf32>
      %mul3A_574 = arith.mulf %sub3A_573, %sub3A_573 : vector<16xf32>
      %add3A_575 = arith.addf %scan3A_379, %mul3A_574 : vector<16xf32>
      %add3A_576 = arith.constant 1 : i32
      %add3A_577 = arith.addi %mul3A_387, %add3A_576 : i32
      %get3A_578 = arith.constant 0 : i32
      %get3A_579 = arith.index_cast %get3A_578 : i32 to index
      %get3A_580 = arith.index_cast %add3A_577 : i32 to index
      %get3A_581 = arith.constant 32 : index
      %get3A_582 = tpu.vector_load %arg8[%get3A_579, %get3A_580, %get3A_581] {strides = array<i32>} : memref<3x128x128xf32, #tpu.memory_space<vmem>>, vector<1x1x16xf32>,
      %get3A_583 = vector.shape_cast %get3A_582 : vector<1x1x16xf32> to vector<16xf32>
      %add3A_584 = arith.constant 0 : i32
      %add3A_585 = arith.addi %add3A_584, %mul3A_387 : i32
      %add3A_586 = arith.constant 1 : i32
      %add3A_587 = arith.addi %add3A_585, %add3A_586 : i32
      %get3A_588 = arith.index_cast %add3A_587 : i32 to index
      %get3A_589 = arith.constant 32 : index
      %get3A_590 = tpu.vector_load %arg7[%get3A_588, %get3A_589] {strides = array<i32>} : memref<512x128xf32, #tpu.memory_space<vmem>>, vector<1x16xf32>,
      %get3A_591 = vector.shape_cast %get3A_590 : vector<1x16xf32> to vector<16xf32>
      %sub3A_592 = arith.subf %get3A_583, %get3A_591 : vector<16xf32>
      %mul3A_593 = arith.mulf %sub3A_592, %sub3A_592 : vector<16xf32>
      %add3A_594 = arith.addf %scan3A_380, %mul3A_593 : vector<16xf32>
      %add3A_595 = arith.constant 1 : i32
      %add3A_596 = arith.addi %mul3A_387, %add3A_595 : i32
      %get3A_597 = arith.constant 0 : i32
      %get3A_598 = arith.index_cast %get3A_597 : i32 to index
      %get3A_599 = arith.index_cast %add3A_596 : i32 to index
      %get3A_600 = arith.constant 48 : index
      %get3A_601 = tpu.vector_load %arg8[%get3A_598, %get3A_599, %get3A_600] {strides = array<i32>} : memref<3x128x128xf32, #tpu.memory_space<vmem>>, vector<1x1x16xf32>,
      %get3A_602 = vector.shape_cast %get3A_601 : vector<1x1x16xf32> to vector<16xf32>
      %add3A_603 = arith.constant 0 : i32
      %add3A_604 = arith.addi %add3A_603, %mul3A_387 : i32
      %add3A_605 = arith.constant 1 : i32
      %add3A_606 = arith.addi %add3A_604, %add3A_605 : i32
      %get3A_607 = arith.index_cast %add3A_606 : i32 to index
      %get3A_608 = arith.constant 48 : index
      %get3A_609 = tpu.vector_load %arg7[%get3A_607, %get3A_608] {strides = array<i32>} : memref<512x128xf32, #tpu.memory_space<vmem>>, vector<1x16xf32>,
      %get3A_610 = vector.shape_cast %get3A_609 : vector<1x16xf32> to vector<16xf32>
      %sub3A_611 = arith.subf %get3A_602, %get3A_610 : vector<16xf32>
      %mul3A_612 = arith.mulf %sub3A_611, %sub3A_611 : vector<16xf32>
      %add3A_613 = arith.addf %scan3A_381, %mul3A_612 : vector<16xf32>
      %add3A_614 = arith.constant 1 : i32
      %add3A_615 = arith.addi %mul3A_387, %add3A_614 : i32
      %get3A_616 = arith.constant 0 : i32
      %get3A_617 = arith.index_cast %get3A_616 : i32 to index
      %get3A_618 = arith.index_cast %add3A_615 : i32 to index
      %get3A_619 = arith.constant 64 : index
      %get3A_620 = tpu.vector_load %arg8[%get3A_617, %get3A_618, %get3A_619] {strides = array<i32>} : memref<3x128x128xf32, #tpu.memory_space<vmem>>, vector<1x1x16xf32>,
      %get3A_621 = vector.shape_cast %get3A_620 : vector<1x1x16xf32> to vector<16xf32>
      %add3A_622 = arith.constant 0 : i32
      %add3A_623 = arith.addi %add3A_622, %mul3A_387 : i32
      %add3A_624 = arith.constant 1 : i32
      %add3A_625 = arith.addi %add3A_623, %add3A_624 : i32
      %get3A_626 = arith.index_cast %add3A_625 : i32 to index
      %get3A_627 = arith.constant 64 : index
      %get3A_628 = tpu.vector_load %arg7[%get3A_626, %get3A_627] {strides = array<i32>} : memref<512x128xf32, #tpu.memory_space<vmem>>, vector<1x16xf32>,
      %get3A_629 = vector.shape_cast %get3A_628 : vector<1x16xf32> to vector<16xf32>
      %sub3A_630 = arith.subf %get3A_621, %get3A_629 : vector<16xf32>
      %mul3A_631 = arith.mulf %sub3A_630, %sub3A_630 : vector<16xf32>
      %add3A_632 = arith.addf %scan3A_382, %mul3A_631 : vector<16xf32>
      %add3A_633 = arith.constant 1 : i32
      %add3A_634 = arith.addi %mul3A_387, %add3A_633 : i32
      %get3A_635 = arith.constant 0 : i32
      %get3A_636 = arith.index_cast %get3A_635 : i32 to index
      %get3A_637 = arith.index_cast %add3A_634 : i32 to index
      %get3A_638 = arith.constant 80 : index
      %get3A_639 = tpu.vector_load %arg8[%get3A_636, %get3A_637, %get3A_638] {strides = array<i32>} : memref<3x128x128xf32, #tpu.memory_space<vmem>>, vector<1x1x16xf32>,
      %get3A_640 = vector.shape_cast %get3A_639 : vector<1x1x16xf32> to vector<16xf32>
      %add3A_641 = arith.constant 0 : i32
      %add3A_642 = arith.addi %add3A_641, %mul3A_387 : i32
      %add3A_643 = arith.constant 1 : i32
      %add3A_644 = arith.addi %add3A_642, %add3A_643 : i32
      %get3A_645 = arith.index_cast %add3A_644 : i32 to index
      %get3A_646 = arith.constant 80 : index
      %get3A_647 = tpu.vector_load %arg7[%get3A_645, %get3A_646] {strides = array<i32>} : memref<512x128xf32, #tpu.memory_space<vmem>>, vector<1x16xf32>,
      %get3A_648 = vector.shape_cast %get3A_647 : vector<1x16xf32> to vector<16xf32>
      %sub3A_649 = arith.subf %get3A_640, %get3A_648 : vector<16xf32>
      %mul3A_650 = arith.mulf %sub3A_649, %sub3A_649 : vector<16xf32>
      %add3A_651 = arith.addf %scan3A_383, %mul3A_650 : vector<16xf32>
      %add3A_652 = arith.constant 1 : i32
      %add3A_653 = arith.addi %mul3A_387, %add3A_652 : i32
      %get3A_654 = arith.constant 0 : i32
      %get3A_655 = arith.index_cast %get3A_654 : i32 to index
      %get3A_656 = arith.index_cast %add3A_653 : i32 to index
      %get3A_657 = arith.constant 96 : index
      %get3A_658 = tpu.vector_load %arg8[%get3A_655, %get3A_656, %get3A_657] {strides = array<i32>} : memref<3x128x128xf32, #tpu.memory_space<vmem>>, vector<1x1x16xf32>,
      %get3A_659 = vector.shape_cast %get3A_658 : vector<1x1x16xf32> to vector<16xf32>
      %add3A_660 = arith.constant 0 : i32
      %add3A_661 = arith.addi %add3A_660, %mul3A_387 : i32
      %add3A_662 = arith.constant 1 : i32
      %add3A_663 = arith.addi %add3A_661, %add3A_662 : i32
      %get3A_664 = arith.index_cast %add3A_663 : i32 to index
      %get3A_665 = arith.constant 96 : index
      %get3A_666 = tpu.vector_load %arg7[%get3A_664, %get3A_665] {strides = array<i32>} : memref<512x128xf32, #tpu.memory_space<vmem>>, vector<1x16xf32>,
      %get3A_667 = vector.shape_cast %get3A_666 : vector<1x16xf32> to vector<16xf32>
      %sub3A_668 = arith.subf %get3A_659, %get3A_667 : vector<16xf32>
      %mul3A_669 = arith.mulf %sub3A_668, %sub3A_668 : vector<16xf32>
      %add3A_670 = arith.addf %scan3A_384, %mul3A_669 : vector<16xf32>
      %add3A_671 = arith.constant 1 : i32
      %add3A_672 = arith.addi %mul3A_387, %add3A_671 : i32
      %get3A_673 = arith.constant 0 : i32
      %get3A_674 = arith.index_cast %get3A_673 : i32 to index
      %get3A_675 = arith.index_cast %add3A_672 : i32 to index
      %get3A_676 = arith.constant 112 : index
      %get3A_677 = tpu.vector_load %arg8[%get3A_674, %get3A_675, %get3A_676] {strides = array<i32>} : memref<3x128x128xf32, #tpu.memory_space<vmem>>, vector<1x1x16xf32>,
      %get3A_678 = vector.shape_cast %get3A_677 : vector<1x1x16xf32> to vector<16xf32>
      %add3A_679 = arith.constant 0 : i32
      %add3A_680 = arith.addi %add3A_679, %mul3A_387 : i32
      %add3A_681 = arith.constant 1 : i32
      %add3A_682 = arith.addi %add3A_680, %add3A_681 : i32
      %get3A_683 = arith.index_cast %add3A_682 : i32 to index
      %get3A_684 = arith.constant 112 : index
      %get3A_685 = tpu.vector_load %arg7[%get3A_683, %get3A_684] {strides = array<i32>} : memref<512x128xf32, #tpu.memory_space<vmem>>, vector<1x16xf32>,
      %get3A_686 = vector.shape_cast %get3A_685 : vector<1x16xf32> to vector<16xf32>
      %sub3A_687 = arith.subf %get3A_678, %get3A_686 : vector<16xf32>
      %mul3A_688 = arith.mulf %sub3A_687, %sub3A_687 : vector<16xf32>
      %add3A_689 = arith.addf %scan3A_385, %mul3A_688 : vector<16xf32>
      scf.yield %add3A_404, %add3A_423, %add3A_442, %add3A_461, %add3A_480, %add3A_499, %add3A_518, %add3A_537, %add3A_556, %add3A_575, %add3A_594, %add3A_613, %add3A_632, %add3A_651, %add3A_670, %add3A_689 : vector<16xf32>, vector<16xf32>, vector<16xf32>, vector<16xf32>, vector<16xf32>, vector<16xf32>, vector<16xf32>, vector<16xf32>, vector<16xf32>, vector<16xf32>, vector<16xf32>, vector<16xf32>, vector<16xf32>, vector<16xf32>, vector<16xf32>, vector<16xf32>
    }
    %scan3A_184 = arith.constant 32 : i32
    %add3A_185 = arith.constant 256 : i32
    %add3A_186 = arith.addi %mul3A_2, %add3A_185 : i32
    %dma_start3A_187 = arith.constant 0 : i32
    %dma_start3A_188 = arith.constant 0 : i32
    %dma_start3A_189 = arith.constant 0 : i32
    %dma_start3A_190 = tpu.memref_slice %arg8[%dma_start3A_187, %dma_start3A_188, %dma_start3A_189] : memref<3x128x128xf32, #tpu.memory_space<vmem>> -> memref<1x128x128xf32, #tpu.memory_space<vmem>>
    %dma_start3A_191 = tpu.memref_squeeze %dma_start3A_190 : memref<1x128x128xf32, #tpu.memory_space<vmem>> -> memref<128x128xf32, #tpu.memory_space<vmem>>
    %dma_start3A_192 = arith.constant 0 : i32
    %dma_start3A_193 = tpu.memref_slice %arg3[%add3A_186, %dma_start3A_192] : memref<16384x128xf32, #tpu.memory_space<hbm>> -> memref<128x128xf32, #tpu.memory_space<hbm>>
    %dma_start3A_194 = arith.constant 0 : i32
    %dma_start3A_195 = arith.constant 0 : i32
    %dma_start3A_196 = tpu.memref_slice %arg8[%dma_start3A_187, %dma_start3A_194, %dma_start3A_195] : memref<3x128x128xf32, #tpu.memory_space<vmem>> -> memref<1x128x128xf32, #tpu.memory_space<vmem>>
    %dma_start3A_197 = tpu.memref_squeeze %dma_start3A_196 : memref<1x128x128xf32, #tpu.memory_space<vmem>> -> memref<128x128xf32, #tpu.memory_space<vmem>>
    %dma_start3A_198 = arith.constant 0 : i32
    %dma_start3A_199 = tpu.memref_slice %arg3[%add3A_186, %dma_start3A_198] : memref<16384x128xf32, #tpu.memory_space<hbm>> -> memref<128x128xf32, #tpu.memory_space<hbm>>
    tpu.enqueue_dma source(%dma_start3A_199 : memref<128x128xf32, #tpu.memory_space<hbm>>) target(%dma_start3A_197 : memref<128x128xf32, #tpu.memory_space<vmem>>) target_semaphore(%arg11 : memref<!tpu.dma_semaphore, #tpu.memory_space<semaphore_mem>>)
    %dma_wait3A_200 = arith.constant 256 : i32
    %dma_wait3A_201 = tpu.memref_slice %arg6[%dma_wait3A_200] : memref<512xi32, #tpu.memory_space<vmem>> -> memref<128xi32, #tpu.memory_space<vmem>>
    %dma_wait3A_202 = tpu.memref_slice %arg2[%add3A_27] : memref<16384xi32, #tpu.memory_space<hbm>> -> memref<128xi32, #tpu.memory_space<hbm>>
    %dma_wait3A_203 = arith.constant 256 : i32
    %dma_wait3A_204 = tpu.memref_slice %arg6[%dma_wait3A_203] : memref<512xi32, #tpu.memory_space<vmem>> -> memref<128xi32, #tpu.memory_space<vmem>>
    %dma_wait3A_205 = tpu.memref_slice %arg2[%add3A_27] : memref<16384xi32, #tpu.memory_space<hbm>> -> memref<128xi32, #tpu.memory_space<hbm>>
    tpu.wait_dma2 semaphore(%arg12 : memref<!tpu.dma_semaphore, #tpu.memory_space<semaphore_mem>>) src(%dma_wait3A_205 : memref<128xi32, #tpu.memory_space<hbm>>) dst(%dma_wait3A_204 : memref<128xi32, #tpu.memory_space<vmem>>)
    %dma_start3A_206 = arith.constant 256 : i32
    %dma_start3A_207 = arith.constant 0 : i32
    %dma_start3A_208 = tpu.memref_slice %arg7[%dma_start3A_206, %dma_start3A_207] : memref<512x128xf32, #tpu.memory_space<vmem>> -> memref<128x128xf32, #tpu.memory_space<vmem>>
    %dma_start3A_209 = arith.constant 256 : i32
    %dma_start3A_210 = tpu.memref_slice %arg6[%dma_start3A_209] : memref<512xi32, #tpu.memory_space<vmem>> -> memref<128xi32, #tpu.memory_space<vmem>>
    %dma_start3A_211 = arith.constant 0 : i32
    %dma_start3A_212 = arith.constant 0 : i32
    %dma_start3A_213 = tpu.memref_slice %arg4[%dma_start3A_211, %dma_start3A_212] : memref<100000x128xf32, #tpu.memory_space<hbm>> -> memref<100000x128xf32, #tpu.memory_space<hbm>>
    tpu.enqueue_indirect_dma source(%dma_start3A_213 : memref<100000x128xf32, #tpu.memory_space<hbm>>) target(%dma_start3A_208 : memref<128x128xf32, #tpu.memory_space<vmem>>) offsets(%dma_start3A_210 : memref<128xi32, #tpu.memory_space<vmem>>) semaphore(%arg10 : memref<!tpu.dma_semaphore, #tpu.memory_space<semaphore_mem>>)
    %dma_wait3A_214 = arith.constant 64 : i32
    %dma_wait3A_215 = arith.constant 0 : i32
    %dma_wait3A_216 = tpu.memref_slice %arg7[%dma_wait3A_214, %dma_wait3A_215] : memref<512x128xf32, #tpu.memory_space<vmem>> -> memref<64x128xf32, #tpu.memory_space<vmem>>
    %dma_wait3A_217 = arith.constant 64 : i32
    %dma_wait3A_218 = tpu.memref_slice %arg6[%dma_wait3A_217] : memref<512xi32, #tpu.memory_space<vmem>> -> memref<64xi32, #tpu.memory_space<vmem>>
    %dma_wait3A_219 = arith.constant 0 : i32
    %dma_wait3A_220 = arith.constant 0 : i32
    %dma_wait3A_221 = tpu.memref_slice %arg4[%dma_wait3A_219, %dma_wait3A_220] : memref<100000x128xf32, #tpu.memory_space<hbm>> -> memref<100000x128xf32, #tpu.memory_space<hbm>>
    tpu.wait_indirect_dma semaphore(%arg10 : memref<!tpu.dma_semaphore, #tpu.memory_space<semaphore_mem>>) src(%dma_wait3A_221 : memref<100000x128xf32, #tpu.memory_space<hbm>>) dst(%dma_wait3A_216 : memref<64x128xf32, #tpu.memory_space<vmem>>)
    %dma_wait3A_222 = arith.constant 1 : i32
    %dma_wait3A_223 = arith.constant 0 : i32
    %dma_wait3A_224 = arith.constant 0 : i32
    %dma_wait3A_225 = tpu.memref_slice %arg8[%dma_wait3A_222, %dma_wait3A_223, %dma_wait3A_224] : memref<3x128x128xf32, #tpu.memory_space<vmem>> -> memref<1x64x128xf32, #tpu.memory_space<vmem>>
    %dma_wait3A_226 = tpu.memref_squeeze %dma_wait3A_225 : memref<1x64x128xf32, #tpu.memory_space<vmem>> -> memref<64x128xf32, #tpu.memory_space<vmem>>
    %dma_wait3A_227 = arith.constant 0 : i32
    %dma_wait3A_228 = tpu.memref_slice %arg3[%add3A_58, %dma_wait3A_227] : memref<16384x128xf32, #tpu.memory_space<hbm>> -> memref<64x128xf32, #tpu.memory_space<hbm>>
    %dma_wait3A_229 = arith.constant 0 : i32
    %dma_wait3A_230 = arith.constant 0 : i32
    %dma_wait3A_231 = tpu.memref_slice %arg8[%dma_wait3A_222, %dma_wait3A_229, %dma_wait3A_230] : memref<3x128x128xf32, #tpu.memory_space<vmem>> -> memref<1x64x128xf32, #tpu.memory_space<vmem>>
    %dma_wait3A_232 = tpu.memref_squeeze %dma_wait3A_231 : memref<1x64x128xf32, #tpu.memory_space<vmem>> -> memref<64x128xf32, #tpu.memory_space<vmem>>
    %dma_wait3A_233 = arith.constant 0 : i32
    %dma_wait3A_234 = tpu.memref_slice %arg3[%add3A_58, %dma_wait3A_233] : memref<16384x128xf32, #tpu.memory_space<hbm>> -> memref<64x128xf32, #tpu.memory_space<hbm>>
    tpu.wait_dma2 semaphore(%arg11 : memref<!tpu.dma_semaphore, #tpu.memory_space<semaphore_mem>>) src(%dma_wait3A_234 : memref<64x128xf32, #tpu.memory_space<hbm>>) dst(%dma_wait3A_232 : memref<64x128xf32, #tpu.memory_space<vmem>>)
    %scan3A_235 = arith.constant 0 : i32
    %scan3A_236 = arith.constant 32 : i32
    %scan3A_237 = arith.addi %scan3A_235, %scan3A_236 : i32
    %scan3A_238 = arith.constant 1 : i32
    %scan3A_239:16 = scf.for %scan3A_369 = %scan3A_235 to %scan3A_237 step %scan3A_238 iter_args(%scan3A_370 = %scan3A_183#0, %scan3A_371 = %scan3A_183#1, %scan3A_372 = %scan3A_183#2, %scan3A_373 = %scan3A_183#3, %scan3A_374 = %scan3A_183#4, %scan3A_375 = %scan3A_183#5, %scan3A_376 = %scan3A_183#6, %scan3A_377 = %scan3A_183#7, %scan3A_378 = %scan3A_183#8, %scan3A_379 = %scan3A_183#9, %scan3A_380 = %scan3A_183#10, %scan3A_381 = %scan3A_183#11, %scan3A_382 = %scan3A_183#12, %scan3A_383 = %scan3A_183#13, %scan3A_384 = %scan3A_183#14, %scan3A_385 = %scan3A_183#15) -> (vector<16xf32>, vector<16xf32>, vector<16xf32>, vector<16xf32>, vector<16xf32>, vector<16xf32>, vector<16xf32>, vector<16xf32>, vector<16xf32>, vector<16xf32>, vector<16xf32>, vector<16xf32>, vector<16xf32>, vector<16xf32>, vector<16xf32>, vector<16xf32>)  : i32 {
      %mul3A_386 = arith.constant 2 : i32
      %mul3A_387 = arith.muli %scan3A_369, %mul3A_386 : i32
      %add3A_388 = arith.constant 0 : i32
      %add3A_389 = arith.addi %mul3A_387, %add3A_388 : i32
      %get3A = arith.constant 1 : i32
      %get3A_390 = arith.index_cast %get3A : i32 to index
      %get3A_391 = arith.index_cast %add3A_389 : i32 to index
      %get3A_392 = arith.constant 0 : index
      %get3A_393 = tpu.vector_load %arg8[%get3A_390, %get3A_391, %get3A_392] {strides = array<i32>} : memref<3x128x128xf32, #tpu.memory_space<vmem>>, vector<1x1x16xf32>,
      %get3A_394 = vector.shape_cast %get3A_393 : vector<1x1x16xf32> to vector<16xf32>
      %add3A_395 = arith.constant 64 : i32
      %add3A_396 = arith.addi %add3A_395, %mul3A_387 : i32
      %add3A_397 = arith.constant 0 : i32
      %add3A_398 = arith.addi %add3A_396, %add3A_397 : i32
      %get3A_399 = arith.index_cast %add3A_398 : i32 to index
      %get3A_400 = arith.constant 0 : index
      %get3A_401 = tpu.vector_load %arg7[%get3A_399, %get3A_400] {strides = array<i32>} : memref<512x128xf32, #tpu.memory_space<vmem>>, vector<1x16xf32>,
      %get3A_402 = vector.shape_cast %get3A_401 : vector<1x16xf32> to vector<16xf32>
      %sub3A = arith.subf %get3A_394, %get3A_402 : vector<16xf32>
      %mul3A_403 = arith.mulf %sub3A, %sub3A : vector<16xf32>
      %add3A_404 = arith.addf %scan3A_370, %mul3A_403 : vector<16xf32>
      %add3A_405 = arith.constant 0 : i32
      %add3A_406 = arith.addi %mul3A_387, %add3A_405 : i32
      %get3A_407 = arith.constant 1 : i32
      %get3A_408 = arith.index_cast %get3A_407 : i32 to index
      %get3A_409 = arith.index_cast %add3A_406 : i32 to index
      %get3A_410 = arith.constant 16 : index
      %get3A_411 = tpu.vector_load %arg8[%get3A_408, %get3A_409, %get3A_410] {strides = array<i32>} : memref<3x128x128xf32, #tpu.memory_space<vmem>>, vector<1x1x16xf32>,
      %get3A_412 = vector.shape_cast %get3A_411 : vector<1x1x16xf32> to vector<16xf32>
      %add3A_413 = arith.constant 64 : i32
      %add3A_414 = arith.addi %add3A_413, %mul3A_387 : i32
      %add3A_415 = arith.constant 0 : i32
      %add3A_416 = arith.addi %add3A_414, %add3A_415 : i32
      %get3A_417 = arith.index_cast %add3A_416 : i32 to index
      %get3A_418 = arith.constant 16 : index
      %get3A_419 = tpu.vector_load %arg7[%get3A_417, %get3A_418] {strides = array<i32>} : memref<512x128xf32, #tpu.memory_space<vmem>>, vector<1x16xf32>,
      %get3A_420 = vector.shape_cast %get3A_419 : vector<1x16xf32> to vector<16xf32>
      %sub3A_421 = arith.subf %get3A_412, %get3A_420 : vector<16xf32>
      %mul3A_422 = arith.mulf %sub3A_421, %sub3A_421 : vector<16xf32>
      %add3A_423 = arith.addf %scan3A_371, %mul3A_422 : vector<16xf32>
      %add3A_424 = arith.constant 0 : i32
      %add3A_425 = arith.addi %mul3A_387, %add3A_424 : i32
      %get3A_426 = arith.constant 1 : i32
      %get3A_427 = arith.index_cast %get3A_426 : i32 to index
      %get3A_428 = arith.index_cast %add3A_425 : i32 to index
      %get3A_429 = arith.constant 32 : index
      %get3A_430 = tpu.vector_load %arg8[%get3A_427, %get3A_428, %get3A_429] {strides = array<i32>} : memref<3x128x128xf32, #tpu.memory_space<vmem>>, vector<1x1x16xf32>,
      %get3A_431 = vector.shape_cast %get3A_430 : vector<1x1x16xf32> to vector<16xf32>
      %add3A_432 = arith.constant 64 : i32
      %add3A_433 = arith.addi %add3A_432, %mul3A_387 : i32
      %add3A_434 = arith.constant 0 : i32
      %add3A_435 = arith.addi %add3A_433, %add3A_434 : i32
      %get3A_436 = arith.index_cast %add3A_435 : i32 to index
      %get3A_437 = arith.constant 32 : index
      %get3A_438 = tpu.vector_load %arg7[%get3A_436, %get3A_437] {strides = array<i32>} : memref<512x128xf32, #tpu.memory_space<vmem>>, vector<1x16xf32>,
      %get3A_439 = vector.shape_cast %get3A_438 : vector<1x16xf32> to vector<16xf32>
      %sub3A_440 = arith.subf %get3A_431, %get3A_439 : vector<16xf32>
      %mul3A_441 = arith.mulf %sub3A_440, %sub3A_440 : vector<16xf32>
      %add3A_442 = arith.addf %scan3A_372, %mul3A_441 : vector<16xf32>
      %add3A_443 = arith.constant 0 : i32
      %add3A_444 = arith.addi %mul3A_387, %add3A_443 : i32
      %get3A_445 = arith.constant 1 : i32
      %get3A_446 = arith.index_cast %get3A_445 : i32 to index
      %get3A_447 = arith.index_cast %add3A_444 : i32 to index
      %get3A_448 = arith.constant 48 : index
      %get3A_449 = tpu.vector_load %arg8[%get3A_446, %get3A_447, %get3A_448] {strides = array<i32>} : memref<3x128x128xf32, #tpu.memory_space<vmem>>, vector<1x1x16xf32>,
      %get3A_450 = vector.shape_cast %get3A_449 : vector<1x1x16xf32> to vector<16xf32>
      %add3A_451 = arith.constant 64 : i32
      %add3A_452 = arith.addi %add3A_451, %mul3A_387 : i32
      %add3A_453 = arith.constant 0 : i32
      %add3A_454 = arith.addi %add3A_452, %add3A_453 : i32
      %get3A_455 = arith.index_cast %add3A_454 : i32 to index
      %get3A_456 = arith.constant 48 : index
      %get3A_457 = tpu.vector_load %arg7[%get3A_455, %get3A_456] {strides = array<i32>} : memref<512x128xf32, #tpu.memory_space<vmem>>, vector<1x16xf32>,
      %get3A_458 = vector.shape_cast %get3A_457 : vector<1x16xf32> to vector<16xf32>
      %sub3A_459 = arith.subf %get3A_450, %get3A_458 : vector<16xf32>
      %mul3A_460 = arith.mulf %sub3A_459, %sub3A_459 : vector<16xf32>
      %add3A_461 = arith.addf %scan3A_373, %mul3A_460 : vector<16xf32>
      %add3A_462 = arith.constant 0 : i32
      %add3A_463 = arith.addi %mul3A_387, %add3A_462 : i32
      %get3A_464 = arith.constant 1 : i32
      %get3A_465 = arith.index_cast %get3A_464 : i32 to index
      %get3A_466 = arith.index_cast %add3A_463 : i32 to index
      %get3A_467 = arith.constant 64 : index
      %get3A_468 = tpu.vector_load %arg8[%get3A_465, %get3A_466, %get3A_467] {strides = array<i32>} : memref<3x128x128xf32, #tpu.memory_space<vmem>>, vector<1x1x16xf32>,
      %get3A_469 = vector.shape_cast %get3A_468 : vector<1x1x16xf32> to vector<16xf32>
      %add3A_470 = arith.constant 64 : i32
      %add3A_471 = arith.addi %add3A_470, %mul3A_387 : i32
      %add3A_472 = arith.constant 0 : i32
      %add3A_473 = arith.addi %add3A_471, %add3A_472 : i32
      %get3A_474 = arith.index_cast %add3A_473 : i32 to index
      %get3A_475 = arith.constant 64 : index
      %get3A_476 = tpu.vector_load %arg7[%get3A_474, %get3A_475] {strides = array<i32>} : memref<512x128xf32, #tpu.memory_space<vmem>>, vector<1x16xf32>,
      %get3A_477 = vector.shape_cast %get3A_476 : vector<1x16xf32> to vector<16xf32>
      %sub3A_478 = arith.subf %get3A_469, %get3A_477 : vector<16xf32>
      %mul3A_479 = arith.mulf %sub3A_478, %sub3A_478 : vector<16xf32>
      %add3A_480 = arith.addf %scan3A_374, %mul3A_479 : vector<16xf32>
      %add3A_481 = arith.constant 0 : i32
      %add3A_482 = arith.addi %mul3A_387, %add3A_481 : i32
      %get3A_483 = arith.constant 1 : i32
      %get3A_484 = arith.index_cast %get3A_483 : i32 to index
      %get3A_485 = arith.index_cast %add3A_482 : i32 to index
      %get3A_486 = arith.constant 80 : index
      %get3A_487 = tpu.vector_load %arg8[%get3A_484, %get3A_485, %get3A_486] {strides = array<i32>} : memref<3x128x128xf32, #tpu.memory_space<vmem>>, vector<1x1x16xf32>,
      %get3A_488 = vector.shape_cast %get3A_487 : vector<1x1x16xf32> to vector<16xf32>
      %add3A_489 = arith.constant 64 : i32
      %add3A_490 = arith.addi %add3A_489, %mul3A_387 : i32
      %add3A_491 = arith.constant 0 : i32
      %add3A_492 = arith.addi %add3A_490, %add3A_491 : i32
      %get3A_493 = arith.index_cast %add3A_492 : i32 to index
      %get3A_494 = arith.constant 80 : index
      %get3A_495 = tpu.vector_load %arg7[%get3A_493, %get3A_494] {strides = array<i32>} : memref<512x128xf32, #tpu.memory_space<vmem>>, vector<1x16xf32>,
      %get3A_496 = vector.shape_cast %get3A_495 : vector<1x16xf32> to vector<16xf32>
      %sub3A_497 = arith.subf %get3A_488, %get3A_496 : vector<16xf32>
      %mul3A_498 = arith.mulf %sub3A_497, %sub3A_497 : vector<16xf32>
      %add3A_499 = arith.addf %scan3A_375, %mul3A_498 : vector<16xf32>
      %add3A_500 = arith.constant 0 : i32
      %add3A_501 = arith.addi %mul3A_387, %add3A_500 : i32
      %get3A_502 = arith.constant 1 : i32
      %get3A_503 = arith.index_cast %get3A_502 : i32 to index
      %get3A_504 = arith.index_cast %add3A_501 : i32 to index
      %get3A_505 = arith.constant 96 : index
      %get3A_506 = tpu.vector_load %arg8[%get3A_503, %get3A_504, %get3A_505] {strides = array<i32>} : memref<3x128x128xf32, #tpu.memory_space<vmem>>, vector<1x1x16xf32>,
      %get3A_507 = vector.shape_cast %get3A_506 : vector<1x1x16xf32> to vector<16xf32>
      %add3A_508 = arith.constant 64 : i32
      %add3A_509 = arith.addi %add3A_508, %mul3A_387 : i32
      %add3A_510 = arith.constant 0 : i32
      %add3A_511 = arith.addi %add3A_509, %add3A_510 : i32
      %get3A_512 = arith.index_cast %add3A_511 : i32 to index
      %get3A_513 = arith.constant 96 : index
      %get3A_514 = tpu.vector_load %arg7[%get3A_512, %get3A_513] {strides = array<i32>} : memref<512x128xf32, #tpu.memory_space<vmem>>, vector<1x16xf32>,
      %get3A_515 = vector.shape_cast %get3A_514 : vector<1x16xf32> to vector<16xf32>
      %sub3A_516 = arith.subf %get3A_507, %get3A_515 : vector<16xf32>
      %mul3A_517 = arith.mulf %sub3A_516, %sub3A_516 : vector<16xf32>
      %add3A_518 = arith.addf %scan3A_376, %mul3A_517 : vector<16xf32>
      %add3A_519 = arith.constant 0 : i32
      %add3A_520 = arith.addi %mul3A_387, %add3A_519 : i32
      %get3A_521 = arith.constant 1 : i32
      %get3A_522 = arith.index_cast %get3A_521 : i32 to index
      %get3A_523 = arith.index_cast %add3A_520 : i32 to index
      %get3A_524 = arith.constant 112 : index
      %get3A_525 = tpu.vector_load %arg8[%get3A_522, %get3A_523, %get3A_524] {strides = array<i32>} : memref<3x128x128xf32, #tpu.memory_space<vmem>>, vector<1x1x16xf32>,
      %get3A_526 = vector.shape_cast %get3A_525 : vector<1x1x16xf32> to vector<16xf32>
      %add3A_527 = arith.constant 64 : i32
      %add3A_528 = arith.addi %add3A_527, %mul3A_387 : i32
      %add3A_529 = arith.constant 0 : i32
      %add3A_530 = arith.addi %add3A_528, %add3A_529 : i32
      %get3A_531 = arith.index_cast %add3A_530 : i32 to index
      %get3A_532 = arith.constant 112 : index
      %get3A_533 = tpu.vector_load %arg7[%get3A_531, %get3A_532] {strides = array<i32>} : memref<512x128xf32, #tpu.memory_space<vmem>>, vector<1x16xf32>,
      %get3A_534 = vector.shape_cast %get3A_533 : vector<1x16xf32> to vector<16xf32>
      %sub3A_535 = arith.subf %get3A_526, %get3A_534 : vector<16xf32>
      %mul3A_536 = arith.mulf %sub3A_535, %sub3A_535 : vector<16xf32>
      %add3A_537 = arith.addf %scan3A_377, %mul3A_536 : vector<16xf32>
      %add3A_538 = arith.constant 1 : i32
      %add3A_539 = arith.addi %mul3A_387, %add3A_538 : i32
      %get3A_540 = arith.constant 1 : i32
      %get3A_541 = arith.index_cast %get3A_540 : i32 to index
      %get3A_542 = arith.index_cast %add3A_539 : i32 to index
      %get3A_543 = arith.constant 0 : index
      %get3A_544 = tpu.vector_load %arg8[%get3A_541, %get3A_542, %get3A_543] {strides = array<i32>} : memref<3x128x128xf32, #tpu.memory_space<vmem>>, vector<1x1x16xf32>,
      %get3A_545 = vector.shape_cast %get3A_544 : vector<1x1x16xf32> to vector<16xf32>
      %add3A_546 = arith.constant 64 : i32
      %add3A_547 = arith.addi %add3A_546, %mul3A_387 : i32
      %add3A_548 = arith.constant 1 : i32
      %add3A_549 = arith.addi %add3A_547, %add3A_548 : i32
      %get3A_550 = arith.index_cast %add3A_549 : i32 to index
      %get3A_551 = arith.constant 0 : index
      %get3A_552 = tpu.vector_load %arg7[%get3A_550, %get3A_551] {strides = array<i32>} : memref<512x128xf32, #tpu.memory_space<vmem>>, vector<1x16xf32>,
      %get3A_553 = vector.shape_cast %get3A_552 : vector<1x16xf32> to vector<16xf32>
      %sub3A_554 = arith.subf %get3A_545, %get3A_553 : vector<16xf32>
      %mul3A_555 = arith.mulf %sub3A_554, %sub3A_554 : vector<16xf32>
      %add3A_556 = arith.addf %scan3A_378, %mul3A_555 : vector<16xf32>
      %add3A_557 = arith.constant 1 : i32
      %add3A_558 = arith.addi %mul3A_387, %add3A_557 : i32
      %get3A_559 = arith.constant 1 : i32
      %get3A_560 = arith.index_cast %get3A_559 : i32 to index
      %get3A_561 = arith.index_cast %add3A_558 : i32 to index
      %get3A_562 = arith.constant 16 : index
      %get3A_563 = tpu.vector_load %arg8[%get3A_560, %get3A_561, %get3A_562] {strides = array<i32>} : memref<3x128x128xf32, #tpu.memory_space<vmem>>, vector<1x1x16xf32>,
      %get3A_564 = vector.shape_cast %get3A_563 : vector<1x1x16xf32> to vector<16xf32>
      %add3A_565 = arith.constant 64 : i32
      %add3A_566 = arith.addi %add3A_565, %mul3A_387 : i32
      %add3A_567 = arith.constant 1 : i32
      %add3A_568 = arith.addi %add3A_566, %add3A_567 : i32
      %get3A_569 = arith.index_cast %add3A_568 : i32 to index
      %get3A_570 = arith.constant 16 : index
      %get3A_571 = tpu.vector_load %arg7[%get3A_569, %get3A_570] {strides = array<i32>} : memref<512x128xf32, #tpu.memory_space<vmem>>, vector<1x16xf32>,
      %get3A_572 = vector.shape_cast %get3A_571 : vector<1x16xf32> to vector<16xf32>
      %sub3A_573 = arith.subf %get3A_564, %get3A_572 : vector<16xf32>
      %mul3A_574 = arith.mulf %sub3A_573, %sub3A_573 : vector<16xf32>
      %add3A_575 = arith.addf %scan3A_379, %mul3A_574 : vector<16xf32>
      %add3A_576 = arith.constant 1 : i32
      %add3A_577 = arith.addi %mul3A_387, %add3A_576 : i32
      %get3A_578 = arith.constant 1 : i32
      %get3A_579 = arith.index_cast %get3A_578 : i32 to index
      %get3A_580 = arith.index_cast %add3A_577 : i32 to index
      %get3A_581 = arith.constant 32 : index
      %get3A_582 = tpu.vector_load %arg8[%get3A_579, %get3A_580, %get3A_581] {strides = array<i32>} : memref<3x128x128xf32, #tpu.memory_space<vmem>>, vector<1x1x16xf32>,
      %get3A_583 = vector.shape_cast %get3A_582 : vector<1x1x16xf32> to vector<16xf32>
      %add3A_584 = arith.constant 64 : i32
      %add3A_585 = arith.addi %add3A_584, %mul3A_387 : i32
      %add3A_586 = arith.constant 1 : i32
      %add3A_587 = arith.addi %add3A_585, %add3A_586 : i32
      %get3A_588 = arith.index_cast %add3A_587 : i32 to index
      %get3A_589 = arith.constant 32 : index
      %get3A_590 = tpu.vector_load %arg7[%get3A_588, %get3A_589] {strides = array<i32>} : memref<512x128xf32, #tpu.memory_space<vmem>>, vector<1x16xf32>,
      %get3A_591 = vector.shape_cast %get3A_590 : vector<1x16xf32> to vector<16xf32>
      %sub3A_592 = arith.subf %get3A_583, %get3A_591 : vector<16xf32>
      %mul3A_593 = arith.mulf %sub3A_592, %sub3A_592 : vector<16xf32>
      %add3A_594 = arith.addf %scan3A_380, %mul3A_593 : vector<16xf32>
      %add3A_595 = arith.constant 1 : i32
      %add3A_596 = arith.addi %mul3A_387, %add3A_595 : i32
      %get3A_597 = arith.constant 1 : i32
      %get3A_598 = arith.index_cast %get3A_597 : i32 to index
      %get3A_599 = arith.index_cast %add3A_596 : i32 to index
      %get3A_600 = arith.constant 48 : index
      %get3A_601 = tpu.vector_load %arg8[%get3A_598, %get3A_599, %get3A_600] {strides = array<i32>} : memref<3x128x128xf32, #tpu.memory_space<vmem>>, vector<1x1x16xf32>,
      %get3A_602 = vector.shape_cast %get3A_601 : vector<1x1x16xf32> to vector<16xf32>
      %add3A_603 = arith.constant 64 : i32
      %add3A_604 = arith.addi %add3A_603, %mul3A_387 : i32
      %add3A_605 = arith.constant 1 : i32
      %add3A_606 = arith.addi %add3A_604, %add3A_605 : i32
      %get3A_607 = arith.index_cast %add3A_606 : i32 to index
      %get3A_608 = arith.constant 48 : index
      %get3A_609 = tpu.vector_load %arg7[%get3A_607, %get3A_608] {strides = array<i32>} : memref<512x128xf32, #tpu.memory_space<vmem>>, vector<1x16xf32>,
      %get3A_610 = vector.shape_cast %get3A_609 : vector<1x16xf32> to vector<16xf32>
      %sub3A_611 = arith.subf %get3A_602, %get3A_610 : vector<16xf32>
      %mul3A_612 = arith.mulf %sub3A_611, %sub3A_611 : vector<16xf32>
      %add3A_613 = arith.addf %scan3A_381, %mul3A_612 : vector<16xf32>
      %add3A_614 = arith.constant 1 : i32
      %add3A_615 = arith.addi %mul3A_387, %add3A_614 : i32
      %get3A_616 = arith.constant 1 : i32
      %get3A_617 = arith.index_cast %get3A_616 : i32 to index
      %get3A_618 = arith.index_cast %add3A_615 : i32 to index
      %get3A_619 = arith.constant 64 : index
      %get3A_620 = tpu.vector_load %arg8[%get3A_617, %get3A_618, %get3A_619] {strides = array<i32>} : memref<3x128x128xf32, #tpu.memory_space<vmem>>, vector<1x1x16xf32>,
      %get3A_621 = vector.shape_cast %get3A_620 : vector<1x1x16xf32> to vector<16xf32>
      %add3A_622 = arith.constant 64 : i32
      %add3A_623 = arith.addi %add3A_622, %mul3A_387 : i32
      %add3A_624 = arith.constant 1 : i32
      %add3A_625 = arith.addi %add3A_623, %add3A_624 : i32
      %get3A_626 = arith.index_cast %add3A_625 : i32 to index
      %get3A_627 = arith.constant 64 : index
      %get3A_628 = tpu.vector_load %arg7[%get3A_626, %get3A_627] {strides = array<i32>} : memref<512x128xf32, #tpu.memory_space<vmem>>, vector<1x16xf32>,
      %get3A_629 = vector.shape_cast %get3A_628 : vector<1x16xf32> to vector<16xf32>
      %sub3A_630 = arith.subf %get3A_621, %get3A_629 : vector<16xf32>
      %mul3A_631 = arith.mulf %sub3A_630, %sub3A_630 : vector<16xf32>
      %add3A_632 = arith.addf %scan3A_382, %mul3A_631 : vector<16xf32>
      %add3A_633 = arith.constant 1 : i32
      %add3A_634 = arith.addi %mul3A_387, %add3A_633 : i32
      %get3A_635 = arith.constant 1 : i32
      %get3A_636 = arith.index_cast %get3A_635 : i32 to index
      %get3A_637 = arith.index_cast %add3A_634 : i32 to index
      %get3A_638 = arith.constant 80 : index
      %get3A_639 = tpu.vector_load %arg8[%get3A_636, %get3A_637, %get3A_638] {strides = array<i32>} : memref<3x128x128xf32, #tpu.memory_space<vmem>>, vector<1x1x16xf32>,
      %get3A_640 = vector.shape_cast %get3A_639 : vector<1x1x16xf32> to vector<16xf32>
      %add3A_641 = arith.constant 64 : i32
      %add3A_642 = arith.addi %add3A_641, %mul3A_387 : i32
      %add3A_643 = arith.constant 1 : i32
      %add3A_644 = arith.addi %add3A_642, %add3A_643 : i32
      %get3A_645 = arith.index_cast %add3A_644 : i32 to index
      %get3A_646 = arith.constant 80 : index
      %get3A_647 = tpu.vector_load %arg7[%get3A_645, %get3A_646] {strides = array<i32>} : memref<512x128xf32, #tpu.memory_space<vmem>>, vector<1x16xf32>,
      %get3A_648 = vector.shape_cast %get3A_647 : vector<1x16xf32> to vector<16xf32>
      %sub3A_649 = arith.subf %get3A_640, %get3A_648 : vector<16xf32>
      %mul3A_650 = arith.mulf %sub3A_649, %sub3A_649 : vector<16xf32>
      %add3A_651 = arith.addf %scan3A_383, %mul3A_650 : vector<16xf32>
      %add3A_652 = arith.constant 1 : i32
      %add3A_653 = arith.addi %mul3A_387, %add3A_652 : i32
      %get3A_654 = arith.constant 1 : i32
      %get3A_655 = arith.index_cast %get3A_654 : i32 to index
      %get3A_656 = arith.index_cast %add3A_653 : i32 to index
      %get3A_657 = arith.constant 96 : index
      %get3A_658 = tpu.vector_load %arg8[%get3A_655, %get3A_656, %get3A_657] {strides = array<i32>} : memref<3x128x128xf32, #tpu.memory_space<vmem>>, vector<1x1x16xf32>,
      %get3A_659 = vector.shape_cast %get3A_658 : vector<1x1x16xf32> to vector<16xf32>
      %add3A_660 = arith.constant 64 : i32
      %add3A_661 = arith.addi %add3A_660, %mul3A_387 : i32
      %add3A_662 = arith.constant 1 : i32
      %add3A_663 = arith.addi %add3A_661, %add3A_662 : i32
      %get3A_664 = arith.index_cast %add3A_663 : i32 to index
      %get3A_665 = arith.constant 96 : index
      %get3A_666 = tpu.vector_load %arg7[%get3A_664, %get3A_665] {strides = array<i32>} : memref<512x128xf32, #tpu.memory_space<vmem>>, vector<1x16xf32>,
      %get3A_667 = vector.shape_cast %get3A_666 : vector<1x16xf32> to vector<16xf32>
      %sub3A_668 = arith.subf %get3A_659, %get3A_667 : vector<16xf32>
      %mul3A_669 = arith.mulf %sub3A_668, %sub3A_668 : vector<16xf32>
      %add3A_670 = arith.addf %scan3A_384, %mul3A_669 : vector<16xf32>
      %add3A_671 = arith.constant 1 : i32
      %add3A_672 = arith.addi %mul3A_387, %add3A_671 : i32
      %get3A_673 = arith.constant 1 : i32
      %get3A_674 = arith.index_cast %get3A_673 : i32 to index
      %get3A_675 = arith.index_cast %add3A_672 : i32 to index
      %get3A_676 = arith.constant 112 : index
      %get3A_677 = tpu.vector_load %arg8[%get3A_674, %get3A_675, %get3A_676] {strides = array<i32>} : memref<3x128x128xf32, #tpu.memory_space<vmem>>, vector<1x1x16xf32>,
      %get3A_678 = vector.shape_cast %get3A_677 : vector<1x1x16xf32> to vector<16xf32>
      %add3A_679 = arith.constant 64 : i32
      %add3A_680 = arith.addi %add3A_679, %mul3A_387 : i32
      %add3A_681 = arith.constant 1 : i32
      %add3A_682 = arith.addi %add3A_680, %add3A_681 : i32
      %get3A_683 = arith.index_cast %add3A_682 : i32 to index
      %get3A_684 = arith.constant 112 : index
      %get3A_685 = tpu.vector_load %arg7[%get3A_683, %get3A_684] {strides = array<i32>} : memref<512x128xf32, #tpu.memory_space<vmem>>, vector<1x16xf32>,
      %get3A_686 = vector.shape_cast %get3A_685 : vector<1x16xf32> to vector<16xf32>
      %sub3A_687 = arith.subf %get3A_678, %get3A_686 : vector<16xf32>
      %mul3A_688 = arith.mulf %sub3A_687, %sub3A_687 : vector<16xf32>
      %add3A_689 = arith.addf %scan3A_385, %mul3A_688 : vector<16xf32>
      scf.yield %add3A_404, %add3A_423, %add3A_442, %add3A_461, %add3A_480, %add3A_499, %add3A_518, %add3A_537, %add3A_556, %add3A_575, %add3A_594, %add3A_613, %add3A_632, %add3A_651, %add3A_670, %add3A_689 : vector<16xf32>, vector<16xf32>, vector<16xf32>, vector<16xf32>, vector<16xf32>, vector<16xf32>, vector<16xf32>, vector<16xf32>, vector<16xf32>, vector<16xf32>, vector<16xf32>, vector<16xf32>, vector<16xf32>, vector<16xf32>, vector<16xf32>, vector<16xf32>
    }
    %scan3A_240 = arith.constant 32 : i32
    %add3A_241 = arith.constant 384 : i32
    %add3A_242 = arith.addi %mul3A_2, %add3A_241 : i32
    %dma_start3A_243 = arith.constant 1 : i32
    %dma_start3A_244 = arith.constant 0 : i32
    %dma_start3A_245 = arith.constant 0 : i32
    %dma_start3A_246 = tpu.memref_slice %arg8[%dma_start3A_243, %dma_start3A_244, %dma_start3A_245] : memref<3x128x128xf32, #tpu.memory_space<vmem>> -> memref<1x128x128xf32, #tpu.memory_space<vmem>>
    %dma_start3A_247 = tpu.memref_squeeze %dma_start3A_246 : memref<1x128x128xf32, #tpu.memory_space<vmem>> -> memref<128x128xf32, #tpu.memory_space<vmem>>
    %dma_start3A_248 = arith.constant 0 : i32
    %dma_start3A_249 = tpu.memref_slice %arg3[%add3A_242, %dma_start3A_248] : memref<16384x128xf32, #tpu.memory_space<hbm>> -> memref<128x128xf32, #tpu.memory_space<hbm>>
    %dma_start3A_250 = arith.constant 0 : i32
    %dma_start3A_251 = arith.constant 0 : i32
    %dma_start3A_252 = tpu.memref_slice %arg8[%dma_start3A_243, %dma_start3A_250, %dma_start3A_251] : memref<3x128x128xf32, #tpu.memory_space<vmem>> -> memref<1x128x128xf32, #tpu.memory_space<vmem>>
    %dma_start3A_253 = tpu.memref_squeeze %dma_start3A_252 : memref<1x128x128xf32, #tpu.memory_space<vmem>> -> memref<128x128xf32, #tpu.memory_space<vmem>>
    %dma_start3A_254 = arith.constant 0 : i32
    %dma_start3A_255 = tpu.memref_slice %arg3[%add3A_242, %dma_start3A_254] : memref<16384x128xf32, #tpu.memory_space<hbm>> -> memref<128x128xf32, #tpu.memory_space<hbm>>
    tpu.enqueue_dma source(%dma_start3A_255 : memref<128x128xf32, #tpu.memory_space<hbm>>) target(%dma_start3A_253 : memref<128x128xf32, #tpu.memory_space<vmem>>) target_semaphore(%arg11 : memref<!tpu.dma_semaphore, #tpu.memory_space<semaphore_mem>>)
    %dma_wait3A_256 = arith.constant 384 : i32
    %dma_wait3A_257 = tpu.memref_slice %arg6[%dma_wait3A_256] : memref<512xi32, #tpu.memory_space<vmem>> -> memref<128xi32, #tpu.memory_space<vmem>>
    %dma_wait3A_258 = tpu.memref_slice %arg2[%add3A_35] : memref<16384xi32, #tpu.memory_space<hbm>> -> memref<128xi32, #tpu.memory_space<hbm>>
    %dma_wait3A_259 = arith.constant 384 : i32
    %dma_wait3A_260 = tpu.memref_slice %arg6[%dma_wait3A_259] : memref<512xi32, #tpu.memory_space<vmem>> -> memref<128xi32, #tpu.memory_space<vmem>>
    %dma_wait3A_261 = tpu.memref_slice %arg2[%add3A_35] : memref<16384xi32, #tpu.memory_space<hbm>> -> memref<128xi32, #tpu.memory_space<hbm>>
    tpu.wait_dma2 semaphore(%arg12 : memref<!tpu.dma_semaphore, #tpu.memory_space<semaphore_mem>>) src(%dma_wait3A_261 : memref<128xi32, #tpu.memory_space<hbm>>) dst(%dma_wait3A_260 : memref<128xi32, #tpu.memory_space<vmem>>)
    %dma_start3A_262 = arith.constant 384 : i32
    %dma_start3A_263 = arith.constant 0 : i32
    %dma_start3A_264 = tpu.memref_slice %arg7[%dma_start3A_262, %dma_start3A_263] : memref<512x128xf32, #tpu.memory_space<vmem>> -> memref<128x128xf32, #tpu.memory_space<vmem>>
    %dma_start3A_265 = arith.constant 384 : i32
    %dma_start3A_266 = tpu.memref_slice %arg6[%dma_start3A_265] : memref<512xi32, #tpu.memory_space<vmem>> -> memref<128xi32, #tpu.memory_space<vmem>>
    %dma_start3A_267 = arith.constant 0 : i32
    %dma_start3A_268 = arith.constant 0 : i32
    %dma_start3A_269 = tpu.memref_slice %arg4[%dma_start3A_267, %dma_start3A_268] : memref<100000x128xf32, #tpu.memory_space<hbm>> -> memref<100000x128xf32, #tpu.memory_space<hbm>>
    tpu.enqueue_indirect_dma source(%dma_start3A_269 : memref<100000x128xf32, #tpu.memory_space<hbm>>) target(%dma_start3A_264 : memref<128x128xf32, #tpu.memory_space<vmem>>) offsets(%dma_start3A_266 : memref<128xi32, #tpu.memory_space<vmem>>) semaphore(%arg10 : memref<!tpu.dma_semaphore, #tpu.memory_space<semaphore_mem>>)
    %dma_wait3A_270 = arith.constant 128 : i32
    %dma_wait3A_271 = arith.constant 0 : i32
    %dma_wait3A_272 = tpu.memref_slice %arg7[%dma_wait3A_270, %dma_wait3A_271] : memref<512x128xf32, #tpu.memory_space<vmem>> -> memref<128x128xf32, #tpu.memory_space<vmem>>
    %dma_wait3A_273 = arith.constant 128 : i32
    %dma_wait3A_274 = tpu.memref_slice %arg6[%dma_wait3A_273] : memref<512xi32, #tpu.memory_space<vmem>> -> memref<128xi32, #tpu.memory_space<vmem>>
    %dma_wait3A_275 = arith.constant 0 : i32
    %dma_wait3A_276 = arith.constant 0 : i32
    %dma_wait3A_277 = tpu.memref_slice %arg4[%dma_wait3A_275, %dma_wait3A_276] : memref<100000x128xf32, #tpu.memory_space<hbm>> -> memref<100000x128xf32, #tpu.memory_space<hbm>>
    tpu.wait_indirect_dma semaphore(%arg10 : memref<!tpu.dma_semaphore, #tpu.memory_space<semaphore_mem>>) src(%dma_wait3A_277 : memref<100000x128xf32, #tpu.memory_space<hbm>>) dst(%dma_wait3A_272 : memref<128x128xf32, #tpu.memory_space<vmem>>)
    %dma_wait3A_278 = arith.constant 2 : i32
    %dma_wait3A_279 = arith.constant 0 : i32
    %dma_wait3A_280 = arith.constant 0 : i32
    %dma_wait3A_281 = tpu.memref_slice %arg8[%dma_wait3A_278, %dma_wait3A_279, %dma_wait3A_280] : memref<3x128x128xf32, #tpu.memory_space<vmem>> -> memref<1x128x128xf32, #tpu.memory_space<vmem>>
    %dma_wait3A_282 = tpu.memref_squeeze %dma_wait3A_281 : memref<1x128x128xf32, #tpu.memory_space<vmem>> -> memref<128x128xf32, #tpu.memory_space<vmem>>
    %dma_wait3A_283 = arith.constant 0 : i32
    %dma_wait3A_284 = tpu.memref_slice %arg3[%add3A_73, %dma_wait3A_283] : memref<16384x128xf32, #tpu.memory_space<hbm>> -> memref<128x128xf32, #tpu.memory_space<hbm>>
    %dma_wait3A_285 = arith.constant 0 : i32
    %dma_wait3A_286 = arith.constant 0 : i32
    %dma_wait3A_287 = tpu.memref_slice %arg8[%dma_wait3A_278, %dma_wait3A_285, %dma_wait3A_286] : memref<3x128x128xf32, #tpu.memory_space<vmem>> -> memref<1x128x128xf32, #tpu.memory_space<vmem>>
    %dma_wait3A_288 = tpu.memref_squeeze %dma_wait3A_287 : memref<1x128x128xf32, #tpu.memory_space<vmem>> -> memref<128x128xf32, #tpu.memory_space<vmem>>
    %dma_wait3A_289 = arith.constant 0 : i32
    %dma_wait3A_290 = tpu.memref_slice %arg3[%add3A_73, %dma_wait3A_289] : memref<16384x128xf32, #tpu.memory_space<hbm>> -> memref<128x128xf32, #tpu.memory_space<hbm>>
    tpu.wait_dma2 semaphore(%arg11 : memref<!tpu.dma_semaphore, #tpu.memory_space<semaphore_mem>>) src(%dma_wait3A_290 : memref<128x128xf32, #tpu.memory_space<hbm>>) dst(%dma_wait3A_288 : memref<128x128xf32, #tpu.memory_space<vmem>>)
    %scan3A_291 = arith.constant 0 : i32
    %scan3A_292 = arith.constant 64 : i32
    %scan3A_293 = arith.addi %scan3A_291, %scan3A_292 : i32
    %scan3A_294 = arith.constant 1 : i32
    %scan3A_295:16 = scf.for %scan3A_369 = %scan3A_291 to %scan3A_293 step %scan3A_294 iter_args(%scan3A_370 = %scan3A_239#0, %scan3A_371 = %scan3A_239#1, %scan3A_372 = %scan3A_239#2, %scan3A_373 = %scan3A_239#3, %scan3A_374 = %scan3A_239#4, %scan3A_375 = %scan3A_239#5, %scan3A_376 = %scan3A_239#6, %scan3A_377 = %scan3A_239#7, %scan3A_378 = %scan3A_239#8, %scan3A_379 = %scan3A_239#9, %scan3A_380 = %scan3A_239#10, %scan3A_381 = %scan3A_239#11, %scan3A_382 = %scan3A_239#12, %scan3A_383 = %scan3A_239#13, %scan3A_384 = %scan3A_239#14, %scan3A_385 = %scan3A_239#15) -> (vector<16xf32>, vector<16xf32>, vector<16xf32>, vector<16xf32>, vector<16xf32>, vector<16xf32>, vector<16xf32>, vector<16xf32>, vector<16xf32>, vector<16xf32>, vector<16xf32>, vector<16xf32>, vector<16xf32>, vector<16xf32>, vector<16xf32>, vector<16xf32>)  : i32 {
      %mul3A_386 = arith.constant 2 : i32
      %mul3A_387 = arith.muli %scan3A_369, %mul3A_386 : i32
      %add3A_388 = arith.constant 0 : i32
      %add3A_389 = arith.addi %mul3A_387, %add3A_388 : i32
      %get3A = arith.constant 2 : i32
      %get3A_390 = arith.index_cast %get3A : i32 to index
      %get3A_391 = arith.index_cast %add3A_389 : i32 to index
      %get3A_392 = arith.constant 0 : index
      %get3A_393 = tpu.vector_load %arg8[%get3A_390, %get3A_391, %get3A_392] {strides = array<i32>} : memref<3x128x128xf32, #tpu.memory_space<vmem>>, vector<1x1x16xf32>,
      %get3A_394 = vector.shape_cast %get3A_393 : vector<1x1x16xf32> to vector<16xf32>
      %add3A_395 = arith.constant 128 : i32
      %add3A_396 = arith.addi %add3A_395, %mul3A_387 : i32
      %add3A_397 = arith.constant 0 : i32
      %add3A_398 = arith.addi %add3A_396, %add3A_397 : i32
      %get3A_399 = arith.index_cast %add3A_398 : i32 to index
      %get3A_400 = arith.constant 0 : index
      %get3A_401 = tpu.vector_load %arg7[%get3A_399, %get3A_400] {strides = array<i32>} : memref<512x128xf32, #tpu.memory_space<vmem>>, vector<1x16xf32>,
      %get3A_402 = vector.shape_cast %get3A_401 : vector<1x16xf32> to vector<16xf32>
      %sub3A = arith.subf %get3A_394, %get3A_402 : vector<16xf32>
      %mul3A_403 = arith.mulf %sub3A, %sub3A : vector<16xf32>
      %add3A_404 = arith.addf %scan3A_370, %mul3A_403 : vector<16xf32>
      %add3A_405 = arith.constant 0 : i32
      %add3A_406 = arith.addi %mul3A_387, %add3A_405 : i32
      %get3A_407 = arith.constant 2 : i32
      %get3A_408 = arith.index_cast %get3A_407 : i32 to index
      %get3A_409 = arith.index_cast %add3A_406 : i32 to index
      %get3A_410 = arith.constant 16 : index
      %get3A_411 = tpu.vector_load %arg8[%get3A_408, %get3A_409, %get3A_410] {strides = array<i32>} : memref<3x128x128xf32, #tpu.memory_space<vmem>>, vector<1x1x16xf32>,
      %get3A_412 = vector.shape_cast %get3A_411 : vector<1x1x16xf32> to vector<16xf32>
      %add3A_413 = arith.constant 128 : i32
      %add3A_414 = arith.addi %add3A_413, %mul3A_387 : i32
      %add3A_415 = arith.constant 0 : i32
      %add3A_416 = arith.addi %add3A_414, %add3A_415 : i32
      %get3A_417 = arith.index_cast %add3A_416 : i32 to index
      %get3A_418 = arith.constant 16 : index
      %get3A_419 = tpu.vector_load %arg7[%get3A_417, %get3A_418] {strides = array<i32>} : memref<512x128xf32, #tpu.memory_space<vmem>>, vector<1x16xf32>,
      %get3A_420 = vector.shape_cast %get3A_419 : vector<1x16xf32> to vector<16xf32>
      %sub3A_421 = arith.subf %get3A_412, %get3A_420 : vector<16xf32>
      %mul3A_422 = arith.mulf %sub3A_421, %sub3A_421 : vector<16xf32>
      %add3A_423 = arith.addf %scan3A_371, %mul3A_422 : vector<16xf32>
      %add3A_424 = arith.constant 0 : i32
      %add3A_425 = arith.addi %mul3A_387, %add3A_424 : i32
      %get3A_426 = arith.constant 2 : i32
      %get3A_427 = arith.index_cast %get3A_426 : i32 to index
      %get3A_428 = arith.index_cast %add3A_425 : i32 to index
      %get3A_429 = arith.constant 32 : index
      %get3A_430 = tpu.vector_load %arg8[%get3A_427, %get3A_428, %get3A_429] {strides = array<i32>} : memref<3x128x128xf32, #tpu.memory_space<vmem>>, vector<1x1x16xf32>,
      %get3A_431 = vector.shape_cast %get3A_430 : vector<1x1x16xf32> to vector<16xf32>
      %add3A_432 = arith.constant 128 : i32
      %add3A_433 = arith.addi %add3A_432, %mul3A_387 : i32
      %add3A_434 = arith.constant 0 : i32
      %add3A_435 = arith.addi %add3A_433, %add3A_434 : i32
      %get3A_436 = arith.index_cast %add3A_435 : i32 to index
      %get3A_437 = arith.constant 32 : index
      %get3A_438 = tpu.vector_load %arg7[%get3A_436, %get3A_437] {strides = array<i32>} : memref<512x128xf32, #tpu.memory_space<vmem>>, vector<1x16xf32>,
      %get3A_439 = vector.shape_cast %get3A_438 : vector<1x16xf32> to vector<16xf32>
      %sub3A_440 = arith.subf %get3A_431, %get3A_439 : vector<16xf32>
      %mul3A_441 = arith.mulf %sub3A_440, %sub3A_440 : vector<16xf32>
      %add3A_442 = arith.addf %scan3A_372, %mul3A_441 : vector<16xf32>
      %add3A_443 = arith.constant 0 : i32
      %add3A_444 = arith.addi %mul3A_387, %add3A_443 : i32
      %get3A_445 = arith.constant 2 : i32
      %get3A_446 = arith.index_cast %get3A_445 : i32 to index
      %get3A_447 = arith.index_cast %add3A_444 : i32 to index
      %get3A_448 = arith.constant 48 : index
      %get3A_449 = tpu.vector_load %arg8[%get3A_446, %get3A_447, %get3A_448] {strides = array<i32>} : memref<3x128x128xf32, #tpu.memory_space<vmem>>, vector<1x1x16xf32>,
      %get3A_450 = vector.shape_cast %get3A_449 : vector<1x1x16xf32> to vector<16xf32>
      %add3A_451 = arith.constant 128 : i32
      %add3A_452 = arith.addi %add3A_451, %mul3A_387 : i32
      %add3A_453 = arith.constant 0 : i32
      %add3A_454 = arith.addi %add3A_452, %add3A_453 : i32
      %get3A_455 = arith.index_cast %add3A_454 : i32 to index
      %get3A_456 = arith.constant 48 : index
      %get3A_457 = tpu.vector_load %arg7[%get3A_455, %get3A_456] {strides = array<i32>} : memref<512x128xf32, #tpu.memory_space<vmem>>, vector<1x16xf32>,
      %get3A_458 = vector.shape_cast %get3A_457 : vector<1x16xf32> to vector<16xf32>
      %sub3A_459 = arith.subf %get3A_450, %get3A_458 : vector<16xf32>
      %mul3A_460 = arith.mulf %sub3A_459, %sub3A_459 : vector<16xf32>
      %add3A_461 = arith.addf %scan3A_373, %mul3A_460 : vector<16xf32>
      %add3A_462 = arith.constant 0 : i32
      %add3A_463 = arith.addi %mul3A_387, %add3A_462 : i32
      %get3A_464 = arith.constant 2 : i32
      %get3A_465 = arith.index_cast %get3A_464 : i32 to index
      %get3A_466 = arith.index_cast %add3A_463 : i32 to index
      %get3A_467 = arith.constant 64 : index
      %get3A_468 = tpu.vector_load %arg8[%get3A_465, %get3A_466, %get3A_467] {strides = array<i32>} : memref<3x128x128xf32, #tpu.memory_space<vmem>>, vector<1x1x16xf32>,
      %get3A_469 = vector.shape_cast %get3A_468 : vector<1x1x16xf32> to vector<16xf32>
      %add3A_470 = arith.constant 128 : i32
      %add3A_471 = arith.addi %add3A_470, %mul3A_387 : i32
      %add3A_472 = arith.constant 0 : i32
      %add3A_473 = arith.addi %add3A_471, %add3A_472 : i32
      %get3A_474 = arith.index_cast %add3A_473 : i32 to index
      %get3A_475 = arith.constant 64 : index
      %get3A_476 = tpu.vector_load %arg7[%get3A_474, %get3A_475] {strides = array<i32>} : memref<512x128xf32, #tpu.memory_space<vmem>>, vector<1x16xf32>,
      %get3A_477 = vector.shape_cast %get3A_476 : vector<1x16xf32> to vector<16xf32>
      %sub3A_478 = arith.subf %get3A_469, %get3A_477 : vector<16xf32>
      %mul3A_479 = arith.mulf %sub3A_478, %sub3A_478 : vector<16xf32>
      %add3A_480 = arith.addf %scan3A_374, %mul3A_479 : vector<16xf32>
      %add3A_481 = arith.constant 0 : i32
      %add3A_482 = arith.addi %mul3A_387, %add3A_481 : i32
      %get3A_483 = arith.constant 2 : i32
      %get3A_484 = arith.index_cast %get3A_483 : i32 to index
      %get3A_485 = arith.index_cast %add3A_482 : i32 to index
      %get3A_486 = arith.constant 80 : index
      %get3A_487 = tpu.vector_load %arg8[%get3A_484, %get3A_485, %get3A_486] {strides = array<i32>} : memref<3x128x128xf32, #tpu.memory_space<vmem>>, vector<1x1x16xf32>,
      %get3A_488 = vector.shape_cast %get3A_487 : vector<1x1x16xf32> to vector<16xf32>
      %add3A_489 = arith.constant 128 : i32
      %add3A_490 = arith.addi %add3A_489, %mul3A_387 : i32
      %add3A_491 = arith.constant 0 : i32
      %add3A_492 = arith.addi %add3A_490, %add3A_491 : i32
      %get3A_493 = arith.index_cast %add3A_492 : i32 to index
      %get3A_494 = arith.constant 80 : index
      %get3A_495 = tpu.vector_load %arg7[%get3A_493, %get3A_494] {strides = array<i32>} : memref<512x128xf32, #tpu.memory_space<vmem>>, vector<1x16xf32>,
      %get3A_496 = vector.shape_cast %get3A_495 : vector<1x16xf32> to vector<16xf32>
      %sub3A_497 = arith.subf %get3A_488, %get3A_496 : vector<16xf32>
      %mul3A_498 = arith.mulf %sub3A_497, %sub3A_497 : vector<16xf32>
      %add3A_499 = arith.addf %scan3A_375, %mul3A_498 : vector<16xf32>
      %add3A_500 = arith.constant 0 : i32
      %add3A_501 = arith.addi %mul3A_387, %add3A_500 : i32
      %get3A_502 = arith.constant 2 : i32
      %get3A_503 = arith.index_cast %get3A_502 : i32 to index
      %get3A_504 = arith.index_cast %add3A_501 : i32 to index
      %get3A_505 = arith.constant 96 : index
      %get3A_506 = tpu.vector_load %arg8[%get3A_503, %get3A_504, %get3A_505] {strides = array<i32>} : memref<3x128x128xf32, #tpu.memory_space<vmem>>, vector<1x1x16xf32>,
      %get3A_507 = vector.shape_cast %get3A_506 : vector<1x1x16xf32> to vector<16xf32>
      %add3A_508 = arith.constant 128 : i32
      %add3A_509 = arith.addi %add3A_508, %mul3A_387 : i32
      %add3A_510 = arith.constant 0 : i32
      %add3A_511 = arith.addi %add3A_509, %add3A_510 : i32
      %get3A_512 = arith.index_cast %add3A_511 : i32 to index
      %get3A_513 = arith.constant 96 : index
      %get3A_514 = tpu.vector_load %arg7[%get3A_512, %get3A_513] {strides = array<i32>} : memref<512x128xf32, #tpu.memory_space<vmem>>, vector<1x16xf32>,
      %get3A_515 = vector.shape_cast %get3A_514 : vector<1x16xf32> to vector<16xf32>
      %sub3A_516 = arith.subf %get3A_507, %get3A_515 : vector<16xf32>
      %mul3A_517 = arith.mulf %sub3A_516, %sub3A_516 : vector<16xf32>
      %add3A_518 = arith.addf %scan3A_376, %mul3A_517 : vector<16xf32>
      %add3A_519 = arith.constant 0 : i32
      %add3A_520 = arith.addi %mul3A_387, %add3A_519 : i32
      %get3A_521 = arith.constant 2 : i32
      %get3A_522 = arith.index_cast %get3A_521 : i32 to index
      %get3A_523 = arith.index_cast %add3A_520 : i32 to index
      %get3A_524 = arith.constant 112 : index
      %get3A_525 = tpu.vector_load %arg8[%get3A_522, %get3A_523, %get3A_524] {strides = array<i32>} : memref<3x128x128xf32, #tpu.memory_space<vmem>>, vector<1x1x16xf32>,
      %get3A_526 = vector.shape_cast %get3A_525 : vector<1x1x16xf32> to vector<16xf32>
      %add3A_527 = arith.constant 128 : i32
      %add3A_528 = arith.addi %add3A_527, %mul3A_387 : i32
      %add3A_529 = arith.constant 0 : i32
      %add3A_530 = arith.addi %add3A_528, %add3A_529 : i32
      %get3A_531 = arith.index_cast %add3A_530 : i32 to index
      %get3A_532 = arith.constant 112 : index
      %get3A_533 = tpu.vector_load %arg7[%get3A_531, %get3A_532] {strides = array<i32>} : memref<512x128xf32, #tpu.memory_space<vmem>>, vector<1x16xf32>,
      %get3A_534 = vector.shape_cast %get3A_533 : vector<1x16xf32> to vector<16xf32>
      %sub3A_535 = arith.subf %get3A_526, %get3A_534 : vector<16xf32>
      %mul3A_536 = arith.mulf %sub3A_535, %sub3A_535 : vector<16xf32>
      %add3A_537 = arith.addf %scan3A_377, %mul3A_536 : vector<16xf32>
      %add3A_538 = arith.constant 1 : i32
      %add3A_539 = arith.addi %mul3A_387, %add3A_538 : i32
      %get3A_540 = arith.constant 2 : i32
      %get3A_541 = arith.index_cast %get3A_540 : i32 to index
      %get3A_542 = arith.index_cast %add3A_539 : i32 to index
      %get3A_543 = arith.constant 0 : index
      %get3A_544 = tpu.vector_load %arg8[%get3A_541, %get3A_542, %get3A_543] {strides = array<i32>} : memref<3x128x128xf32, #tpu.memory_space<vmem>>, vector<1x1x16xf32>,
      %get3A_545 = vector.shape_cast %get3A_544 : vector<1x1x16xf32> to vector<16xf32>
      %add3A_546 = arith.constant 128 : i32
      %add3A_547 = arith.addi %add3A_546, %mul3A_387 : i32
      %add3A_548 = arith.constant 1 : i32
      %add3A_549 = arith.addi %add3A_547, %add3A_548 : i32
      %get3A_550 = arith.index_cast %add3A_549 : i32 to index
      %get3A_551 = arith.constant 0 : index
      %get3A_552 = tpu.vector_load %arg7[%get3A_550, %get3A_551] {strides = array<i32>} : memref<512x128xf32, #tpu.memory_space<vmem>>, vector<1x16xf32>,
      %get3A_553 = vector.shape_cast %get3A_552 : vector<1x16xf32> to vector<16xf32>
      %sub3A_554 = arith.subf %get3A_545, %get3A_553 : vector<16xf32>
      %mul3A_555 = arith.mulf %sub3A_554, %sub3A_554 : vector<16xf32>
      %add3A_556 = arith.addf %scan3A_378, %mul3A_555 : vector<16xf32>
      %add3A_557 = arith.constant 1 : i32
      %add3A_558 = arith.addi %mul3A_387, %add3A_557 : i32
      %get3A_559 = arith.constant 2 : i32
      %get3A_560 = arith.index_cast %get3A_559 : i32 to index
      %get3A_561 = arith.index_cast %add3A_558 : i32 to index
      %get3A_562 = arith.constant 16 : index
      %get3A_563 = tpu.vector_load %arg8[%get3A_560, %get3A_561, %get3A_562] {strides = array<i32>} : memref<3x128x128xf32, #tpu.memory_space<vmem>>, vector<1x1x16xf32>,
      %get3A_564 = vector.shape_cast %get3A_563 : vector<1x1x16xf32> to vector<16xf32>
      %add3A_565 = arith.constant 128 : i32
      %add3A_566 = arith.addi %add3A_565, %mul3A_387 : i32
      %add3A_567 = arith.constant 1 : i32
      %add3A_568 = arith.addi %add3A_566, %add3A_567 : i32
      %get3A_569 = arith.index_cast %add3A_568 : i32 to index
      %get3A_570 = arith.constant 16 : index
      %get3A_571 = tpu.vector_load %arg7[%get3A_569, %get3A_570] {strides = array<i32>} : memref<512x128xf32, #tpu.memory_space<vmem>>, vector<1x16xf32>,
      %get3A_572 = vector.shape_cast %get3A_571 : vector<1x16xf32> to vector<16xf32>
      %sub3A_573 = arith.subf %get3A_564, %get3A_572 : vector<16xf32>
      %mul3A_574 = arith.mulf %sub3A_573, %sub3A_573 : vector<16xf32>
      %add3A_575 = arith.addf %scan3A_379, %mul3A_574 : vector<16xf32>
      %add3A_576 = arith.constant 1 : i32
      %add3A_577 = arith.addi %mul3A_387, %add3A_576 : i32
      %get3A_578 = arith.constant 2 : i32
      %get3A_579 = arith.index_cast %get3A_578 : i32 to index
      %get3A_580 = arith.index_cast %add3A_577 : i32 to index
      %get3A_581 = arith.constant 32 : index
      %get3A_582 = tpu.vector_load %arg8[%get3A_579, %get3A_580, %get3A_581] {strides = array<i32>} : memref<3x128x128xf32, #tpu.memory_space<vmem>>, vector<1x1x16xf32>,
      %get3A_583 = vector.shape_cast %get3A_582 : vector<1x1x16xf32> to vector<16xf32>
      %add3A_584 = arith.constant 128 : i32
      %add3A_585 = arith.addi %add3A_584, %mul3A_387 : i32
      %add3A_586 = arith.constant 1 : i32
      %add3A_587 = arith.addi %add3A_585, %add3A_586 : i32
      %get3A_588 = arith.index_cast %add3A_587 : i32 to index
      %get3A_589 = arith.constant 32 : index
      %get3A_590 = tpu.vector_load %arg7[%get3A_588, %get3A_589] {strides = array<i32>} : memref<512x128xf32, #tpu.memory_space<vmem>>, vector<1x16xf32>,
      %get3A_591 = vector.shape_cast %get3A_590 : vector<1x16xf32> to vector<16xf32>
      %sub3A_592 = arith.subf %get3A_583, %get3A_591 : vector<16xf32>
      %mul3A_593 = arith.mulf %sub3A_592, %sub3A_592 : vector<16xf32>
      %add3A_594 = arith.addf %scan3A_380, %mul3A_593 : vector<16xf32>
      %add3A_595 = arith.constant 1 : i32
      %add3A_596 = arith.addi %mul3A_387, %add3A_595 : i32
      %get3A_597 = arith.constant 2 : i32
      %get3A_598 = arith.index_cast %get3A_597 : i32 to index
      %get3A_599 = arith.index_cast %add3A_596 : i32 to index
      %get3A_600 = arith.constant 48 : index
      %get3A_601 = tpu.vector_load %arg8[%get3A_598, %get3A_599, %get3A_600] {strides = array<i32>} : memref<3x128x128xf32, #tpu.memory_space<vmem>>, vector<1x1x16xf32>,
      %get3A_602 = vector.shape_cast %get3A_601 : vector<1x1x16xf32> to vector<16xf32>
      %add3A_603 = arith.constant 128 : i32
      %add3A_604 = arith.addi %add3A_603, %mul3A_387 : i32
      %add3A_605 = arith.constant 1 : i32
      %add3A_606 = arith.addi %add3A_604, %add3A_605 : i32
      %get3A_607 = arith.index_cast %add3A_606 : i32 to index
      %get3A_608 = arith.constant 48 : index
      %get3A_609 = tpu.vector_load %arg7[%get3A_607, %get3A_608] {strides = array<i32>} : memref<512x128xf32, #tpu.memory_space<vmem>>, vector<1x16xf32>,
      %get3A_610 = vector.shape_cast %get3A_609 : vector<1x16xf32> to vector<16xf32>
      %sub3A_611 = arith.subf %get3A_602, %get3A_610 : vector<16xf32>
      %mul3A_612 = arith.mulf %sub3A_611, %sub3A_611 : vector<16xf32>
      %add3A_613 = arith.addf %scan3A_381, %mul3A_612 : vector<16xf32>
      %add3A_614 = arith.constant 1 : i32
      %add3A_615 = arith.addi %mul3A_387, %add3A_614 : i32
      %get3A_616 = arith.constant 2 : i32
      %get3A_617 = arith.index_cast %get3A_616 : i32 to index
      %get3A_618 = arith.index_cast %add3A_615 : i32 to index
      %get3A_619 = arith.constant 64 : index
      %get3A_620 = tpu.vector_load %arg8[%get3A_617, %get3A_618, %get3A_619] {strides = array<i32>} : memref<3x128x128xf32, #tpu.memory_space<vmem>>, vector<1x1x16xf32>,
      %get3A_621 = vector.shape_cast %get3A_620 : vector<1x1x16xf32> to vector<16xf32>
      %add3A_622 = arith.constant 128 : i32
      %add3A_623 = arith.addi %add3A_622, %mul3A_387 : i32
      %add3A_624 = arith.constant 1 : i32
      %add3A_625 = arith.addi %add3A_623, %add3A_624 : i32
      %get3A_626 = arith.index_cast %add3A_625 : i32 to index
      %get3A_627 = arith.constant 64 : index
      %get3A_628 = tpu.vector_load %arg7[%get3A_626, %get3A_627] {strides = array<i32>} : memref<512x128xf32, #tpu.memory_space<vmem>>, vector<1x16xf32>,
      %get3A_629 = vector.shape_cast %get3A_628 : vector<1x16xf32> to vector<16xf32>
      %sub3A_630 = arith.subf %get3A_621, %get3A_629 : vector<16xf32>
      %mul3A_631 = arith.mulf %sub3A_630, %sub3A_630 : vector<16xf32>
      %add3A_632 = arith.addf %scan3A_382, %mul3A_631 : vector<16xf32>
      %add3A_633 = arith.constant 1 : i32
      %add3A_634 = arith.addi %mul3A_387, %add3A_633 : i32
      %get3A_635 = arith.constant 2 : i32
      %get3A_636 = arith.index_cast %get3A_635 : i32 to index
      %get3A_637 = arith.index_cast %add3A_634 : i32 to index
      %get3A_638 = arith.constant 80 : index
      %get3A_639 = tpu.vector_load %arg8[%get3A_636, %get3A_637, %get3A_638] {strides = array<i32>} : memref<3x128x128xf32, #tpu.memory_space<vmem>>, vector<1x1x16xf32>,
      %get3A_640 = vector.shape_cast %get3A_639 : vector<1x1x16xf32> to vector<16xf32>
      %add3A_641 = arith.constant 128 : i32
      %add3A_642 = arith.addi %add3A_641, %mul3A_387 : i32
      %add3A_643 = arith.constant 1 : i32
      %add3A_644 = arith.addi %add3A_642, %add3A_643 : i32
      %get3A_645 = arith.index_cast %add3A_644 : i32 to index
      %get3A_646 = arith.constant 80 : index
      %get3A_647 = tpu.vector_load %arg7[%get3A_645, %get3A_646] {strides = array<i32>} : memref<512x128xf32, #tpu.memory_space<vmem>>, vector<1x16xf32>,
      %get3A_648 = vector.shape_cast %get3A_647 : vector<1x16xf32> to vector<16xf32>
      %sub3A_649 = arith.subf %get3A_640, %get3A_648 : vector<16xf32>
      %mul3A_650 = arith.mulf %sub3A_649, %sub3A_649 : vector<16xf32>
      %add3A_651 = arith.addf %scan3A_383, %mul3A_650 : vector<16xf32>
      %add3A_652 = arith.constant 1 : i32
      %add3A_653 = arith.addi %mul3A_387, %add3A_652 : i32
      %get3A_654 = arith.constant 2 : i32
      %get3A_655 = arith.index_cast %get3A_654 : i32 to index
      %get3A_656 = arith.index_cast %add3A_653 : i32 to index
      %get3A_657 = arith.constant 96 : index
      %get3A_658 = tpu.vector_load %arg8[%get3A_655, %get3A_656, %get3A_657] {strides = array<i32>} : memref<3x128x128xf32, #tpu.memory_space<vmem>>, vector<1x1x16xf32>,
      %get3A_659 = vector.shape_cast %get3A_658 : vector<1x1x16xf32> to vector<16xf32>
      %add3A_660 = arith.constant 128 : i32
      %add3A_661 = arith.addi %add3A_660, %mul3A_387 : i32
      %add3A_662 = arith.constant 1 : i32
      %add3A_663 = arith.addi %add3A_661, %add3A_662 : i32
      %get3A_664 = arith.index_cast %add3A_663 : i32 to index
      %get3A_665 = arith.constant 96 : index
      %get3A_666 = tpu.vector_load %arg7[%get3A_664, %get3A_665] {strides = array<i32>} : memref<512x128xf32, #tpu.memory_space<vmem>>, vector<1x16xf32>,
      %get3A_667 = vector.shape_cast %get3A_666 : vector<1x16xf32> to vector<16xf32>
      %sub3A_668 = arith.subf %get3A_659, %get3A_667 : vector<16xf32>
      %mul3A_669 = arith.mulf %sub3A_668, %sub3A_668 : vector<16xf32>
      %add3A_670 = arith.addf %scan3A_384, %mul3A_669 : vector<16xf32>
      %add3A_671 = arith.constant 1 : i32
      %add3A_672 = arith.addi %mul3A_387, %add3A_671 : i32
      %get3A_673 = arith.constant 2 : i32
      %get3A_674 = arith.index_cast %get3A_673 : i32 to index
      %get3A_675 = arith.index_cast %add3A_672 : i32 to index
      %get3A_676 = arith.constant 112 : index
      %get3A_677 = tpu.vector_load %arg8[%get3A_674, %get3A_675, %get3A_676] {strides = array<i32>} : memref<3x128x128xf32, #tpu.memory_space<vmem>>, vector<1x1x16xf32>,
      %get3A_678 = vector.shape_cast %get3A_677 : vector<1x1x16xf32> to vector<16xf32>
      %add3A_679 = arith.constant 128 : i32
      %add3A_680 = arith.addi %add3A_679, %mul3A_387 : i32
      %add3A_681 = arith.constant 1 : i32
      %add3A_682 = arith.addi %add3A_680, %add3A_681 : i32
      %get3A_683 = arith.index_cast %add3A_682 : i32 to index
      %get3A_684 = arith.constant 112 : index
      %get3A_685 = tpu.vector_load %arg7[%get3A_683, %get3A_684] {strides = array<i32>} : memref<512x128xf32, #tpu.memory_space<vmem>>, vector<1x16xf32>,
      %get3A_686 = vector.shape_cast %get3A_685 : vector<1x16xf32> to vector<16xf32>
      %sub3A_687 = arith.subf %get3A_678, %get3A_686 : vector<16xf32>
      %mul3A_688 = arith.mulf %sub3A_687, %sub3A_687 : vector<16xf32>
      %add3A_689 = arith.addf %scan3A_385, %mul3A_688 : vector<16xf32>
      scf.yield %add3A_404, %add3A_423, %add3A_442, %add3A_461, %add3A_480, %add3A_499, %add3A_518, %add3A_537, %add3A_556, %add3A_575, %add3A_594, %add3A_613, %add3A_632, %add3A_651, %add3A_670, %add3A_689 : vector<16xf32>, vector<16xf32>, vector<16xf32>, vector<16xf32>, vector<16xf32>, vector<16xf32>, vector<16xf32>, vector<16xf32>, vector<16xf32>, vector<16xf32>, vector<16xf32>, vector<16xf32>, vector<16xf32>, vector<16xf32>, vector<16xf32>, vector<16xf32>
    }
    %scan3A_296 = arith.constant 64 : i32
    %dma_wait3A_297 = arith.constant 256 : i32
    %dma_wait3A_298 = arith.constant 0 : i32
    %dma_wait3A_299 = tpu.memref_slice %arg7[%dma_wait3A_297, %dma_wait3A_298] : memref<512x128xf32, #tpu.memory_space<vmem>> -> memref<128x128xf32, #tpu.memory_space<vmem>>
    %dma_wait3A_300 = arith.constant 256 : i32
    %dma_wait3A_301 = tpu.memref_slice %arg6[%dma_wait3A_300] : memref<512xi32, #tpu.memory_space<vmem>> -> memref<128xi32, #tpu.memory_space<vmem>>
    %dma_wait3A_302 = arith.constant 0 : i32
    %dma_wait3A_303 = arith.constant 0 : i32
    %dma_wait3A_304 = tpu.memref_slice %arg4[%dma_wait3A_302, %dma_wait3A_303] : memref<100000x128xf32, #tpu.memory_space<hbm>> -> memref<100000x128xf32, #tpu.memory_space<hbm>>
    tpu.wait_indirect_dma semaphore(%arg10 : memref<!tpu.dma_semaphore, #tpu.memory_space<semaphore_mem>>) src(%dma_wait3A_304 : memref<100000x128xf32, #tpu.memory_space<hbm>>) dst(%dma_wait3A_299 : memref<128x128xf32, #tpu.memory_space<vmem>>)
    %dma_wait3A_305 = arith.constant 0 : i32
    %dma_wait3A_306 = arith.constant 0 : i32
    %dma_wait3A_307 = arith.constant 0 : i32
    %dma_wait3A_308 = tpu.memref_slice %arg8[%dma_wait3A_305, %dma_wait3A_306, %dma_wait3A_307] : memref<3x128x128xf32, #tpu.memory_space<vmem>> -> memref<1x128x128xf32, #tpu.memory_space<vmem>>
    %dma_wait3A_309 = tpu.memref_squeeze %dma_wait3A_308 : memref<1x128x128xf32, #tpu.memory_space<vmem>> -> memref<128x128xf32, #tpu.memory_space<vmem>>
    %dma_wait3A_310 = arith.constant 0 : i32
    %dma_wait3A_311 = tpu.memref_slice %arg3[%add3A_186, %dma_wait3A_310] : memref<16384x128xf32, #tpu.memory_space<hbm>> -> memref<128x128xf32, #tpu.memory_space<hbm>>
    %dma_wait3A_312 = arith.constant 0 : i32
    %dma_wait3A_313 = arith.constant 0 : i32
    %dma_wait3A_314 = tpu.memref_slice %arg8[%dma_wait3A_305, %dma_wait3A_312, %dma_wait3A_313] : memref<3x128x128xf32, #tpu.memory_space<vmem>> -> memref<1x128x128xf32, #tpu.memory_space<vmem>>
    %dma_wait3A_315 = tpu.memref_squeeze %dma_wait3A_314 : memref<1x128x128xf32, #tpu.memory_space<vmem>> -> memref<128x128xf32, #tpu.memory_space<vmem>>
    %dma_wait3A_316 = arith.constant 0 : i32
    %dma_wait3A_317 = tpu.memref_slice %arg3[%add3A_186, %dma_wait3A_316] : memref<16384x128xf32, #tpu.memory_space<hbm>> -> memref<128x128xf32, #tpu.memory_space<hbm>>
    tpu.wait_dma2 semaphore(%arg11 : memref<!tpu.dma_semaphore, #tpu.memory_space<semaphore_mem>>) src(%dma_wait3A_317 : memref<128x128xf32, #tpu.memory_space<hbm>>) dst(%dma_wait3A_315 : memref<128x128xf32, #tpu.memory_space<vmem>>)
    %scan3A_318 = arith.constant 0 : i32
    %scan3A_319 = arith.constant 64 : i32
    %scan3A_320 = arith.addi %scan3A_318, %scan3A_319 : i32
    %scan3A_321 = arith.constant 1 : i32
    %scan3A_322:16 = scf.for %scan3A_369 = %scan3A_318 to %scan3A_320 step %scan3A_321 iter_args(%scan3A_370 = %scan3A_295#0, %scan3A_371 = %scan3A_295#1, %scan3A_372 = %scan3A_295#2, %scan3A_373 = %scan3A_295#3, %scan3A_374 = %scan3A_295#4, %scan3A_375 = %scan3A_295#5, %scan3A_376 = %scan3A_295#6, %scan3A_377 = %scan3A_295#7, %scan3A_378 = %scan3A_295#8, %scan3A_379 = %scan3A_295#9, %scan3A_380 = %scan3A_295#10, %scan3A_381 = %scan3A_295#11, %scan3A_382 = %scan3A_295#12, %scan3A_383 = %scan3A_295#13, %scan3A_384 = %scan3A_295#14, %scan3A_385 = %scan3A_295#15) -> (vector<16xf32>, vector<16xf32>, vector<16xf32>, vector<16xf32>, vector<16xf32>, vector<16xf32>, vector<16xf32>, vector<16xf32>, vector<16xf32>, vector<16xf32>, vector<16xf32>, vector<16xf32>, vector<16xf32>, vector<16xf32>, vector<16xf32>, vector<16xf32>)  : i32 {
      %mul3A_386 = arith.constant 2 : i32
      %mul3A_387 = arith.muli %scan3A_369, %mul3A_386 : i32
      %add3A_388 = arith.constant 0 : i32
      %add3A_389 = arith.addi %mul3A_387, %add3A_388 : i32
      %get3A = arith.constant 0 : i32
      %get3A_390 = arith.index_cast %get3A : i32 to index
      %get3A_391 = arith.index_cast %add3A_389 : i32 to index
      %get3A_392 = arith.constant 0 : index
      %get3A_393 = tpu.vector_load %arg8[%get3A_390, %get3A_391, %get3A_392] {strides = array<i32>} : memref<3x128x128xf32, #tpu.memory_space<vmem>>, vector<1x1x16xf32>,
      %get3A_394 = vector.shape_cast %get3A_393 : vector<1x1x16xf32> to vector<16xf32>
      %add3A_395 = arith.constant 256 : i32
      %add3A_396 = arith.addi %add3A_395, %mul3A_387 : i32
      %add3A_397 = arith.constant 0 : i32
      %add3A_398 = arith.addi %add3A_396, %add3A_397 : i32
      %get3A_399 = arith.index_cast %add3A_398 : i32 to index
      %get3A_400 = arith.constant 0 : index
      %get3A_401 = tpu.vector_load %arg7[%get3A_399, %get3A_400] {strides = array<i32>} : memref<512x128xf32, #tpu.memory_space<vmem>>, vector<1x16xf32>,
      %get3A_402 = vector.shape_cast %get3A_401 : vector<1x16xf32> to vector<16xf32>
      %sub3A = arith.subf %get3A_394, %get3A_402 : vector<16xf32>
      %mul3A_403 = arith.mulf %sub3A, %sub3A : vector<16xf32>
      %add3A_404 = arith.addf %scan3A_370, %mul3A_403 : vector<16xf32>
      %add3A_405 = arith.constant 0 : i32
      %add3A_406 = arith.addi %mul3A_387, %add3A_405 : i32
      %get3A_407 = arith.constant 0 : i32
      %get3A_408 = arith.index_cast %get3A_407 : i32 to index
      %get3A_409 = arith.index_cast %add3A_406 : i32 to index
      %get3A_410 = arith.constant 16 : index
      %get3A_411 = tpu.vector_load %arg8[%get3A_408, %get3A_409, %get3A_410] {strides = array<i32>} : memref<3x128x128xf32, #tpu.memory_space<vmem>>, vector<1x1x16xf32>,
      %get3A_412 = vector.shape_cast %get3A_411 : vector<1x1x16xf32> to vector<16xf32>
      %add3A_413 = arith.constant 256 : i32
      %add3A_414 = arith.addi %add3A_413, %mul3A_387 : i32
      %add3A_415 = arith.constant 0 : i32
      %add3A_416 = arith.addi %add3A_414, %add3A_415 : i32
      %get3A_417 = arith.index_cast %add3A_416 : i32 to index
      %get3A_418 = arith.constant 16 : index
      %get3A_419 = tpu.vector_load %arg7[%get3A_417, %get3A_418] {strides = array<i32>} : memref<512x128xf32, #tpu.memory_space<vmem>>, vector<1x16xf32>,
      %get3A_420 = vector.shape_cast %get3A_419 : vector<1x16xf32> to vector<16xf32>
      %sub3A_421 = arith.subf %get3A_412, %get3A_420 : vector<16xf32>
      %mul3A_422 = arith.mulf %sub3A_421, %sub3A_421 : vector<16xf32>
      %add3A_423 = arith.addf %scan3A_371, %mul3A_422 : vector<16xf32>
      %add3A_424 = arith.constant 0 : i32
      %add3A_425 = arith.addi %mul3A_387, %add3A_424 : i32
      %get3A_426 = arith.constant 0 : i32
      %get3A_427 = arith.index_cast %get3A_426 : i32 to index
      %get3A_428 = arith.index_cast %add3A_425 : i32 to index
      %get3A_429 = arith.constant 32 : index
      %get3A_430 = tpu.vector_load %arg8[%get3A_427, %get3A_428, %get3A_429] {strides = array<i32>} : memref<3x128x128xf32, #tpu.memory_space<vmem>>, vector<1x1x16xf32>,
      %get3A_431 = vector.shape_cast %get3A_430 : vector<1x1x16xf32> to vector<16xf32>
      %add3A_432 = arith.constant 256 : i32
      %add3A_433 = arith.addi %add3A_432, %mul3A_387 : i32
      %add3A_434 = arith.constant 0 : i32
      %add3A_435 = arith.addi %add3A_433, %add3A_434 : i32
      %get3A_436 = arith.index_cast %add3A_435 : i32 to index
      %get3A_437 = arith.constant 32 : index
      %get3A_438 = tpu.vector_load %arg7[%get3A_436, %get3A_437] {strides = array<i32>} : memref<512x128xf32, #tpu.memory_space<vmem>>, vector<1x16xf32>,
      %get3A_439 = vector.shape_cast %get3A_438 : vector<1x16xf32> to vector<16xf32>
      %sub3A_440 = arith.subf %get3A_431, %get3A_439 : vector<16xf32>
      %mul3A_441 = arith.mulf %sub3A_440, %sub3A_440 : vector<16xf32>
      %add3A_442 = arith.addf %scan3A_372, %mul3A_441 : vector<16xf32>
      %add3A_443 = arith.constant 0 : i32
      %add3A_444 = arith.addi %mul3A_387, %add3A_443 : i32
      %get3A_445 = arith.constant 0 : i32
      %get3A_446 = arith.index_cast %get3A_445 : i32 to index
      %get3A_447 = arith.index_cast %add3A_444 : i32 to index
      %get3A_448 = arith.constant 48 : index
      %get3A_449 = tpu.vector_load %arg8[%get3A_446, %get3A_447, %get3A_448] {strides = array<i32>} : memref<3x128x128xf32, #tpu.memory_space<vmem>>, vector<1x1x16xf32>,
      %get3A_450 = vector.shape_cast %get3A_449 : vector<1x1x16xf32> to vector<16xf32>
      %add3A_451 = arith.constant 256 : i32
      %add3A_452 = arith.addi %add3A_451, %mul3A_387 : i32
      %add3A_453 = arith.constant 0 : i32
      %add3A_454 = arith.addi %add3A_452, %add3A_453 : i32
      %get3A_455 = arith.index_cast %add3A_454 : i32 to index
      %get3A_456 = arith.constant 48 : index
      %get3A_457 = tpu.vector_load %arg7[%get3A_455, %get3A_456] {strides = array<i32>} : memref<512x128xf32, #tpu.memory_space<vmem>>, vector<1x16xf32>,
      %get3A_458 = vector.shape_cast %get3A_457 : vector<1x16xf32> to vector<16xf32>
      %sub3A_459 = arith.subf %get3A_450, %get3A_458 : vector<16xf32>
      %mul3A_460 = arith.mulf %sub3A_459, %sub3A_459 : vector<16xf32>
      %add3A_461 = arith.addf %scan3A_373, %mul3A_460 : vector<16xf32>
      %add3A_462 = arith.constant 0 : i32
      %add3A_463 = arith.addi %mul3A_387, %add3A_462 : i32
      %get3A_464 = arith.constant 0 : i32
      %get3A_465 = arith.index_cast %get3A_464 : i32 to index
      %get3A_466 = arith.index_cast %add3A_463 : i32 to index
      %get3A_467 = arith.constant 64 : index
      %get3A_468 = tpu.vector_load %arg8[%get3A_465, %get3A_466, %get3A_467] {strides = array<i32>} : memref<3x128x128xf32, #tpu.memory_space<vmem>>, vector<1x1x16xf32>,
      %get3A_469 = vector.shape_cast %get3A_468 : vector<1x1x16xf32> to vector<16xf32>
      %add3A_470 = arith.constant 256 : i32
      %add3A_471 = arith.addi %add3A_470, %mul3A_387 : i32
      %add3A_472 = arith.constant 0 : i32
      %add3A_473 = arith.addi %add3A_471, %add3A_472 : i32
      %get3A_474 = arith.index_cast %add3A_473 : i32 to index
      %get3A_475 = arith.constant 64 : index
      %get3A_476 = tpu.vector_load %arg7[%get3A_474, %get3A_475] {strides = array<i32>} : memref<512x128xf32, #tpu.memory_space<vmem>>, vector<1x16xf32>,
      %get3A_477 = vector.shape_cast %get3A_476 : vector<1x16xf32> to vector<16xf32>
      %sub3A_478 = arith.subf %get3A_469, %get3A_477 : vector<16xf32>
      %mul3A_479 = arith.mulf %sub3A_478, %sub3A_478 : vector<16xf32>
      %add3A_480 = arith.addf %scan3A_374, %mul3A_479 : vector<16xf32>
      %add3A_481 = arith.constant 0 : i32
      %add3A_482 = arith.addi %mul3A_387, %add3A_481 : i32
      %get3A_483 = arith.constant 0 : i32
      %get3A_484 = arith.index_cast %get3A_483 : i32 to index
      %get3A_485 = arith.index_cast %add3A_482 : i32 to index
      %get3A_486 = arith.constant 80 : index
      %get3A_487 = tpu.vector_load %arg8[%get3A_484, %get3A_485, %get3A_486] {strides = array<i32>} : memref<3x128x128xf32, #tpu.memory_space<vmem>>, vector<1x1x16xf32>,
      %get3A_488 = vector.shape_cast %get3A_487 : vector<1x1x16xf32> to vector<16xf32>
      %add3A_489 = arith.constant 256 : i32
      %add3A_490 = arith.addi %add3A_489, %mul3A_387 : i32
      %add3A_491 = arith.constant 0 : i32
      %add3A_492 = arith.addi %add3A_490, %add3A_491 : i32
      %get3A_493 = arith.index_cast %add3A_492 : i32 to index
      %get3A_494 = arith.constant 80 : index
      %get3A_495 = tpu.vector_load %arg7[%get3A_493, %get3A_494] {strides = array<i32>} : memref<512x128xf32, #tpu.memory_space<vmem>>, vector<1x16xf32>,
      %get3A_496 = vector.shape_cast %get3A_495 : vector<1x16xf32> to vector<16xf32>
      %sub3A_497 = arith.subf %get3A_488, %get3A_496 : vector<16xf32>
      %mul3A_498 = arith.mulf %sub3A_497, %sub3A_497 : vector<16xf32>
      %add3A_499 = arith.addf %scan3A_375, %mul3A_498 : vector<16xf32>
      %add3A_500 = arith.constant 0 : i32
      %add3A_501 = arith.addi %mul3A_387, %add3A_500 : i32
      %get3A_502 = arith.constant 0 : i32
      %get3A_503 = arith.index_cast %get3A_502 : i32 to index
      %get3A_504 = arith.index_cast %add3A_501 : i32 to index
      %get3A_505 = arith.constant 96 : index
      %get3A_506 = tpu.vector_load %arg8[%get3A_503, %get3A_504, %get3A_505] {strides = array<i32>} : memref<3x128x128xf32, #tpu.memory_space<vmem>>, vector<1x1x16xf32>,
      %get3A_507 = vector.shape_cast %get3A_506 : vector<1x1x16xf32> to vector<16xf32>
      %add3A_508 = arith.constant 256 : i32
      %add3A_509 = arith.addi %add3A_508, %mul3A_387 : i32
      %add3A_510 = arith.constant 0 : i32
      %add3A_511 = arith.addi %add3A_509, %add3A_510 : i32
      %get3A_512 = arith.index_cast %add3A_511 : i32 to index
      %get3A_513 = arith.constant 96 : index
      %get3A_514 = tpu.vector_load %arg7[%get3A_512, %get3A_513] {strides = array<i32>} : memref<512x128xf32, #tpu.memory_space<vmem>>, vector<1x16xf32>,
      %get3A_515 = vector.shape_cast %get3A_514 : vector<1x16xf32> to vector<16xf32>
      %sub3A_516 = arith.subf %get3A_507, %get3A_515 : vector<16xf32>
      %mul3A_517 = arith.mulf %sub3A_516, %sub3A_516 : vector<16xf32>
      %add3A_518 = arith.addf %scan3A_376, %mul3A_517 : vector<16xf32>
      %add3A_519 = arith.constant 0 : i32
      %add3A_520 = arith.addi %mul3A_387, %add3A_519 : i32
      %get3A_521 = arith.constant 0 : i32
      %get3A_522 = arith.index_cast %get3A_521 : i32 to index
      %get3A_523 = arith.index_cast %add3A_520 : i32 to index
      %get3A_524 = arith.constant 112 : index
      %get3A_525 = tpu.vector_load %arg8[%get3A_522, %get3A_523, %get3A_524] {strides = array<i32>} : memref<3x128x128xf32, #tpu.memory_space<vmem>>, vector<1x1x16xf32>,
      %get3A_526 = vector.shape_cast %get3A_525 : vector<1x1x16xf32> to vector<16xf32>
      %add3A_527 = arith.constant 256 : i32
      %add3A_528 = arith.addi %add3A_527, %mul3A_387 : i32
      %add3A_529 = arith.constant 0 : i32
      %add3A_530 = arith.addi %add3A_528, %add3A_529 : i32
      %get3A_531 = arith.index_cast %add3A_530 : i32 to index
      %get3A_532 = arith.constant 112 : index
      %get3A_533 = tpu.vector_load %arg7[%get3A_531, %get3A_532] {strides = array<i32>} : memref<512x128xf32, #tpu.memory_space<vmem>>, vector<1x16xf32>,
      %get3A_534 = vector.shape_cast %get3A_533 : vector<1x16xf32> to vector<16xf32>
      %sub3A_535 = arith.subf %get3A_526, %get3A_534 : vector<16xf32>
      %mul3A_536 = arith.mulf %sub3A_535, %sub3A_535 : vector<16xf32>
      %add3A_537 = arith.addf %scan3A_377, %mul3A_536 : vector<16xf32>
      %add3A_538 = arith.constant 1 : i32
      %add3A_539 = arith.addi %mul3A_387, %add3A_538 : i32
      %get3A_540 = arith.constant 0 : i32
      %get3A_541 = arith.index_cast %get3A_540 : i32 to index
      %get3A_542 = arith.index_cast %add3A_539 : i32 to index
      %get3A_543 = arith.constant 0 : index
      %get3A_544 = tpu.vector_load %arg8[%get3A_541, %get3A_542, %get3A_543] {strides = array<i32>} : memref<3x128x128xf32, #tpu.memory_space<vmem>>, vector<1x1x16xf32>,
      %get3A_545 = vector.shape_cast %get3A_544 : vector<1x1x16xf32> to vector<16xf32>
      %add3A_546 = arith.constant 256 : i32
      %add3A_547 = arith.addi %add3A_546, %mul3A_387 : i32
      %add3A_548 = arith.constant 1 : i32
      %add3A_549 = arith.addi %add3A_547, %add3A_548 : i32
      %get3A_550 = arith.index_cast %add3A_549 : i32 to index
      %get3A_551 = arith.constant 0 : index
      %get3A_552 = tpu.vector_load %arg7[%get3A_550, %get3A_551] {strides = array<i32>} : memref<512x128xf32, #tpu.memory_space<vmem>>, vector<1x16xf32>,
      %get3A_553 = vector.shape_cast %get3A_552 : vector<1x16xf32> to vector<16xf32>
      %sub3A_554 = arith.subf %get3A_545, %get3A_553 : vector<16xf32>
      %mul3A_555 = arith.mulf %sub3A_554, %sub3A_554 : vector<16xf32>
      %add3A_556 = arith.addf %scan3A_378, %mul3A_555 : vector<16xf32>
      %add3A_557 = arith.constant 1 : i32
      %add3A_558 = arith.addi %mul3A_387, %add3A_557 : i32
      %get3A_559 = arith.constant 0 : i32
      %get3A_560 = arith.index_cast %get3A_559 : i32 to index
      %get3A_561 = arith.index_cast %add3A_558 : i32 to index
      %get3A_562 = arith.constant 16 : index
      %get3A_563 = tpu.vector_load %arg8[%get3A_560, %get3A_561, %get3A_562] {strides = array<i32>} : memref<3x128x128xf32, #tpu.memory_space<vmem>>, vector<1x1x16xf32>,
      %get3A_564 = vector.shape_cast %get3A_563 : vector<1x1x16xf32> to vector<16xf32>
      %add3A_565 = arith.constant 256 : i32
      %add3A_566 = arith.addi %add3A_565, %mul3A_387 : i32
      %add3A_567 = arith.constant 1 : i32
      %add3A_568 = arith.addi %add3A_566, %add3A_567 : i32
      %get3A_569 = arith.index_cast %add3A_568 : i32 to index
      %get3A_570 = arith.constant 16 : index
      %get3A_571 = tpu.vector_load %arg7[%get3A_569, %get3A_570] {strides = array<i32>} : memref<512x128xf32, #tpu.memory_space<vmem>>, vector<1x16xf32>,
      %get3A_572 = vector.shape_cast %get3A_571 : vector<1x16xf32> to vector<16xf32>
      %sub3A_573 = arith.subf %get3A_564, %get3A_572 : vector<16xf32>
      %mul3A_574 = arith.mulf %sub3A_573, %sub3A_573 : vector<16xf32>
      %add3A_575 = arith.addf %scan3A_379, %mul3A_574 : vector<16xf32>
      %add3A_576 = arith.constant 1 : i32
      %add3A_577 = arith.addi %mul3A_387, %add3A_576 : i32
      %get3A_578 = arith.constant 0 : i32
      %get3A_579 = arith.index_cast %get3A_578 : i32 to index
      %get3A_580 = arith.index_cast %add3A_577 : i32 to index
      %get3A_581 = arith.constant 32 : index
      %get3A_582 = tpu.vector_load %arg8[%get3A_579, %get3A_580, %get3A_581] {strides = array<i32>} : memref<3x128x128xf32, #tpu.memory_space<vmem>>, vector<1x1x16xf32>,
      %get3A_583 = vector.shape_cast %get3A_582 : vector<1x1x16xf32> to vector<16xf32>
      %add3A_584 = arith.constant 256 : i32
      %add3A_585 = arith.addi %add3A_584, %mul3A_387 : i32
      %add3A_586 = arith.constant 1 : i32
      %add3A_587 = arith.addi %add3A_585, %add3A_586 : i32
      %get3A_588 = arith.index_cast %add3A_587 : i32 to index
      %get3A_589 = arith.constant 32 : index
      %get3A_590 = tpu.vector_load %arg7[%get3A_588, %get3A_589] {strides = array<i32>} : memref<512x128xf32, #tpu.memory_space<vmem>>, vector<1x16xf32>,
      %get3A_591 = vector.shape_cast %get3A_590 : vector<1x16xf32> to vector<16xf32>
      %sub3A_592 = arith.subf %get3A_583, %get3A_591 : vector<16xf32>
      %mul3A_593 = arith.mulf %sub3A_592, %sub3A_592 : vector<16xf32>
      %add3A_594 = arith.addf %scan3A_380, %mul3A_593 : vector<16xf32>
      %add3A_595 = arith.constant 1 : i32
      %add3A_596 = arith.addi %mul3A_387, %add3A_595 : i32
      %get3A_597 = arith.constant 0 : i32
      %get3A_598 = arith.index_cast %get3A_597 : i32 to index
      %get3A_599 = arith.index_cast %add3A_596 : i32 to index
      %get3A_600 = arith.constant 48 : index
      %get3A_601 = tpu.vector_load %arg8[%get3A_598, %get3A_599, %get3A_600] {strides = array<i32>} : memref<3x128x128xf32, #tpu.memory_space<vmem>>, vector<1x1x16xf32>,
      %get3A_602 = vector.shape_cast %get3A_601 : vector<1x1x16xf32> to vector<16xf32>
      %add3A_603 = arith.constant 256 : i32
      %add3A_604 = arith.addi %add3A_603, %mul3A_387 : i32
      %add3A_605 = arith.constant 1 : i32
      %add3A_606 = arith.addi %add3A_604, %add3A_605 : i32
      %get3A_607 = arith.index_cast %add3A_606 : i32 to index
      %get3A_608 = arith.constant 48 : index
      %get3A_609 = tpu.vector_load %arg7[%get3A_607, %get3A_608] {strides = array<i32>} : memref<512x128xf32, #tpu.memory_space<vmem>>, vector<1x16xf32>,
      %get3A_610 = vector.shape_cast %get3A_609 : vector<1x16xf32> to vector<16xf32>
      %sub3A_611 = arith.subf %get3A_602, %get3A_610 : vector<16xf32>
      %mul3A_612 = arith.mulf %sub3A_611, %sub3A_611 : vector<16xf32>
      %add3A_613 = arith.addf %scan3A_381, %mul3A_612 : vector<16xf32>
      %add3A_614 = arith.constant 1 : i32
      %add3A_615 = arith.addi %mul3A_387, %add3A_614 : i32
      %get3A_616 = arith.constant 0 : i32
      %get3A_617 = arith.index_cast %get3A_616 : i32 to index
      %get3A_618 = arith.index_cast %add3A_615 : i32 to index
      %get3A_619 = arith.constant 64 : index
      %get3A_620 = tpu.vector_load %arg8[%get3A_617, %get3A_618, %get3A_619] {strides = array<i32>} : memref<3x128x128xf32, #tpu.memory_space<vmem>>, vector<1x1x16xf32>,
      %get3A_621 = vector.shape_cast %get3A_620 : vector<1x1x16xf32> to vector<16xf32>
      %add3A_622 = arith.constant 256 : i32
      %add3A_623 = arith.addi %add3A_622, %mul3A_387 : i32
      %add3A_624 = arith.constant 1 : i32
      %add3A_625 = arith.addi %add3A_623, %add3A_624 : i32
      %get3A_626 = arith.index_cast %add3A_625 : i32 to index
      %get3A_627 = arith.constant 64 : index
      %get3A_628 = tpu.vector_load %arg7[%get3A_626, %get3A_627] {strides = array<i32>} : memref<512x128xf32, #tpu.memory_space<vmem>>, vector<1x16xf32>,
      %get3A_629 = vector.shape_cast %get3A_628 : vector<1x16xf32> to vector<16xf32>
      %sub3A_630 = arith.subf %get3A_621, %get3A_629 : vector<16xf32>
      %mul3A_631 = arith.mulf %sub3A_630, %sub3A_630 : vector<16xf32>
      %add3A_632 = arith.addf %scan3A_382, %mul3A_631 : vector<16xf32>
      %add3A_633 = arith.constant 1 : i32
      %add3A_634 = arith.addi %mul3A_387, %add3A_633 : i32
      %get3A_635 = arith.constant 0 : i32
      %get3A_636 = arith.index_cast %get3A_635 : i32 to index
      %get3A_637 = arith.index_cast %add3A_634 : i32 to index
      %get3A_638 = arith.constant 80 : index
      %get3A_639 = tpu.vector_load %arg8[%get3A_636, %get3A_637, %get3A_638] {strides = array<i32>} : memref<3x128x128xf32, #tpu.memory_space<vmem>>, vector<1x1x16xf32>,
      %get3A_640 = vector.shape_cast %get3A_639 : vector<1x1x16xf32> to vector<16xf32>
      %add3A_641 = arith.constant 256 : i32
      %add3A_642 = arith.addi %add3A_641, %mul3A_387 : i32
      %add3A_643 = arith.constant 1 : i32
      %add3A_644 = arith.addi %add3A_642, %add3A_643 : i32
      %get3A_645 = arith.index_cast %add3A_644 : i32 to index
      %get3A_646 = arith.constant 80 : index
      %get3A_647 = tpu.vector_load %arg7[%get3A_645, %get3A_646] {strides = array<i32>} : memref<512x128xf32, #tpu.memory_space<vmem>>, vector<1x16xf32>,
      %get3A_648 = vector.shape_cast %get3A_647 : vector<1x16xf32> to vector<16xf32>
      %sub3A_649 = arith.subf %get3A_640, %get3A_648 : vector<16xf32>
      %mul3A_650 = arith.mulf %sub3A_649, %sub3A_649 : vector<16xf32>
      %add3A_651 = arith.addf %scan3A_383, %mul3A_650 : vector<16xf32>
      %add3A_652 = arith.constant 1 : i32
      %add3A_653 = arith.addi %mul3A_387, %add3A_652 : i32
      %get3A_654 = arith.constant 0 : i32
      %get3A_655 = arith.index_cast %get3A_654 : i32 to index
      %get3A_656 = arith.index_cast %add3A_653 : i32 to index
      %get3A_657 = arith.constant 96 : index
      %get3A_658 = tpu.vector_load %arg8[%get3A_655, %get3A_656, %get3A_657] {strides = array<i32>} : memref<3x128x128xf32, #tpu.memory_space<vmem>>, vector<1x1x16xf32>,
      %get3A_659 = vector.shape_cast %get3A_658 : vector<1x1x16xf32> to vector<16xf32>
      %add3A_660 = arith.constant 256 : i32
      %add3A_661 = arith.addi %add3A_660, %mul3A_387 : i32
      %add3A_662 = arith.constant 1 : i32
      %add3A_663 = arith.addi %add3A_661, %add3A_662 : i32
      %get3A_664 = arith.index_cast %add3A_663 : i32 to index
      %get3A_665 = arith.constant 96 : index
      %get3A_666 = tpu.vector_load %arg7[%get3A_664, %get3A_665] {strides = array<i32>} : memref<512x128xf32, #tpu.memory_space<vmem>>, vector<1x16xf32>,
      %get3A_667 = vector.shape_cast %get3A_666 : vector<1x16xf32> to vector<16xf32>
      %sub3A_668 = arith.subf %get3A_659, %get3A_667 : vector<16xf32>
      %mul3A_669 = arith.mulf %sub3A_668, %sub3A_668 : vector<16xf32>
      %add3A_670 = arith.addf %scan3A_384, %mul3A_669 : vector<16xf32>
      %add3A_671 = arith.constant 1 : i32
      %add3A_672 = arith.addi %mul3A_387, %add3A_671 : i32
      %get3A_673 = arith.constant 0 : i32
      %get3A_674 = arith.index_cast %get3A_673 : i32 to index
      %get3A_675 = arith.index_cast %add3A_672 : i32 to index
      %get3A_676 = arith.constant 112 : index
      %get3A_677 = tpu.vector_load %arg8[%get3A_674, %get3A_675, %get3A_676] {strides = array<i32>} : memref<3x128x128xf32, #tpu.memory_space<vmem>>, vector<1x1x16xf32>,
      %get3A_678 = vector.shape_cast %get3A_677 : vector<1x1x16xf32> to vector<16xf32>
      %add3A_679 = arith.constant 256 : i32
      %add3A_680 = arith.addi %add3A_679, %mul3A_387 : i32
      %add3A_681 = arith.constant 1 : i32
      %add3A_682 = arith.addi %add3A_680, %add3A_681 : i32
      %get3A_683 = arith.index_cast %add3A_682 : i32 to index
      %get3A_684 = arith.constant 112 : index
      %get3A_685 = tpu.vector_load %arg7[%get3A_683, %get3A_684] {strides = array<i32>} : memref<512x128xf32, #tpu.memory_space<vmem>>, vector<1x16xf32>,
      %get3A_686 = vector.shape_cast %get3A_685 : vector<1x16xf32> to vector<16xf32>
      %sub3A_687 = arith.subf %get3A_678, %get3A_686 : vector<16xf32>
      %mul3A_688 = arith.mulf %sub3A_687, %sub3A_687 : vector<16xf32>
      %add3A_689 = arith.addf %scan3A_385, %mul3A_688 : vector<16xf32>
      scf.yield %add3A_404, %add3A_423, %add3A_442, %add3A_461, %add3A_480, %add3A_499, %add3A_518, %add3A_537, %add3A_556, %add3A_575, %add3A_594, %add3A_613, %add3A_632, %add3A_651, %add3A_670, %add3A_689 : vector<16xf32>, vector<16xf32>, vector<16xf32>, vector<16xf32>, vector<16xf32>, vector<16xf32>, vector<16xf32>, vector<16xf32>, vector<16xf32>, vector<16xf32>, vector<16xf32>, vector<16xf32>, vector<16xf32>, vector<16xf32>, vector<16xf32>, vector<16xf32>
    }
    %scan3A_323 = arith.constant 64 : i32
    %dma_wait3A_324 = arith.constant 384 : i32
    %dma_wait3A_325 = arith.constant 0 : i32
    %dma_wait3A_326 = tpu.memref_slice %arg7[%dma_wait3A_324, %dma_wait3A_325] : memref<512x128xf32, #tpu.memory_space<vmem>> -> memref<128x128xf32, #tpu.memory_space<vmem>>
    %dma_wait3A_327 = arith.constant 384 : i32
    %dma_wait3A_328 = tpu.memref_slice %arg6[%dma_wait3A_327] : memref<512xi32, #tpu.memory_space<vmem>> -> memref<128xi32, #tpu.memory_space<vmem>>
    %dma_wait3A_329 = arith.constant 0 : i32
    %dma_wait3A_330 = arith.constant 0 : i32
    %dma_wait3A_331 = tpu.memref_slice %arg4[%dma_wait3A_329, %dma_wait3A_330] : memref<100000x128xf32, #tpu.memory_space<hbm>> -> memref<100000x128xf32, #tpu.memory_space<hbm>>
    tpu.wait_indirect_dma semaphore(%arg10 : memref<!tpu.dma_semaphore, #tpu.memory_space<semaphore_mem>>) src(%dma_wait3A_331 : memref<100000x128xf32, #tpu.memory_space<hbm>>) dst(%dma_wait3A_326 : memref<128x128xf32, #tpu.memory_space<vmem>>)
    %dma_wait3A_332 = arith.constant 1 : i32
    %dma_wait3A_333 = arith.constant 0 : i32
    %dma_wait3A_334 = arith.constant 0 : i32
    %dma_wait3A_335 = tpu.memref_slice %arg8[%dma_wait3A_332, %dma_wait3A_333, %dma_wait3A_334] : memref<3x128x128xf32, #tpu.memory_space<vmem>> -> memref<1x128x128xf32, #tpu.memory_space<vmem>>
    %dma_wait3A_336 = tpu.memref_squeeze %dma_wait3A_335 : memref<1x128x128xf32, #tpu.memory_space<vmem>> -> memref<128x128xf32, #tpu.memory_space<vmem>>
    %dma_wait3A_337 = arith.constant 0 : i32
    %dma_wait3A_338 = tpu.memref_slice %arg3[%add3A_242, %dma_wait3A_337] : memref<16384x128xf32, #tpu.memory_space<hbm>> -> memref<128x128xf32, #tpu.memory_space<hbm>>
    %dma_wait3A_339 = arith.constant 0 : i32
    %dma_wait3A_340 = arith.constant 0 : i32
    %dma_wait3A_341 = tpu.memref_slice %arg8[%dma_wait3A_332, %dma_wait3A_339, %dma_wait3A_340] : memref<3x128x128xf32, #tpu.memory_space<vmem>> -> memref<1x128x128xf32, #tpu.memory_space<vmem>>
    %dma_wait3A_342 = tpu.memref_squeeze %dma_wait3A_341 : memref<1x128x128xf32, #tpu.memory_space<vmem>> -> memref<128x128xf32, #tpu.memory_space<vmem>>
    %dma_wait3A_343 = arith.constant 0 : i32
    %dma_wait3A_344 = tpu.memref_slice %arg3[%add3A_242, %dma_wait3A_343] : memref<16384x128xf32, #tpu.memory_space<hbm>> -> memref<128x128xf32, #tpu.memory_space<hbm>>
    tpu.wait_dma2 semaphore(%arg11 : memref<!tpu.dma_semaphore, #tpu.memory_space<semaphore_mem>>) src(%dma_wait3A_344 : memref<128x128xf32, #tpu.memory_space<hbm>>) dst(%dma_wait3A_342 : memref<128x128xf32, #tpu.memory_space<vmem>>)
    %scan3A_345 = arith.constant 0 : i32
    %scan3A_346 = arith.constant 64 : i32
    %scan3A_347 = arith.addi %scan3A_345, %scan3A_346 : i32
    %scan3A_348 = arith.constant 1 : i32
    %scan3A_349:16 = scf.for %scan3A_369 = %scan3A_345 to %scan3A_347 step %scan3A_348 iter_args(%scan3A_370 = %scan3A_322#0, %scan3A_371 = %scan3A_322#1, %scan3A_372 = %scan3A_322#2, %scan3A_373 = %scan3A_322#3, %scan3A_374 = %scan3A_322#4, %scan3A_375 = %scan3A_322#5, %scan3A_376 = %scan3A_322#6, %scan3A_377 = %scan3A_322#7, %scan3A_378 = %scan3A_322#8, %scan3A_379 = %scan3A_322#9, %scan3A_380 = %scan3A_322#10, %scan3A_381 = %scan3A_322#11, %scan3A_382 = %scan3A_322#12, %scan3A_383 = %scan3A_322#13, %scan3A_384 = %scan3A_322#14, %scan3A_385 = %scan3A_322#15) -> (vector<16xf32>, vector<16xf32>, vector<16xf32>, vector<16xf32>, vector<16xf32>, vector<16xf32>, vector<16xf32>, vector<16xf32>, vector<16xf32>, vector<16xf32>, vector<16xf32>, vector<16xf32>, vector<16xf32>, vector<16xf32>, vector<16xf32>, vector<16xf32>)  : i32 {
      %mul3A_386 = arith.constant 2 : i32
      %mul3A_387 = arith.muli %scan3A_369, %mul3A_386 : i32
      %add3A_388 = arith.constant 0 : i32
      %add3A_389 = arith.addi %mul3A_387, %add3A_388 : i32
      %get3A = arith.constant 1 : i32
      %get3A_390 = arith.index_cast %get3A : i32 to index
      %get3A_391 = arith.index_cast %add3A_389 : i32 to index
      %get3A_392 = arith.constant 0 : index
      %get3A_393 = tpu.vector_load %arg8[%get3A_390, %get3A_391, %get3A_392] {strides = array<i32>} : memref<3x128x128xf32, #tpu.memory_space<vmem>>, vector<1x1x16xf32>,
      %get3A_394 = vector.shape_cast %get3A_393 : vector<1x1x16xf32> to vector<16xf32>
      %add3A_395 = arith.constant 384 : i32
      %add3A_396 = arith.addi %add3A_395, %mul3A_387 : i32
      %add3A_397 = arith.constant 0 : i32
      %add3A_398 = arith.addi %add3A_396, %add3A_397 : i32
      %get3A_399 = arith.index_cast %add3A_398 : i32 to index
      %get3A_400 = arith.constant 0 : index
      %get3A_401 = tpu.vector_load %arg7[%get3A_399, %get3A_400] {strides = array<i32>} : memref<512x128xf32, #tpu.memory_space<vmem>>, vector<1x16xf32>,
      %get3A_402 = vector.shape_cast %get3A_401 : vector<1x16xf32> to vector<16xf32>
      %sub3A = arith.subf %get3A_394, %get3A_402 : vector<16xf32>
      %mul3A_403 = arith.mulf %sub3A, %sub3A : vector<16xf32>
      %add3A_404 = arith.addf %scan3A_370, %mul3A_403 : vector<16xf32>
      %add3A_405 = arith.constant 0 : i32
      %add3A_406 = arith.addi %mul3A_387, %add3A_405 : i32
      %get3A_407 = arith.constant 1 : i32
      %get3A_408 = arith.index_cast %get3A_407 : i32 to index
      %get3A_409 = arith.index_cast %add3A_406 : i32 to index
      %get3A_410 = arith.constant 16 : index
      %get3A_411 = tpu.vector_load %arg8[%get3A_408, %get3A_409, %get3A_410] {strides = array<i32>} : memref<3x128x128xf32, #tpu.memory_space<vmem>>, vector<1x1x16xf32>,
      %get3A_412 = vector.shape_cast %get3A_411 : vector<1x1x16xf32> to vector<16xf32>
      %add3A_413 = arith.constant 384 : i32
      %add3A_414 = arith.addi %add3A_413, %mul3A_387 : i32
      %add3A_415 = arith.constant 0 : i32
      %add3A_416 = arith.addi %add3A_414, %add3A_415 : i32
      %get3A_417 = arith.index_cast %add3A_416 : i32 to index
      %get3A_418 = arith.constant 16 : index
      %get3A_419 = tpu.vector_load %arg7[%get3A_417, %get3A_418] {strides = array<i32>} : memref<512x128xf32, #tpu.memory_space<vmem>>, vector<1x16xf32>,
      %get3A_420 = vector.shape_cast %get3A_419 : vector<1x16xf32> to vector<16xf32>
      %sub3A_421 = arith.subf %get3A_412, %get3A_420 : vector<16xf32>
      %mul3A_422 = arith.mulf %sub3A_421, %sub3A_421 : vector<16xf32>
      %add3A_423 = arith.addf %scan3A_371, %mul3A_422 : vector<16xf32>
      %add3A_424 = arith.constant 0 : i32
      %add3A_425 = arith.addi %mul3A_387, %add3A_424 : i32
      %get3A_426 = arith.constant 1 : i32
      %get3A_427 = arith.index_cast %get3A_426 : i32 to index
      %get3A_428 = arith.index_cast %add3A_425 : i32 to index
      %get3A_429 = arith.constant 32 : index
      %get3A_430 = tpu.vector_load %arg8[%get3A_427, %get3A_428, %get3A_429] {strides = array<i32>} : memref<3x128x128xf32, #tpu.memory_space<vmem>>, vector<1x1x16xf32>,
      %get3A_431 = vector.shape_cast %get3A_430 : vector<1x1x16xf32> to vector<16xf32>
      %add3A_432 = arith.constant 384 : i32
      %add3A_433 = arith.addi %add3A_432, %mul3A_387 : i32
      %add3A_434 = arith.constant 0 : i32
      %add3A_435 = arith.addi %add3A_433, %add3A_434 : i32
      %get3A_436 = arith.index_cast %add3A_435 : i32 to index
      %get3A_437 = arith.constant 32 : index
      %get3A_438 = tpu.vector_load %arg7[%get3A_436, %get3A_437] {strides = array<i32>} : memref<512x128xf32, #tpu.memory_space<vmem>>, vector<1x16xf32>,
      %get3A_439 = vector.shape_cast %get3A_438 : vector<1x16xf32> to vector<16xf32>
      %sub3A_440 = arith.subf %get3A_431, %get3A_439 : vector<16xf32>
      %mul3A_441 = arith.mulf %sub3A_440, %sub3A_440 : vector<16xf32>
      %add3A_442 = arith.addf %scan3A_372, %mul3A_441 : vector<16xf32>
      %add3A_443 = arith.constant 0 : i32
      %add3A_444 = arith.addi %mul3A_387, %add3A_443 : i32
      %get3A_445 = arith.constant 1 : i32
      %get3A_446 = arith.index_cast %get3A_445 : i32 to index
      %get3A_447 = arith.index_cast %add3A_444 : i32 to index
      %get3A_448 = arith.constant 48 : index
      %get3A_449 = tpu.vector_load %arg8[%get3A_446, %get3A_447, %get3A_448] {strides = array<i32>} : memref<3x128x128xf32, #tpu.memory_space<vmem>>, vector<1x1x16xf32>,
      %get3A_450 = vector.shape_cast %get3A_449 : vector<1x1x16xf32> to vector<16xf32>
      %add3A_451 = arith.constant 384 : i32
      %add3A_452 = arith.addi %add3A_451, %mul3A_387 : i32
      %add3A_453 = arith.constant 0 : i32
      %add3A_454 = arith.addi %add3A_452, %add3A_453 : i32
      %get3A_455 = arith.index_cast %add3A_454 : i32 to index
      %get3A_456 = arith.constant 48 : index
      %get3A_457 = tpu.vector_load %arg7[%get3A_455, %get3A_456] {strides = array<i32>} : memref<512x128xf32, #tpu.memory_space<vmem>>, vector<1x16xf32>,
      %get3A_458 = vector.shape_cast %get3A_457 : vector<1x16xf32> to vector<16xf32>
      %sub3A_459 = arith.subf %get3A_450, %get3A_458 : vector<16xf32>
      %mul3A_460 = arith.mulf %sub3A_459, %sub3A_459 : vector<16xf32>
      %add3A_461 = arith.addf %scan3A_373, %mul3A_460 : vector<16xf32>
      %add3A_462 = arith.constant 0 : i32
      %add3A_463 = arith.addi %mul3A_387, %add3A_462 : i32
      %get3A_464 = arith.constant 1 : i32
      %get3A_465 = arith.index_cast %get3A_464 : i32 to index
      %get3A_466 = arith.index_cast %add3A_463 : i32 to index
      %get3A_467 = arith.constant 64 : index
      %get3A_468 = tpu.vector_load %arg8[%get3A_465, %get3A_466, %get3A_467] {strides = array<i32>} : memref<3x128x128xf32, #tpu.memory_space<vmem>>, vector<1x1x16xf32>,
      %get3A_469 = vector.shape_cast %get3A_468 : vector<1x1x16xf32> to vector<16xf32>
      %add3A_470 = arith.constant 384 : i32
      %add3A_471 = arith.addi %add3A_470, %mul3A_387 : i32
      %add3A_472 = arith.constant 0 : i32
      %add3A_473 = arith.addi %add3A_471, %add3A_472 : i32
      %get3A_474 = arith.index_cast %add3A_473 : i32 to index
      %get3A_475 = arith.constant 64 : index
      %get3A_476 = tpu.vector_load %arg7[%get3A_474, %get3A_475] {strides = array<i32>} : memref<512x128xf32, #tpu.memory_space<vmem>>, vector<1x16xf32>,
      %get3A_477 = vector.shape_cast %get3A_476 : vector<1x16xf32> to vector<16xf32>
      %sub3A_478 = arith.subf %get3A_469, %get3A_477 : vector<16xf32>
      %mul3A_479 = arith.mulf %sub3A_478, %sub3A_478 : vector<16xf32>
      %add3A_480 = arith.addf %scan3A_374, %mul3A_479 : vector<16xf32>
      %add3A_481 = arith.constant 0 : i32
      %add3A_482 = arith.addi %mul3A_387, %add3A_481 : i32
      %get3A_483 = arith.constant 1 : i32
      %get3A_484 = arith.index_cast %get3A_483 : i32 to index
      %get3A_485 = arith.index_cast %add3A_482 : i32 to index
      %get3A_486 = arith.constant 80 : index
      %get3A_487 = tpu.vector_load %arg8[%get3A_484, %get3A_485, %get3A_486] {strides = array<i32>} : memref<3x128x128xf32, #tpu.memory_space<vmem>>, vector<1x1x16xf32>,
      %get3A_488 = vector.shape_cast %get3A_487 : vector<1x1x16xf32> to vector<16xf32>
      %add3A_489 = arith.constant 384 : i32
      %add3A_490 = arith.addi %add3A_489, %mul3A_387 : i32
      %add3A_491 = arith.constant 0 : i32
      %add3A_492 = arith.addi %add3A_490, %add3A_491 : i32
      %get3A_493 = arith.index_cast %add3A_492 : i32 to index
      %get3A_494 = arith.constant 80 : index
      %get3A_495 = tpu.vector_load %arg7[%get3A_493, %get3A_494] {strides = array<i32>} : memref<512x128xf32, #tpu.memory_space<vmem>>, vector<1x16xf32>,
      %get3A_496 = vector.shape_cast %get3A_495 : vector<1x16xf32> to vector<16xf32>
      %sub3A_497 = arith.subf %get3A_488, %get3A_496 : vector<16xf32>
      %mul3A_498 = arith.mulf %sub3A_497, %sub3A_497 : vector<16xf32>
      %add3A_499 = arith.addf %scan3A_375, %mul3A_498 : vector<16xf32>
      %add3A_500 = arith.constant 0 : i32
      %add3A_501 = arith.addi %mul3A_387, %add3A_500 : i32
      %get3A_502 = arith.constant 1 : i32
      %get3A_503 = arith.index_cast %get3A_502 : i32 to index
      %get3A_504 = arith.index_cast %add3A_501 : i32 to index
      %get3A_505 = arith.constant 96 : index
      %get3A_506 = tpu.vector_load %arg8[%get3A_503, %get3A_504, %get3A_505] {strides = array<i32>} : memref<3x128x128xf32, #tpu.memory_space<vmem>>, vector<1x1x16xf32>,
      %get3A_507 = vector.shape_cast %get3A_506 : vector<1x1x16xf32> to vector<16xf32>
      %add3A_508 = arith.constant 384 : i32
      %add3A_509 = arith.addi %add3A_508, %mul3A_387 : i32
      %add3A_510 = arith.constant 0 : i32
      %add3A_511 = arith.addi %add3A_509, %add3A_510 : i32
      %get3A_512 = arith.index_cast %add3A_511 : i32 to index
      %get3A_513 = arith.constant 96 : index
      %get3A_514 = tpu.vector_load %arg7[%get3A_512, %get3A_513] {strides = array<i32>} : memref<512x128xf32, #tpu.memory_space<vmem>>, vector<1x16xf32>,
      %get3A_515 = vector.shape_cast %get3A_514 : vector<1x16xf32> to vector<16xf32>
      %sub3A_516 = arith.subf %get3A_507, %get3A_515 : vector<16xf32>
      %mul3A_517 = arith.mulf %sub3A_516, %sub3A_516 : vector<16xf32>
      %add3A_518 = arith.addf %scan3A_376, %mul3A_517 : vector<16xf32>
      %add3A_519 = arith.constant 0 : i32
      %add3A_520 = arith.addi %mul3A_387, %add3A_519 : i32
      %get3A_521 = arith.constant 1 : i32
      %get3A_522 = arith.index_cast %get3A_521 : i32 to index
      %get3A_523 = arith.index_cast %add3A_520 : i32 to index
      %get3A_524 = arith.constant 112 : index
      %get3A_525 = tpu.vector_load %arg8[%get3A_522, %get3A_523, %get3A_524] {strides = array<i32>} : memref<3x128x128xf32, #tpu.memory_space<vmem>>, vector<1x1x16xf32>,
      %get3A_526 = vector.shape_cast %get3A_525 : vector<1x1x16xf32> to vector<16xf32>
      %add3A_527 = arith.constant 384 : i32
      %add3A_528 = arith.addi %add3A_527, %mul3A_387 : i32
      %add3A_529 = arith.constant 0 : i32
      %add3A_530 = arith.addi %add3A_528, %add3A_529 : i32
      %get3A_531 = arith.index_cast %add3A_530 : i32 to index
      %get3A_532 = arith.constant 112 : index
      %get3A_533 = tpu.vector_load %arg7[%get3A_531, %get3A_532] {strides = array<i32>} : memref<512x128xf32, #tpu.memory_space<vmem>>, vector<1x16xf32>,
      %get3A_534 = vector.shape_cast %get3A_533 : vector<1x16xf32> to vector<16xf32>
      %sub3A_535 = arith.subf %get3A_526, %get3A_534 : vector<16xf32>
      %mul3A_536 = arith.mulf %sub3A_535, %sub3A_535 : vector<16xf32>
      %add3A_537 = arith.addf %scan3A_377, %mul3A_536 : vector<16xf32>
      %add3A_538 = arith.constant 1 : i32
      %add3A_539 = arith.addi %mul3A_387, %add3A_538 : i32
      %get3A_540 = arith.constant 1 : i32
      %get3A_541 = arith.index_cast %get3A_540 : i32 to index
      %get3A_542 = arith.index_cast %add3A_539 : i32 to index
      %get3A_543 = arith.constant 0 : index
      %get3A_544 = tpu.vector_load %arg8[%get3A_541, %get3A_542, %get3A_543] {strides = array<i32>} : memref<3x128x128xf32, #tpu.memory_space<vmem>>, vector<1x1x16xf32>,
      %get3A_545 = vector.shape_cast %get3A_544 : vector<1x1x16xf32> to vector<16xf32>
      %add3A_546 = arith.constant 384 : i32
      %add3A_547 = arith.addi %add3A_546, %mul3A_387 : i32
      %add3A_548 = arith.constant 1 : i32
      %add3A_549 = arith.addi %add3A_547, %add3A_548 : i32
      %get3A_550 = arith.index_cast %add3A_549 : i32 to index
      %get3A_551 = arith.constant 0 : index
      %get3A_552 = tpu.vector_load %arg7[%get3A_550, %get3A_551] {strides = array<i32>} : memref<512x128xf32, #tpu.memory_space<vmem>>, vector<1x16xf32>,
      %get3A_553 = vector.shape_cast %get3A_552 : vector<1x16xf32> to vector<16xf32>
      %sub3A_554 = arith.subf %get3A_545, %get3A_553 : vector<16xf32>
      %mul3A_555 = arith.mulf %sub3A_554, %sub3A_554 : vector<16xf32>
      %add3A_556 = arith.addf %scan3A_378, %mul3A_555 : vector<16xf32>
      %add3A_557 = arith.constant 1 : i32
      %add3A_558 = arith.addi %mul3A_387, %add3A_557 : i32
      %get3A_559 = arith.constant 1 : i32
      %get3A_560 = arith.index_cast %get3A_559 : i32 to index
      %get3A_561 = arith.index_cast %add3A_558 : i32 to index
      %get3A_562 = arith.constant 16 : index
      %get3A_563 = tpu.vector_load %arg8[%get3A_560, %get3A_561, %get3A_562] {strides = array<i32>} : memref<3x128x128xf32, #tpu.memory_space<vmem>>, vector<1x1x16xf32>,
      %get3A_564 = vector.shape_cast %get3A_563 : vector<1x1x16xf32> to vector<16xf32>
      %add3A_565 = arith.constant 384 : i32
      %add3A_566 = arith.addi %add3A_565, %mul3A_387 : i32
      %add3A_567 = arith.constant 1 : i32
      %add3A_568 = arith.addi %add3A_566, %add3A_567 : i32
      %get3A_569 = arith.index_cast %add3A_568 : i32 to index
      %get3A_570 = arith.constant 16 : index
      %get3A_571 = tpu.vector_load %arg7[%get3A_569, %get3A_570] {strides = array<i32>} : memref<512x128xf32, #tpu.memory_space<vmem>>, vector<1x16xf32>,
      %get3A_572 = vector.shape_cast %get3A_571 : vector<1x16xf32> to vector<16xf32>
      %sub3A_573 = arith.subf %get3A_564, %get3A_572 : vector<16xf32>
      %mul3A_574 = arith.mulf %sub3A_573, %sub3A_573 : vector<16xf32>
      %add3A_575 = arith.addf %scan3A_379, %mul3A_574 : vector<16xf32>
      %add3A_576 = arith.constant 1 : i32
      %add3A_577 = arith.addi %mul3A_387, %add3A_576 : i32
      %get3A_578 = arith.constant 1 : i32
      %get3A_579 = arith.index_cast %get3A_578 : i32 to index
      %get3A_580 = arith.index_cast %add3A_577 : i32 to index
      %get3A_581 = arith.constant 32 : index
      %get3A_582 = tpu.vector_load %arg8[%get3A_579, %get3A_580, %get3A_581] {strides = array<i32>} : memref<3x128x128xf32, #tpu.memory_space<vmem>>, vector<1x1x16xf32>,
      %get3A_583 = vector.shape_cast %get3A_582 : vector<1x1x16xf32> to vector<16xf32>
      %add3A_584 = arith.constant 384 : i32
      %add3A_585 = arith.addi %add3A_584, %mul3A_387 : i32
      %add3A_586 = arith.constant 1 : i32
      %add3A_587 = arith.addi %add3A_585, %add3A_586 : i32
      %get3A_588 = arith.index_cast %add3A_587 : i32 to index
      %get3A_589 = arith.constant 32 : index
      %get3A_590 = tpu.vector_load %arg7[%get3A_588, %get3A_589] {strides = array<i32>} : memref<512x128xf32, #tpu.memory_space<vmem>>, vector<1x16xf32>,
      %get3A_591 = vector.shape_cast %get3A_590 : vector<1x16xf32> to vector<16xf32>
      %sub3A_592 = arith.subf %get3A_583, %get3A_591 : vector<16xf32>
      %mul3A_593 = arith.mulf %sub3A_592, %sub3A_592 : vector<16xf32>
      %add3A_594 = arith.addf %scan3A_380, %mul3A_593 : vector<16xf32>
      %add3A_595 = arith.constant 1 : i32
      %add3A_596 = arith.addi %mul3A_387, %add3A_595 : i32
      %get3A_597 = arith.constant 1 : i32
      %get3A_598 = arith.index_cast %get3A_597 : i32 to index
      %get3A_599 = arith.index_cast %add3A_596 : i32 to index
      %get3A_600 = arith.constant 48 : index
      %get3A_601 = tpu.vector_load %arg8[%get3A_598, %get3A_599, %get3A_600] {strides = array<i32>} : memref<3x128x128xf32, #tpu.memory_space<vmem>>, vector<1x1x16xf32>,
      %get3A_602 = vector.shape_cast %get3A_601 : vector<1x1x16xf32> to vector<16xf32>
      %add3A_603 = arith.constant 384 : i32
      %add3A_604 = arith.addi %add3A_603, %mul3A_387 : i32
      %add3A_605 = arith.constant 1 : i32
      %add3A_606 = arith.addi %add3A_604, %add3A_605 : i32
      %get3A_607 = arith.index_cast %add3A_606 : i32 to index
      %get3A_608 = arith.constant 48 : index
      %get3A_609 = tpu.vector_load %arg7[%get3A_607, %get3A_608] {strides = array<i32>} : memref<512x128xf32, #tpu.memory_space<vmem>>, vector<1x16xf32>,
      %get3A_610 = vector.shape_cast %get3A_609 : vector<1x16xf32> to vector<16xf32>
      %sub3A_611 = arith.subf %get3A_602, %get3A_610 : vector<16xf32>
      %mul3A_612 = arith.mulf %sub3A_611, %sub3A_611 : vector<16xf32>
      %add3A_613 = arith.addf %scan3A_381, %mul3A_612 : vector<16xf32>
      %add3A_614 = arith.constant 1 : i32
      %add3A_615 = arith.addi %mul3A_387, %add3A_614 : i32
      %get3A_616 = arith.constant 1 : i32
      %get3A_617 = arith.index_cast %get3A_616 : i32 to index
      %get3A_618 = arith.index_cast %add3A_615 : i32 to index
      %get3A_619 = arith.constant 64 : index
      %get3A_620 = tpu.vector_load %arg8[%get3A_617, %get3A_618, %get3A_619] {strides = array<i32>} : memref<3x128x128xf32, #tpu.memory_space<vmem>>, vector<1x1x16xf32>,
      %get3A_621 = vector.shape_cast %get3A_620 : vector<1x1x16xf32> to vector<16xf32>
      %add3A_622 = arith.constant 384 : i32
      %add3A_623 = arith.addi %add3A_622, %mul3A_387 : i32
      %add3A_624 = arith.constant 1 : i32
      %add3A_625 = arith.addi %add3A_623, %add3A_624 : i32
      %get3A_626 = arith.index_cast %add3A_625 : i32 to index
      %get3A_627 = arith.constant 64 : index
      %get3A_628 = tpu.vector_load %arg7[%get3A_626, %get3A_627] {strides = array<i32>} : memref<512x128xf32, #tpu.memory_space<vmem>>, vector<1x16xf32>,
      %get3A_629 = vector.shape_cast %get3A_628 : vector<1x16xf32> to vector<16xf32>
      %sub3A_630 = arith.subf %get3A_621, %get3A_629 : vector<16xf32>
      %mul3A_631 = arith.mulf %sub3A_630, %sub3A_630 : vector<16xf32>
      %add3A_632 = arith.addf %scan3A_382, %mul3A_631 : vector<16xf32>
      %add3A_633 = arith.constant 1 : i32
      %add3A_634 = arith.addi %mul3A_387, %add3A_633 : i32
      %get3A_635 = arith.constant 1 : i32
      %get3A_636 = arith.index_cast %get3A_635 : i32 to index
      %get3A_637 = arith.index_cast %add3A_634 : i32 to index
      %get3A_638 = arith.constant 80 : index
      %get3A_639 = tpu.vector_load %arg8[%get3A_636, %get3A_637, %get3A_638] {strides = array<i32>} : memref<3x128x128xf32, #tpu.memory_space<vmem>>, vector<1x1x16xf32>,
      %get3A_640 = vector.shape_cast %get3A_639 : vector<1x1x16xf32> to vector<16xf32>
      %add3A_641 = arith.constant 384 : i32
      %add3A_642 = arith.addi %add3A_641, %mul3A_387 : i32
      %add3A_643 = arith.constant 1 : i32
      %add3A_644 = arith.addi %add3A_642, %add3A_643 : i32
      %get3A_645 = arith.index_cast %add3A_644 : i32 to index
      %get3A_646 = arith.constant 80 : index
      %get3A_647 = tpu.vector_load %arg7[%get3A_645, %get3A_646] {strides = array<i32>} : memref<512x128xf32, #tpu.memory_space<vmem>>, vector<1x16xf32>,
      %get3A_648 = vector.shape_cast %get3A_647 : vector<1x16xf32> to vector<16xf32>
      %sub3A_649 = arith.subf %get3A_640, %get3A_648 : vector<16xf32>
      %mul3A_650 = arith.mulf %sub3A_649, %sub3A_649 : vector<16xf32>
      %add3A_651 = arith.addf %scan3A_383, %mul3A_650 : vector<16xf32>
      %add3A_652 = arith.constant 1 : i32
      %add3A_653 = arith.addi %mul3A_387, %add3A_652 : i32
      %get3A_654 = arith.constant 1 : i32
      %get3A_655 = arith.index_cast %get3A_654 : i32 to index
      %get3A_656 = arith.index_cast %add3A_653 : i32 to index
      %get3A_657 = arith.constant 96 : index
      %get3A_658 = tpu.vector_load %arg8[%get3A_655, %get3A_656, %get3A_657] {strides = array<i32>} : memref<3x128x128xf32, #tpu.memory_space<vmem>>, vector<1x1x16xf32>,
      %get3A_659 = vector.shape_cast %get3A_658 : vector<1x1x16xf32> to vector<16xf32>
      %add3A_660 = arith.constant 384 : i32
      %add3A_661 = arith.addi %add3A_660, %mul3A_387 : i32
      %add3A_662 = arith.constant 1 : i32
      %add3A_663 = arith.addi %add3A_661, %add3A_662 : i32
      %get3A_664 = arith.index_cast %add3A_663 : i32 to index
      %get3A_665 = arith.constant 96 : index
      %get3A_666 = tpu.vector_load %arg7[%get3A_664, %get3A_665] {strides = array<i32>} : memref<512x128xf32, #tpu.memory_space<vmem>>, vector<1x16xf32>,
      %get3A_667 = vector.shape_cast %get3A_666 : vector<1x16xf32> to vector<16xf32>
      %sub3A_668 = arith.subf %get3A_659, %get3A_667 : vector<16xf32>
      %mul3A_669 = arith.mulf %sub3A_668, %sub3A_668 : vector<16xf32>
      %add3A_670 = arith.addf %scan3A_384, %mul3A_669 : vector<16xf32>
      %add3A_671 = arith.constant 1 : i32
      %add3A_672 = arith.addi %mul3A_387, %add3A_671 : i32
      %get3A_673 = arith.constant 1 : i32
      %get3A_674 = arith.index_cast %get3A_673 : i32 to index
      %get3A_675 = arith.index_cast %add3A_672 : i32 to index
      %get3A_676 = arith.constant 112 : index
      %get3A_677 = tpu.vector_load %arg8[%get3A_674, %get3A_675, %get3A_676] {strides = array<i32>} : memref<3x128x128xf32, #tpu.memory_space<vmem>>, vector<1x1x16xf32>,
      %get3A_678 = vector.shape_cast %get3A_677 : vector<1x1x16xf32> to vector<16xf32>
      %add3A_679 = arith.constant 384 : i32
      %add3A_680 = arith.addi %add3A_679, %mul3A_387 : i32
      %add3A_681 = arith.constant 1 : i32
      %add3A_682 = arith.addi %add3A_680, %add3A_681 : i32
      %get3A_683 = arith.index_cast %add3A_682 : i32 to index
      %get3A_684 = arith.constant 112 : index
      %get3A_685 = tpu.vector_load %arg7[%get3A_683, %get3A_684] {strides = array<i32>} : memref<512x128xf32, #tpu.memory_space<vmem>>, vector<1x16xf32>,
      %get3A_686 = vector.shape_cast %get3A_685 : vector<1x16xf32> to vector<16xf32>
      %sub3A_687 = arith.subf %get3A_678, %get3A_686 : vector<16xf32>
      %mul3A_688 = arith.mulf %sub3A_687, %sub3A_687 : vector<16xf32>
      %add3A_689 = arith.addf %scan3A_385, %mul3A_688 : vector<16xf32>
      scf.yield %add3A_404, %add3A_423, %add3A_442, %add3A_461, %add3A_480, %add3A_499, %add3A_518, %add3A_537, %add3A_556, %add3A_575, %add3A_594, %add3A_613, %add3A_632, %add3A_651, %add3A_670, %add3A_689 : vector<16xf32>, vector<16xf32>, vector<16xf32>, vector<16xf32>, vector<16xf32>, vector<16xf32>, vector<16xf32>, vector<16xf32>, vector<16xf32>, vector<16xf32>, vector<16xf32>, vector<16xf32>, vector<16xf32>, vector<16xf32>, vector<16xf32>, vector<16xf32>
    }
    %scan3A_350 = arith.constant 64 : i32
    %add3A_351 = arith.addf %scan3A_349#0, %scan3A_349#1 : vector<16xf32>
    %add3A_352 = arith.addf %add3A_351, %scan3A_349#2 : vector<16xf32>
    %add3A_353 = arith.addf %add3A_352, %scan3A_349#3 : vector<16xf32>
    %add3A_354 = arith.addf %add3A_353, %scan3A_349#4 : vector<16xf32>
    %add3A_355 = arith.addf %add3A_354, %scan3A_349#5 : vector<16xf32>
    %add3A_356 = arith.addf %add3A_355, %scan3A_349#6 : vector<16xf32>
    %add3A_357 = arith.addf %add3A_356, %scan3A_349#7 : vector<16xf32>
    %add3A_358 = arith.addf %add3A_357, %scan3A_349#8 : vector<16xf32>
    %add3A_359 = arith.addf %add3A_358, %scan3A_349#9 : vector<16xf32>
    %add3A_360 = arith.addf %add3A_359, %scan3A_349#10 : vector<16xf32>
    %add3A_361 = arith.addf %add3A_360, %scan3A_349#11 : vector<16xf32>
    %add3A_362 = arith.addf %add3A_361, %scan3A_349#12 : vector<16xf32>
    %add3A_363 = arith.addf %add3A_362, %scan3A_349#13 : vector<16xf32>
    %add3A_364 = arith.addf %add3A_363, %scan3A_349#14 : vector<16xf32>
    %add3A_365 = arith.addf %add3A_364, %scan3A_349#15 : vector<16xf32>
    %swap3A = arith.constant 0 : index
    %swap3A_366 = tpu.vector_load %arg9[%swap3A] {strides = array<i32>} : memref<16xf32, #tpu.memory_space<vmem>>, vector<16xf32>,
    %swap3A_367 = vector.shape_cast %swap3A_366 : vector<16xf32> to vector<16xf32>
    %swap3A_368 = vector.shape_cast %add3A_365 : vector<16xf32> to vector<16xf32>
    tpu.vector_store %arg9[%swap3A], %swap3A_368 {strides = array<i32>} : memref<16xf32, #tpu.memory_space<vmem>>, vector<16xf32>,
    "tpu.region"() ({
      %run_scoped3A = tpu.sem_alloc : memref<!tpu.dma_semaphore, #tpu.memory_space<semaphore_mem>>
      %dma_start3A_369 = arith.constant 0 : i32
      %dma_start3A_370 = tpu.memref_slice %arg5[%add3A, %dma_start3A_369] : memref<32x16xf32, #tpu.memory_space<hbm>> -> memref<1x16xf32, #tpu.memory_space<hbm>>
      %dma_start3A_371 = tpu.memref_squeeze %dma_start3A_370 : memref<1x16xf32, #tpu.memory_space<hbm>> -> memref<16xf32, #tpu.memory_space<hbm>>
      %dma_start3A_372 = arith.constant 0 : i32
      %dma_start3A_373 = tpu.memref_slice %arg5[%add3A, %dma_start3A_372] : memref<32x16xf32, #tpu.memory_space<hbm>> -> memref<1x16xf32, #tpu.memory_space<hbm>>
      %dma_start3A_374 = tpu.memref_squeeze %dma_start3A_373 : memref<1x16xf32, #tpu.memory_space<hbm>> -> memref<16xf32, #tpu.memory_space<hbm>>
      tpu.enqueue_dma source(%arg9 : memref<16xf32, #tpu.memory_space<vmem>>) target(%dma_start3A_374 : memref<16xf32, #tpu.memory_space<hbm>>) target_semaphore(%run_scoped3A : memref<!tpu.dma_semaphore, #tpu.memory_space<semaphore_mem>>)
      %dma_wait3A_375 = arith.constant 0 : i32
      %dma_wait3A_376 = tpu.memref_slice %arg5[%add3A, %dma_wait3A_375] : memref<32x16xf32, #tpu.memory_space<hbm>> -> memref<1x16xf32, #tpu.memory_space<hbm>>
      %dma_wait3A_377 = tpu.memref_squeeze %dma_wait3A_376 : memref<1x16xf32, #tpu.memory_space<hbm>> -> memref<16xf32, #tpu.memory_space<hbm>>
      %dma_wait3A_378 = arith.constant 0 : i32
      %dma_wait3A_379 = tpu.memref_slice %arg5[%add3A, %dma_wait3A_378] : memref<32x16xf32, #tpu.memory_space<hbm>> -> memref<1x16xf32, #tpu.memory_space<hbm>>
      %dma_wait3A_380 = tpu.memref_squeeze %dma_wait3A_379 : memref<1x16xf32, #tpu.memory_space<hbm>> -> memref<16xf32, #tpu.memory_space<hbm>>
      tpu.wait_dma2 semaphore(%run_scoped3A : memref<!tpu.dma_semaphore, #tpu.memory_space<semaphore_mem>>) src(%arg9 : memref<16xf32, #tpu.memory_space<vmem>>) dst(%dma_wait3A_380 : memref<16xf32, #tpu.memory_space<hbm>>)
      tpu.yield
    }) : () -> ()
    return
  }
}

</mosaic_0001>

<sc_bundles>
// kernel: kernel.3.cloned.1.call-start
scs
__scs_entry_jumppad:
0x0: {  	(pc) =	sbr.rel $0x88, $3  }
0x1: {  	(tag) =	ssettag $0x0;
	lr =	simm.s32 $0x1  }
0x2: {  	[smem:$0x3F9E] =	sst lr;
	_ =	strace $0xD0000000  }
0x3: {  	_ = 	snop  }
0x4: {  	_ = 	snop  }
0x5: {  	_ = 	snop  }
0x6: {  	_ = 	snop  }
0x7: {  	_ = 	snop  }
__scs_overlays_trampoline_lowered:
0x8: {  	[smem:$0x3FAD] =	sst s0  }
0x9: {  	[smem:$0x3FAE] =	sst s1  }
0xa: {  	[smem:$0x3FAF] =	sst s2  }
0xb: {  	[smem:$0x3FB0] =	sst s3  }
0xc: {  	[smem:$0x3FB1] =	sst s4  }
0xd: {  	[smem:$0x3FB2] =	sst s5  }
0xe: {  	[smem:$0x3FB3] =	sst s6  }
0xf: {  	[smem:$0x3FB4] =	sst s7  }
0x10: {  	[smem:$0x3FB5] =	sst s8  }
0x11: {  	[smem:$0x3FB6] =	sst s9;
	s0 =	simm.s32 @!p0 $0x0  }
0x12: {  	s1 =	sld [smem:$0x3F9C];
	s0 =	simm.s32 @p0 $0x1  }
0x13: {  	[smem:$0x3FB7] =	sst s0;
	s0 =	simm.s32 @!p1 $0x0  }
0x14: {  	s2 =	sld [smem:$0x3F9B];
	s0 =	simm.s32 @p1 $0x1  }
0x15: {  	[smem:$0x3FB8] =	sst s0;
	s0 =	simm.s32 @!p2 $0x0  }
0x16: {  	s3 =	sld [smem:$0x3FDB];
	s0 =	simm.s32 @p2 $0x1  }
0x17: {  	s4 =	simm.s32 $0x1BF5;
	[smem:$0x3FBA] =	sst s0  }
0x18: {  	s0 =	sld [smem:$0x3F9D];
	_ =	swait.ge [sflag:s4], $0x0  }
0x19: {  	s7 =	sld [smem:$0x3F9E]  }
0x1a: {  	s8 =	sadd.s32 $0xFFFFE003, lr  }
0x1b: {  	s9 =	sadd.s32 $0xFFFFFEF7, lr;
	s5 =	simm.s32 $0xFFFFFFFF;
	p2 =	slt.u32 s8, $0xFFFFF086  }
0x1c: {  	p1 =	slt.u32 s9, $0xF7A;
	s5 =	simm.s32 @!p2 $0x0  }
0x1d: {  	s5 =	simm.s32 @p1 $0x1;
	p0 =	seq.s32 s7, s2  }
0x1e: {  	s7 =	smul.u32 @!p0 $0xF7A, s2;
	p2 =	seq.s32 @!p0 s5, $0x0  }
0x1f: {  	s9 =	smul.u32 $0xF7A, s1;
	s8 =	simm.s32 @!p0 $0x1BF5;
	p2 =	por !p2, p0  }
0x20: {  	[sflag:s8] =	ssyncset.s32 @!p0 $0xFFFFF086;
	s6 =	sadd.s32 @!p0 s3, s7;
	s7 =	simm.s32 @!p0 $0x108  }
0x21: {  	s3 =	sadd.s32 s3, s9;
	s6 =	sadd.s32 @!p0 $0x88, s6;
	s7 =	simm.s32 @p2 $0x1082  }
0x22: {  	[simem:s7], [sflag:s8] =	dma.local @!p0 [hbm:s6], $0xF7A  }
0x23: {  	s9 =	sor.u32 $0xD0000000, s2;
	s6 =	simm.s32 $0x108;
	_ =	swait.ge @!p0 [sflag:s8], $0x0  }
0x24: {  	s3 =	sadd.s32 $0x88, s3;
	s6 =	simm.s32 @!p1 $0x1082;
	[sflag:s4] =	ssyncset.s32 $0xFFFFF086  }
0x25: {  	[simem:s6], [sflag:s4] =	dma.local [hbm:s3], $0xF7A  }
0x26: {  	[smem:$0x3F9E] =	sst s1;
	(tag) =	ssettag s2;
	_ =	strace s9  }
0x27: {  	s1 =	sld [smem:$0x3FAE]  }
0x28: {  	s2 =	sld [smem:$0x3FAF]  }
0x29: {  	s4 =	sld [smem:$0x3FB1]  }
0x2a: {  	p0 =	seq.s32 s5, $0x0;
	s5 =	sld [smem:$0x3FB2]  }
0x2b: {  	s6 =	sld [smem:$0x3FB3]  }
0x2c: {  	s7 =	sld [smem:$0x3FB4]  }
0x2d: {  	s3 =	simm.s32 $0x108;
	s8 =	sld [smem:$0x3FB5]  }
0x2e: {  	s3 =	simm.s32 @!p0 $0x1082;
	s9 =	sld [smem:$0x3FB6]  }
0x2f: {  	lr =	sadd.s32 s0, s3;
	s0 =	sld [smem:$0x3FAD]  }
0x30: {  	s3 =	sld [smem:$0x3FB0]  }
0x31: {  	[smem:$0x3FB9] =	sst s10  }
0x32: {  	s10 =	sld [smem:$0x3FB7];
	_ =	sdelay $0x3  }
0x33: {  	p0 =	seq.s32 s10, $0x1;
	s10 =	sld [smem:$0x3FB9];
	_ =	sdelay $0x3  }
0x34: {  	[smem:$0x3FB9] =	sst s10  }
0x35: {  	s10 =	sld [smem:$0x3FB8];
	_ =	sdelay $0x3  }
0x36: {  	p1 =	seq.s32 s10, $0x1;
	s10 =	sld [smem:$0x3FB9];
	_ =	sdelay $0x3  }
0x37: {  	[smem:$0x3FB9] =	sst s10  }
0x38: {  	s10 =	sld [smem:$0x3FBA]  }
0x39: {  	_ = 	snop;
	(pc) =	sbr.ind lr, $3  }
0x3a: {  	_ = 	snop  }
0x3b: {  	_ = 	snop  }
0x3c: {  	p2 =	seq.s32 s10, $0x1;
	s10 =	sld [smem:$0x3FB9]  }
0x3d: {  	_ =	shalt  }
0x3e: {  	_ =	shalt  }
0x3f: {  	_ =	shalt  }
0x40: {  	_ =	shalt  }
0x41: {  	_ =	shalt  }
0x42: {  	_ =	shalt  }
0x43: {  	_ =	shalt  }
0x44: {  	_ =	shalt  }
0x45: {  	_ =	shalt  }
0x46: {  	_ =	shalt  }
0x47: {  	_ =	shalt  }
0x48: {  	_ =	shalt  }
0x49: {  	_ =	shalt  }
0x4a: {  	_ =	shalt  }
0x4b: {  	_ =	shalt  }
0x4c: {  	_ =	shalt  }
0x4d: {  	_ =	shalt  }
0x4e: {  	_ =	shalt  }
0x4f: {  	_ =	shalt  }
0x50: {  	_ =	shalt  }
0x51: {  	_ =	shalt  }
0x52: {  	_ =	shalt  }
0x53: {  	_ =	shalt  }
0x54: {  	_ =	shalt  }
0x55: {  	_ =	shalt  }
0x56: {  	_ =	shalt  }
0x57: {  	_ =	shalt  }
0x58: {  	_ =	shalt  }
0x59: {  	_ =	shalt  }
0x5a: {  	_ =	shalt  }
0x5b: {  	_ =	shalt  }
0x5c: {  	_ =	shalt  }
0x5d: {  	_ =	shalt  }
0x5e: {  	_ =	shalt  }
0x5f: {  	_ =	shalt  }
0x60: {  	_ =	shalt  }
0x61: {  	_ =	shalt  }
0x62: {  	_ =	shalt  }
0x63: {  	_ =	shalt  }
0x64: {  	_ =	shalt  }
0x65: {  	_ =	shalt  }
0x66: {  	_ =	shalt  }
0x67: {  	_ =	shalt  }
0x68: {  	_ =	shalt  }
0x69: {  	_ =	shalt  }
0x6a: {  	_ =	shalt  }
0x6b: {  	_ =	shalt  }
0x6c: {  	_ =	shalt  }
0x6d: {  	_ =	shalt  }
0x6e: {  	_ =	shalt  }
0x6f: {  	_ =	shalt  }
0x70: {  	_ =	shalt  }
0x71: {  	_ =	shalt  }
0x72: {  	_ =	shalt  }
0x73: {  	_ =	shalt  }
0x74: {  	_ =	shalt  }
0x75: {  	_ =	shalt  }
0x76: {  	_ =	shalt  }
0x77: {  	_ =	shalt  }
0x78: {  	_ =	shalt  }
0x79: {  	_ =	shalt  }
0x7a: {  	_ =	shalt  }
0x7b: {  	_ =	shalt  }
0x7c: {  	_ =	shalt  }
0x7d: {  	_ =	shalt  }
0x7e: {  	_ =	shalt  }
0x7f: {  	_ =	shalt  }
0x80: {  	_ =	shalt  }
0x81: {  	_ =	shalt  }
0x82: {  	_ =	shalt  }
0x83: {  	_ =	shalt  }
0x84: {  	_ =	shalt  }
0x85: {  	_ =	shalt  }
0x86: {  	_ =	shalt  }
0x87: {  	_ =	shalt  }
.Lfunc_end0:
.L_simem_size_0:
called_computation_lowered:
.L_overlay_start_0:
0x88: {  	s2 =	sld [smem:$0x3FD9]  }
0x89: {  	s3 =	sld [smem:$0x3FFE];
	_ =	sdelay $0x1  }
0x8a: {  	s1 =	srdreg.scid  }
0x8b: {  	s0 =	sand.u32 $0x1, s1  }
0x8c: {  	s17 =	sshll.u32 s0, $0xA;
	s2 =	sadd.s32 s3, s2  }
0x8d: {  	s2 =	sadd.s32 s2, s17  }
0x8e: {  	[smem:$0x3FC5] =	sst s2  }
0x8f: {  	_ = 	snop  }
0x90: {  	s2 =	sld [smem:$0x3FC9]  }
0x91: {  	s18 =	sld [smem:$0x3FC8]  }
0x92: {  	s4 =	sld [smem:$0x3FC7];
	(tm) =	ssettm $0x1  }
0x93: {  	s5 =	sld [smem:$0x3FFB];
	_ =	sdelay $0x3  }
0x94: {  	_ =	strace s5  }
0x95: {  	s5 =	sld [smem:$0x3FFC];
	_ =	sdelay $0x3  }
0x96: {  	_ =	strace s5  }
0x97: {  	s5 =	sld [smem:$0x3FFD];
	_ =	sdelay $0x3  }
0x98: {  	_ =	strace s5  }
0x99: {  	_ =	strace $0x8FFFFFFF  }
0x9a: {  	s19 =	sld [smem:$0x3FDB];
	_ =	sdelay $0x1  }
0x9b: {  	s6 =	simm.s32 $_scs_section_size  }
0x9c: {  	s7 =	simm.s32 $_size__tile_overlayer_lowered;
	s8 =	simm.s32 $_tile_overlayer_lowered  }
0x9d: {  	s22 =	simm.s32 $0x1BFF;
	s21 =	sshll.u32 s8, $0x1;
	s5 =	sadd.s32 s6, s19  }
0x9e: {  	s9 =	simm.s32 $0x0;
	s20 =	sshll.u32 s7, $0x1;
	s7 =	sadd.s32 s21, s5  }
0x9f: {  	[timem:s9], [sflag:s22] =	dma.local [hbm:s7], s20  }
0xa0: {  	_ =	swait.ge [sflag:s22], s20  }
0xa1: {  	s6 =	ssub.s32 $0x0, s20;
	[sflag:s22] =	ssyncset.done $0x0  }
0xa2: {  	[sflag:s22] =	ssyncadd.s32 s6;
	_ =	sdelay $0x1  }
0xa3: {  	s23 =	simm.s32 $0x1B8B  }
0xa4: {  	_ =	swait.ge [sflag:s23], $0x1  }
0xa5: {  	[sflag:s23] =	ssyncset.done $0x0  }
0xa6: {  	s25 =	simm.s32 $0x1B8E;
	s24 =	sld [smem:$0x3FFE];
	[sflag:s23] =	ssyncadd.s32 $0xFFFFFFFF  }
0xa7: {  	s26 =	simm.s32 $execute0_lowered;
	[smem:$0x3FD2] =	sst s25  }
0xa8: {  	s7 =	sshll.u32 s26, $0x1;
	_ =	strace $0x80000046;
	[dreg:$0x1] =	wrdreg $0xFFFFFFFF  }
0xa9: {  	s28 =	simm.s32 $_size_execute0_lowered;
	s5 =	sadd.s32 s5, s7;
	[dreg:$0x0] =	wrdreg $0x0  }
0xaa: {  	s7 =	sshll.u32 s28, $0x1;
	[dreg:$0x2] =	wrdreg s5  }
0xab: {  	[dreg:$0x3] =	wrdreg s7  }
0xac: {  	[dreg:$0x4] =	wrdreg $0xC0  }
0xad: {  	_ =	task [dreg:s9], $0x5FFFF  }
0xae: {  	[dreg:$0x1] =	wrdreg $0xFFFFFFFF  }
0xaf: {  	[dreg:$0x0] =	wrdreg $0x60  }
0xb0: {  	[dreg:$0x2] =	wrdreg s2  }
0xb1: {  	[dreg:$0x3] =	wrdreg s18  }
0xb2: {  	[dreg:$0x4] =	wrdreg s4  }
0xb3: {  	[dreg:$0x5] =	wrdreg s24  }
0xb4: {  	[dreg:$0x6] =	wrdreg $0x9  }
0xb5: {  	_ =	task.clear_ibuf [dreg:s9], $0x7FFFF;
	_ =	strace $0x90000046  }
0xb6: {  	s29 =	simm.s32 $0x9;
	_ =	strace $0x80000048  }
0xb7: {  	_ =	swait.ge [sflag:s29], $0x1  }
0xb8: {  	[sflag:s29] =	ssyncadd.s32 $0xFFFFFFFF  }
0xb9: {  	_ =	strace $0x90000048  }
0xba: {  	_ =	sfence  }
0xbb: {  	s30 =	sld [smem:$0x0];
	_ =	sdelay $0x2  }
0xbc: {  	s31 =	sshll.u32 s1, $0xD;
	s1 =	sshrl.u32 s1, $0x2  }
0xbd: {  	s3 =	sand.u32 $0x4000, s31;
	s1 =	sadd.s32 s1, s30  }
0xbe: {  	s0 =	sor.u32 s3, s0;
	s1 =	sshll.u32 s1, $0x11  }
0xbf: {  	s0 =	sor.u32 s1, s0  }
0xc0: {  	s0 =	sadd.s32 $0x8F2B, s0  }
0xc1: {  	[sflag:s0] =	ssyncadd.remote.s32 $0x1  }
0xc2: {  	_ =	sfence.sel $0xFFFF  }
0xc3: {  	[dreg:$0x0] =	wrdreg $0xFFFFFFFF;
	(pc) =	sbr.abs _section_cstart, $3  }
0xc4: {  	[dreg:$0x1] =	wrdreg $0xFFFFFFFF  }
0xc5: {  	_ =	task.clear_ibuf [dreg:s9], $0x2FFFF;
	_ =	strace $0x9FFFFFFF  }
0xc6: {  	(tm) =	ssettm $0x7FFFFFFF  }
0xc7: {  	_ =	shalt  }
tec
execute0_lowered:
.L_overlay_start_1:
0x0: {  	(tag) =	ssettag $0x1  }
0x1: {  	s0 =	rddreg [dreg:$0x0]  }
0x2: {  	s1 =	rddreg [dreg:$0x1]  }
0x3: {  	s2 =	rddreg [dreg:$0x2];
	s3 =	srdreg.scid  }
0x4: {  	s5 =	stileid.u32;
	s14 =	rddreg [dreg:$0x3];
	s17 =	simm.s32 $0x80  }
0x5: {  	s28 =	simm.s32 $0x1;
	s29 =	simm.s32 $0x2;
	s30 =	simm.s32 $0x8200  }
0x6: {  	s4 =	sand.u32 $0x1, s3;
	s5 =	sshll.u32 s5, $0x1;
	s3 =	simm.s32 $0x0  }
0x7: {  	s31 =	simm.s32 $0xC200;
	s13 =	sor.u32 s4, s5;
	[smem:$0x7FF] =	sst s3  }
0x8: {  	s4 =	ssub.s32 $0x2, s4;
	s6 =	sshll.u32 s13, $0x9;
	_ =	strace $0x80000047  }
0x9: {  	s18 =	sshrl.u32 s4, $0x1;
	s19 =	sshll.u32 s13, $0x6;
	s22 =	sshll.u32 s13, $0xD  }
0xa: {  	s26 =	sshll.u32 s13, $0x4;
	s10 =	sor.u32 $0x40, s6;
	s15 =	ssub.s32 s4, s18  }
0xb: {  	s4 =	sadd.s32 s0, s19;
	s11 =	sor.u32 $0x80, s6;
	s12 =	sor.u32 $0x100, s6  }
0xc: {  	s16 =	sor.u32 $0x180, s6;
	s9 =	sadd.s32 s1, s22;
	s14 =	sadd.s32 s14, s26  }
0xd: {  	s18 =	simm.s32 $0x100;
	s19 =	simm.s32 $0x180;
	s26 =	simm.s32 $0x4200  }
0xe: {  	s22 =	simm.s32 $0x0;
	s20 =	sshrl.u32 s10, $0x3;
	s7 =	sshrl.u32 s11, $0x3  }
0xf: {  	s21 =	sshrl.u32 s12, $0x3;
	s8 =	sshrl.u32 s16, $0x3;
	s23 =	sshll.u32 s10, $0x4  }
0x10: {  	s11 =	sshll.u32 s11, $0x4;
	s24 =	sshll.u32 s12, $0x4;
	s25 =	sshll.u32 s16, $0x4  }
0x11: {  	s15 =	smax.u32 s15, $0x1;
	s16 =	simm.s32 $0x40;
	s5 =	sadd.s32 s0, s20  }
0x12: {  	s6 =	sadd.s32 s0, s7;
	s7 =	sadd.s32 s0, s21;
	s8 =	sadd.s32 s0, s8  }
0x13: {  	s10 =	sadd.s32 s1, s23;
	s11 =	sadd.s32 s1, s11;
	s12 =	sadd.s32 s1, s24  }
0x14: {  	s13 =	sadd.s32 s1, s25;
	s20 =	simm.s32 $0x10200;
	s21 =	simm.s32 $0x14200  }
0x15: {  	s23 =	simm.s32 $0x3;
	s1 =	simm.s32 $0x1C200;
	s0 =	simm.s32 $0x4  }
.LBB2_1:
0x16: {  	[tilespmem:s3], [sflag:$0x3] =	stream.linear.gather [hbm4b:s4+s3], $0x40, $0x38;
	[tilespmem:$0x1C280] =	vst v63  }
0x17: {  	_ = 	snop  }
0x18: {  	[tilespmem:s16], [sflag:$0x3] =	stream.linear.gather [hbm4b:s5+s3], $0x40, $0x38;
	[tilespmem:$0x1C280] =	vst v63  }
0x19: {  	_ = 	snop  }
0x1a: {  	[tilespmem:s17], [sflag:$0x3] =	stream.linear.gather [hbm4b:s6+s3], $0x80, $0x38;
	[tilespmem:$0x1C280] =	vst v63  }
0x1b: {  	_ = 	snop  }
0x1c: {  	[tilespmem:s18], [sflag:$0x3] =	stream.linear.gather [hbm4b:s7+s3], $0x80, $0x38;
	[tilespmem:$0x1C280] =	vst v63  }
0x1d: {  	_ = 	snop  }
0x1e: {  	[tilespmem:s19], [sflag:$0x3] =	stream.linear.gather [hbm4b:s8+s3], $0x80, $0x38;
	[tilespmem:$0x1C280] =	vst v63  }
0x1f: {  	_ = 	snop  }
0x20: {  	[tilespmem:s20], [sflag:$0x2] =	stream.linear.gather [hbm4b:s9+s3], $0x2000, $0x38;
	[tilespmem:$0x1C280] =	vst v63  }
0x21: {  	_ = 	snop  }
0x22: {  	[tilespmem:s21], [sflag:$0x2] =	stream.linear.gather [hbm4b:s10+s3], $0x2000, $0x38;
	[tilespmem:$0x1C280] =	vst v63  }
0x23: {  	s24 =	simm.s32 $0x18200  }
0x24: {  	[tilespmem:s24], [sflag:$0x2] =	stream.linear.gather [hbm4b:s11+s3], $0x4000, $0x38;
	[tilespmem:$0x1C280] =	vst v63  }
0x25: {  	_ =	swait.ge [sflag:s23], $0x40  }
0x26: {  	[sflag:s23] =	ssyncset.done $0x0  }
0x27: {  	s25 =	simm.s32 $0x200;
	[sflag:s23] =	ssyncadd.s32 $0xFFFFFFC0  }
0x28: {  	[tilespmem:s25], [sflag:$0x1] =	stream.indirect.gather [hbm4b:s2+s16], $0x80, s3, s16, $0xb8;
	[tilespmem:$0x1C280] =	vst v63  }
0x29: {  	_ =	swait.ge [sflag:s23], $0x40  }
0x2a: {  	[sflag:s23] =	ssyncset.done $0x0  }
0x2b: {  	s25 =	simm.s32 $0x2200;
	[sflag:s23] =	ssyncadd.s32 $0xFFFFFFC0  }
0x2c: {  	[tilespmem:s25], [sflag:$0x1] =	stream.indirect.gather [hbm4b:s2+s16], $0x80, s16, s16, $0xb8;
	[tilespmem:$0x1C280] =	vst v63  }
0x2d: {  	_ =	swait.ge [sflag:s23], $0x80  }
0x2e: {  	[sflag:s23] =	ssyncset.done $0x0  }
0x2f: {  	[sflag:s23] =	ssyncadd.s32 $0xFFFFFF80  }
0x30: {  	[tilespmem:s26], [sflag:$0x1] =	stream.indirect.gather [hbm4b:s2+s17], $0x80, s17, s17, $0xb8;
	[tilespmem:$0x1C280] =	vst v63  }
0x31: {  	_ =	swait.ge [sflag:s28], $0x2000  }
0x32: {  	[sflag:s28] =	ssyncset.done $0x0  }
0x33: {  	[sflag:s28] =	ssyncadd.s32 $0xFFFFE000  }
0x34: {  	_ =	swait.ge [sflag:s29], $0x2000  }
0x35: {  	[sflag:s29] =	ssyncset.done $0x0  }
0x36: {  	s25 =	simm.s32 $0x0;
	[sflag:s29] =	ssyncadd.s32 $0xFFFFE000  }
0x37: {  	v0 =	vld [tilespmem:s25+$0x102F0]  }
0x38: {  	v1 =	vld [tilespmem:s25+$0x2F0]  }
0x39: {  	v2 =	vld [tilespmem:s25+$0x10200]  }
0x3a: {  	v3 =	vld [tilespmem:s25+$0x200]  }
0x3b: {  	v4 =	vld [tilespmem:s25+$0x10210]  }
0x3c: {  	v5 =	vld [tilespmem:s25+$0x210]  }
0x3d: {  	v6 =	vld [tilespmem:s25+$0x10220]  }
0x3e: {  	v7 =	vld [tilespmem:s25+$0x220]  }
0x3f: {  	v8 =	vld [tilespmem:s25+$0x10230]  }
0x40: {  	v9 =	vld [tilespmem:s25+$0x230]  }
0x41: {  	v11 =	vld [tilespmem:s25+$0x10240]  }
0x42: {  	v13 =	vld [tilespmem:s25+$0x240]  }
0x43: {  	v14 =	vld [tilespmem:s25+$0x10250]  }
0x44: {  	v15 =	vld [tilespmem:s25+$0x250]  }
0x45: {  	v16 =	vld [tilespmem:s25+$0x10260]  }
0x46: {  	v17 =	vld [tilespmem:s25+$0x260]  }
0x47: {  	v18 =	vld [tilespmem:s25+$0x10270]  }
0x48: {  	v19 =	vld [tilespmem:s25+$0x270]  }
0x49: {  	v20 =	vld [tilespmem:s25+$0x10280];
	v0 =	vsub.f32 v0, v1  }
0x4a: {  	v1 =	vsub.f32 v2, v3;
	v2 =	vsub.f32 v4, v5;
	v3 =	vld [tilespmem:s25+$0x280]  }
0x4b: {  	v12 =	vimm.f32 $0.0e+00;
	v4 =	vsub.f32 v6, v7;
	v5 =	vld [tilespmem:s25+$0x10290];
	v0 =	vmul.f32 v0, v0  }
0x4c: {  	v7 =	vsub.f32 v8, v9;
	v8 =	vld [tilespmem:s25+$0x290];
	v1 =	vmul.f32 v1, v1;
	v2 =	vmul.f32 v2, v2  }
0x4d: {  	v9 =	vld [tilespmem:s25+$0x102A0];
	v10 =	vadd.f32 v0, v12;
	v0 =	vmul.f32 v4, v4;
	v4 =	vsub.f32 v11, v13  }
0x4e: {  	v11 =	vadd.f32 v1, v12;
	v6 =	vadd.f32 v2, v12;
	v2 =	vld [tilespmem:s25+$0x2A0]  }
0x4f: {  	v1 =	vmul.f32 v7, v7;
	v7 =	vsub.f32 v14, v15;
	v13 =	vld [tilespmem:s25+$0x102B0];
	v14 =	vsub.f32 v16, v17  }
0x50: {  	v15 =	vld [tilespmem:s25+$0x2B0];
	v16 =	vsub.f32 v18, v19;
	v3 =	vsub.f32 v20, v3  }
0x51: {  	v22 =	vld [tilespmem:s25+$0x102C0];
	v5 =	vsub.f32 v5, v8;
	v4 =	vmul.f32 v4, v4;
	v7 =	vmul.f32 v7, v7  }
0x52: {  	v20 =	vld [tilespmem:s25+$0x2C0];
	v0 =	vadd.f32 v0, v12;
	v1 =	vadd.f32 v1, v12;
	v14 =	vmul.f32 v14, v14  }
0x53: {  	v17 =	vmul.f32 v16, v16;
	v4 =	vadd.f32 v4, v12;
	v8 =	vadd.f32 v7, v12  }
0x54: {  	v16 =	vld [tilespmem:s25+$0x102D0];
	v3 =	vmul.f32 v3, v3;
	v7 =	vadd.f32 v14, v12;
	v2 =	vsub.f32 v9, v2  }
0x55: {  	v14 =	vmul.f32 v5, v5;
	v9 =	vadd.f32 v17, v12;
	v17 =	vld [tilespmem:s25+$0x2D0];
	v13 =	vsub.f32 v13, v15  }
0x56: {  	v18 =	vld [tilespmem:s25+$0x102E0];
	v5 =	vadd.f32 v3, v12;
	v15 =	vimm.f32 $0.0e+00;
	v21 =	vmul.f32 v2, v2  }
0x57: {  	s24 =	simm.s32 $0x100;
	v19 =	vld [tilespmem:s25+$0x2E0];
	v22 =	vsub.f32 v22, v20;
	v2 =	vadd.f32 v14, v12;
	v14 =	vimm.f32 $0.0e+00  }
0x58: {  	s25 =	simm.s32 $0x800;
	v20 =	vld [tilespmem:s24+$0x102F0];
	v3 =	vadd.f32 v21, v12;
	v21 =	vmul.f32 v13, v13;
	v13 =	vimm.f32 $0.0e+00  }
.LBB2_2:
0x59: {  	p0 =	sne.s32 s25, $0x7C00;
	v23 =	vld [tilespmem:s24+$0x2F0]  }
0x5a: {  	v24 =	vld [tilespmem:s24+$0x10200];
	v12 =	vadd.f32 v21, v12;
	v21 =	vmul.f32 v22, v22;
	v16 =	vsub.f32 v16, v17  }
0x5b: {  	v17 =	vld [tilespmem:s24+$0x200]  }
0x5c: {  	v22 =	vld [tilespmem:s24+$0x10210];
	v15 =	vadd.f32 v21, v15;
	v16 =	vmul.f32 v16, v16;
	v18 =	vsub.f32 v18, v19  }
0x5d: {  	v19 =	vld [tilespmem:s24+$0x210]  }
0x5e: {  	v21 =	vld [tilespmem:s24+$0x10220];
	v20 =	vsub.f32 v20, v23;
	v14 =	vadd.f32 v16, v14;
	v16 =	vmul.f32 v18, v18  }
0x5f: {  	v18 =	vld [tilespmem:s24+$0x220]  }
0x60: {  	v17 =	vsub.f32 v24, v17;
	v23 =	vld [tilespmem:s24+$0x10230];
	v20 =	vmul.f32 v20, v20;
	v13 =	vadd.f32 v16, v13  }
0x61: {  	v16 =	vld [tilespmem:s24+$0x230]  }
0x62: {  	v17 =	vmul.f32 v17, v17;
	v19 =	vsub.f32 v22, v19;
	v22 =	vld [tilespmem:s24+$0x10240];
	v10 =	vadd.f32 v20, v10  }
0x63: {  	v20 =	vld [tilespmem:s24+$0x240]  }
0x64: {  	v11 =	vadd.f32 v17, v11;
	v17 =	vmul.f32 v19, v19;
	v18 =	vsub.f32 v21, v18;
	v19 =	vld [tilespmem:s24+$0x10250]  }
0x65: {  	v21 =	vld [tilespmem:s24+$0x250]  }
0x66: {  	v6 =	vadd.f32 v17, v6;
	v17 =	vmul.f32 v18, v18;
	v16 =	vsub.f32 v23, v16;
	v18 =	vld [tilespmem:s24+$0x10260]  }
0x67: {  	v23 =	vld [tilespmem:s24+$0x260]  }
0x68: {  	v0 =	vadd.f32 v17, v0;
	v16 =	vmul.f32 v16, v16;
	v17 =	vsub.f32 v22, v20;
	v20 =	vld [tilespmem:s24+$0x10270]  }
0x69: {  	v22 =	vld [tilespmem:s24+$0x270]  }
0x6a: {  	v1 =	vadd.f32 v16, v1;
	v16 =	vmul.f32 v17, v17;
	v17 =	vsub.f32 v19, v21;
	v19 =	vld [tilespmem:s24+$0x10280]  }
0x6b: {  	v21 =	vld [tilespmem:s24+$0x280]  }
0x6c: {  	v4 =	vadd.f32 v16, v4;
	v16 =	vmul.f32 v17, v17;
	v17 =	vsub.f32 v18, v23;
	v18 =	vld [tilespmem:s24+$0x10290]  }
0x6d: {  	v23 =	vld [tilespmem:s24+$0x290]  }
0x6e: {  	v8 =	vadd.f32 v16, v8;
	v16 =	vmul.f32 v17, v17;
	v17 =	vsub.f32 v20, v22;
	v20 =	vld [tilespmem:s24+$0x102A0]  }
0x6f: {  	v22 =	vld [tilespmem:s24+$0x2A0]  }
0x70: {  	v7 =	vadd.f32 v16, v7;
	v16 =	vmul.f32 v17, v17;
	v17 =	vsub.f32 v19, v21;
	v19 =	vld [tilespmem:s24+$0x102B0]  }
0x71: {  	v21 =	vld [tilespmem:s24+$0x2B0]  }
0x72: {  	v9 =	vadd.f32 v16, v9;
	v16 =	vmul.f32 v17, v17;
	v17 =	vsub.f32 v18, v23;
	v23 =	vld [tilespmem:s24+$0x102C0]  }
0x73: {  	v24 =	vld [tilespmem:s24+$0x2C0]  }
.Ltmp0:
0x74: {  	v5 =	vadd.f32 v16, v5;
	v18 =	vmul.f32 v17, v17;
	v20 =	vsub.f32 v20, v22;
	v16 =	vld [tilespmem:s24+$0x102D0];
	(pc) =	sbr.rel @p0 .LBB2_2-.Ltmp0, $4  }
0x75: {  	v17 =	vld [tilespmem:s24+$0x2D0]  }
0x76: {  	v2 =	vadd.f32 v18, v2;
	v22 =	vmul.f32 v20, v20;
	v21 =	vsub.f32 v19, v21;
	v18 =	vld [tilespmem:s24+$0x102E0]  }
0x77: {  	v19 =	vld [tilespmem:s24+$0x2E0];
	s24 =	sshra.s32 s25, $0x2  }
0x78: {  	s25 =	sadd.s32 $0x400, s25;
	v20 =	vld [tilespmem:s24+$0x102F0];
	v3 =	vadd.f32 v22, v3;
	v21 =	vmul.f32 v21, v21;
	v22 =	vsub.f32 v23, v24  }
0x79: {  	v23 =	vld [tilespmem:s24+$0x2F0]  }
0x7a: {  	v24 =	vld [tilespmem:s24+$0x10200]  }
0x7b: {  	v25 =	vld [tilespmem:s24+$0x200]  }
0x7c: {  	v26 =	vld [tilespmem:s24+$0x10210]  }
0x7d: {  	v27 =	vld [tilespmem:s24+$0x210]  }
0x7e: {  	v28 =	vld [tilespmem:s24+$0x10220]  }
0x7f: {  	v29 =	vld [tilespmem:s24+$0x220]  }
0x80: {  	v30 =	vld [tilespmem:s24+$0x10230]  }
0x81: {  	v31 =	vld [tilespmem:s24+$0x230]  }
0x82: {  	v32 =	vld [tilespmem:s24+$0x10240]  }
0x83: {  	v33 =	vld [tilespmem:s24+$0x240]  }
0x84: {  	v34 =	vld [tilespmem:s24+$0x10250]  }
0x85: {  	v35 =	vld [tilespmem:s24+$0x250]  }
0x86: {  	v36 =	vld [tilespmem:s24+$0x10260]  }
0x87: {  	v37 =	vld [tilespmem:s24+$0x260]  }
0x88: {  	v38 =	vld [tilespmem:s24+$0x10270]  }
0x89: {  	v39 =	vld [tilespmem:s24+$0x270]  }
0x8a: {  	v40 =	vld [tilespmem:s24+$0x10280]  }
0x8b: {  	v41 =	vld [tilespmem:s24+$0x280]  }
0x8c: {  	v42 =	vld [tilespmem:s24+$0x10290]  }
0x8d: {  	v43 =	vld [tilespmem:s24+$0x290]  }
0x8e: {  	v44 =	vld [tilespmem:s24+$0x102A0]  }
0x8f: {  	v45 =	vld [tilespmem:s24+$0x2A0]  }
0x90: {  	v46 =	vld [tilespmem:s24+$0x102B0]  }
0x91: {  	v47 =	vld [tilespmem:s24+$0x2B0]  }
0x92: {  	v48 =	vld [tilespmem:s24+$0x102C0]  }
0x93: {  	v49 =	vld [tilespmem:s24+$0x2C0]  }
0x94: {  	v50 =	vld [tilespmem:s24+$0x102D0]  }
0x95: {  	v51 =	vld [tilespmem:s24+$0x2D0]  }
0x96: {  	v52 =	vld [tilespmem:s24+$0x102E0];
	s25 =	simm.s32 $0x0  }
0x97: {  	v53 =	vld [tilespmem:s24+$0x2E0];
	[tilespmem:s20], [sflag:$0x2] =	stream.linear.gather [hbm4b:s12+s25], $0x4000, $0x38  }
0x98: {  	_ =	swait.ge [sflag:s23], $0x80  }
0x99: {  	[sflag:s23] =	ssyncset.done $0x0  }
0x9a: {  	[sflag:s23] =	ssyncadd.s32 $0xFFFFFF80  }
0x9b: {  	[tilespmem:s30], [sflag:$0x1] =	stream.indirect.gather [hbm4b:s2+s17], $0x80, s18, s17, $0xb8;
	[tilespmem:$0x1C280] =	vst v63  }
0x9c: {  	_ =	swait.ge [sflag:s28], $0x2000  }
0x9d: {  	[sflag:s28] =	ssyncset.done $0x0  }
0x9e: {  	[sflag:s28] =	ssyncadd.s32 $0xFFFFE000  }
0x9f: {  	_ =	swait.ge [sflag:s29], $0x2000  }
0xa0: {  	v16 =	vsub.f32 v16, v17;
	[sflag:s29] =	ssyncset.done $0x0  }
0xa1: {  	s25 =	simm.s32 $0x0;
	v12 =	vadd.f32 v21, v12;
	v17 =	vsub.f32 v18, v19;
	v19 =	vmul.f32 v22, v22;
	[sflag:s29] =	ssyncadd.s32 $0xFFFFE000  }
0xa2: {  	v16 =	vmul.f32 v16, v16;
	v18 =	vsub.f32 v20, v23;
	v20 =	vsub.f32 v24, v25;
	v21 =	vld [tilespmem:s25+$0x142F0]  }
0xa3: {  	v15 =	vadd.f32 v19, v15;
	v17 =	vmul.f32 v17, v17;
	v19 =	vld [tilespmem:s25+$0x22F0]  }
0xa4: {  	v14 =	vadd.f32 v16, v14;
	v16 =	vmul.f32 v20, v20;
	v20 =	vsub.f32 v26, v27;
	v22 =	vld [tilespmem:s25+$0x14200]  }
0xa5: {  	v18 =	vmul.f32 v18, v18;
	v13 =	vadd.f32 v17, v13;
	v17 =	vld [tilespmem:s25+$0x2200]  }
0xa6: {  	v23 =	vsub.f32 v30, v31;
	v11 =	vadd.f32 v16, v11;
	v16 =	vmul.f32 v20, v20;
	v20 =	vld [tilespmem:s25+$0x14210]  }
0xa7: {  	v10 =	vadd.f32 v18, v10;
	v18 =	vsub.f32 v28, v29;
	v25 =	vld [tilespmem:s25+$0x2210]  }
0xa8: {  	v60 =	vsub.f32 v36, v37;
	v23 =	vmul.f32 v23, v23;
	v26 =	vld [tilespmem:s25+$0x14220]  }
0xa9: {  	v6 =	vadd.f32 v16, v6;
	v16 =	vmul.f32 v18, v18;
	v18 =	vsub.f32 v34, v35;
	v28 =	vld [tilespmem:s25+$0x2220]  }
0xaa: {  	v23 =	vadd.f32 v23, v1;
	v1 =	vmul.f32 v60, v60;
	v61 =	vld [tilespmem:s25+$0x14230]  }
0xab: {  	v62 =	vld [tilespmem:s25+$0x2230];
	v16 =	vadd.f32 v16, v0;
	v0 =	vmul.f32 v18, v18;
	v18 =	vsub.f32 v38, v39  }
0xac: {  	v7 =	vadd.f32 v1, v7;
	v1 =	vsub.f32 v42, v43;
	v43 =	vld [tilespmem:s25+$0x2240]  }
0xad: {  	v54 =	vld [tilespmem:s25+$0x2250];
	v63 =	vadd.f32 v0, v8;
	v0 =	vmul.f32 v18, v18;
	v8 =	vsub.f32 v40, v41  }
0xae: {  	v59 =	vsub.f32 v32, v33;
	v47 =	vsub.f32 v46, v47;
	v56 =	vld [tilespmem:s25+$0x14260];
	v1 =	vmul.f32 v1, v1  }
0xaf: {  	v58 =	vld [tilespmem:s25+$0x2260];
	v9 =	vadd.f32 v0, v9;
	v0 =	vmul.f32 v8, v8;
	v8 =	vsub.f32 v44, v45  }
0xb0: {  	v49 =	vsub.f32 v48, v49;
	v60 =	vld [tilespmem:s25+$0x14270];
	v57 =	vadd.f32 v1, v2;
	v1 =	vmul.f32 v47, v47  }
0xb1: {  	v18 =	vld [tilespmem:s25+$0x14240];
	v55 =	vadd.f32 v0, v5;
	v0 =	vmul.f32 v8, v8;
	v5 =	vsub.f32 v50, v51  }
0xb2: {  	v24 =	vmul.f32 v59, v59;
	v2 =	vmul.f32 v49, v49;
	v45 =	vld [tilespmem:s25+$0x14250];
	v8 =	vadd.f32 v1, v12  }
0xb3: {  	v12 =	vld [tilespmem:s25+$0x2270];
	v59 =	vadd.f32 v0, v3;
	v0 =	vmul.f32 v5, v5;
	v5 =	vsub.f32 v52, v53  }
0xb4: {  	v3 =	vadd.f32 v2, v15;
	v2 =	vsub.f32 v21, v19;
	v19 =	vld [tilespmem:s25+$0x14280]  }
0xb5: {  	v0 =	vadd.f32 v0, v14;
	v1 =	vmul.f32 v5, v5;
	v14 =	vsub.f32 v22, v17;
	v17 =	vld [tilespmem:s25+$0x2280]  }
0xb6: {  	v15 =	vsub.f32 v20, v25;
	v22 =	vsub.f32 v61, v62;
	v61 =	vld [tilespmem:s25+$0x2290]  }
0xb7: {  	v62 =	vld [tilespmem:s25+$0x142C0];
	v5 =	vadd.f32 v1, v13;
	v1 =	vmul.f32 v2, v2;
	v2 =	vsub.f32 v26, v28  }
0xb8: {  	v4 =	vadd.f32 v24, v4;
	v21 =	vmul.f32 v15, v15;
	v13 =	vld [tilespmem:s25+$0x14290];
	v20 =	vmul.f32 v14, v14  }
0xb9: {  	v14 =	vadd.f32 v1, v10;
	v1 =	vmul.f32 v2, v2;
	v2 =	vsub.f32 v18, v43;
	v18 =	vld [tilespmem:s25+$0x142A0]  }
0xba: {  	v15 =	vadd.f32 v20, v11;
	v10 =	vadd.f32 v21, v6;
	v6 =	vmul.f32 v22, v22;
	v20 =	vld [tilespmem:s25+$0x22A0]  }
0xbb: {  	v21 =	vld [tilespmem:s25+$0x142B0];
	v22 =	vsub.f32 v56, v58;
	v1 =	vadd.f32 v1, v16  }
0xbc: {  	v11 =	vmul.f32 v2, v2;
	v16 =	vsub.f32 v45, v54;
	v2 =	vadd.f32 v6, v23;
	v23 =	vld [tilespmem:s25+$0x22B0]  }
0xbd: {  	v17 =	vsub.f32 v19, v17;
	v19 =	vmul.f32 v22, v22;
	v22 =	vld [tilespmem:s25+$0x22C0]  }
0xbe: {  	v12 =	vsub.f32 v60, v12;
	v6 =	vadd.f32 v11, v4;
	v4 =	vmul.f32 v16, v16  }
0xbf: {  	v13 =	vsub.f32 v13, v61  }
0xc0: {  	v16 =	vld [tilespmem:s25+$0x142D0];
	v18 =	vsub.f32 v18, v20;
	v11 =	vadd.f32 v4, v63;
	v4 =	vmul.f32 v12, v12  }
0xc1: {  	v12 =	vadd.f32 v19, v7;
	v7 =	vmul.f32 v17, v17;
	v19 =	vmul.f32 v13, v13;
	v17 =	vld [tilespmem:s25+$0x22D0]  }
0xc2: {  	v20 =	vld [tilespmem:s25+$0x22E0];
	v63 =	vmul.f32 v18, v18;
	v21 =	vsub.f32 v21, v23;
	v22 =	vsub.f32 v62, v22  }
0xc3: {  	s24 =	simm.s32 $0x100;
	v18 =	vld [tilespmem:s25+$0x142E0];
	v13 =	vadd.f32 v4, v9;
	v9 =	vadd.f32 v7, v55  }
0xc4: {  	s25 =	simm.s32 $0x800;
	v4 =	vadd.f32 v19, v57;
	v19 =	vld [tilespmem:s24+$0x142F0];
	v7 =	vadd.f32 v63, v59;
	v21 =	vmul.f32 v21, v21  }
.LBB2_4:
0xc5: {  	p0 =	sne.s32 s25, $0x7C00;
	v23 =	vld [tilespmem:s24+$0x22F0]  }
0xc6: {  	v24 =	vld [tilespmem:s24+$0x14200];
	v8 =	vadd.f32 v21, v8;
	v21 =	vmul.f32 v22, v22;
	v16 =	vsub.f32 v16, v17  }
0xc7: {  	v17 =	vld [tilespmem:s24+$0x2200]  }
0xc8: {  	v22 =	vld [tilespmem:s24+$0x14210];
	v3 =	vadd.f32 v21, v3;
	v16 =	vmul.f32 v16, v16;
	v18 =	vsub.f32 v18, v20  }
0xc9: {  	v20 =	vld [tilespmem:s24+$0x2210]  }
0xca: {  	v21 =	vld [tilespmem:s24+$0x14220];
	v19 =	vsub.f32 v19, v23;
	v0 =	vadd.f32 v16, v0;
	v16 =	vmul.f32 v18, v18  }
0xcb: {  	v18 =	vld [tilespmem:s24+$0x2220]  }
0xcc: {  	v17 =	vsub.f32 v24, v17;
	v23 =	vld [tilespmem:s24+$0x14230];
	v19 =	vmul.f32 v19, v19;
	v5 =	vadd.f32 v16, v5  }
0xcd: {  	v16 =	vld [tilespmem:s24+$0x2230]  }
0xce: {  	v17 =	vmul.f32 v17, v17;
	v20 =	vsub.f32 v22, v20;
	v22 =	vld [tilespmem:s24+$0x14240];
	v14 =	vadd.f32 v19, v14  }
0xcf: {  	v19 =	vld [tilespmem:s24+$0x2240]  }
0xd0: {  	v15 =	vadd.f32 v17, v15;
	v17 =	vmul.f32 v20, v20;
	v18 =	vsub.f32 v21, v18;
	v20 =	vld [tilespmem:s24+$0x14250]  }
0xd1: {  	v21 =	vld [tilespmem:s24+$0x2250]  }
0xd2: {  	v10 =	vadd.f32 v17, v10;
	v17 =	vmul.f32 v18, v18;
	v16 =	vsub.f32 v23, v16;
	v18 =	vld [tilespmem:s24+$0x14260]  }
0xd3: {  	v23 =	vld [tilespmem:s24+$0x2260]  }
0xd4: {  	v1 =	vadd.f32 v17, v1;
	v16 =	vmul.f32 v16, v16;
	v17 =	vsub.f32 v22, v19;
	v19 =	vld [tilespmem:s24+$0x14270]  }
0xd5: {  	v22 =	vld [tilespmem:s24+$0x2270]  }
0xd6: {  	v2 =	vadd.f32 v16, v2;
	v16 =	vmul.f32 v17, v17;
	v17 =	vsub.f32 v20, v21;
	v20 =	vld [tilespmem:s24+$0x14280]  }
0xd7: {  	v21 =	vld [tilespmem:s24+$0x2280]  }
0xd8: {  	v6 =	vadd.f32 v16, v6;
	v16 =	vmul.f32 v17, v17;
	v17 =	vsub.f32 v18, v23;
	v18 =	vld [tilespmem:s24+$0x14290]  }
0xd9: {  	v23 =	vld [tilespmem:s24+$0x2290]  }
0xda: {  	v11 =	vadd.f32 v16, v11;
	v16 =	vmul.f32 v17, v17;
	v17 =	vsub.f32 v19, v22;
	v19 =	vld [tilespmem:s24+$0x142A0]  }
0xdb: {  	v22 =	vld [tilespmem:s24+$0x22A0]  }
0xdc: {  	v12 =	vadd.f32 v16, v12;
	v16 =	vmul.f32 v17, v17;
	v17 =	vsub.f32 v20, v21;
	v20 =	vld [tilespmem:s24+$0x142B0]  }
0xdd: {  	v21 =	vld [tilespmem:s24+$0x22B0]  }
0xde: {  	v13 =	vadd.f32 v16, v13;
	v16 =	vmul.f32 v17, v17;
	v17 =	vsub.f32 v18, v23;
	v23 =	vld [tilespmem:s24+$0x142C0]  }
0xdf: {  	v24 =	vld [tilespmem:s24+$0x22C0]  }
.Ltmp1:
0xe0: {  	v9 =	vadd.f32 v16, v9;
	v18 =	vmul.f32 v17, v17;
	v19 =	vsub.f32 v19, v22;
	v16 =	vld [tilespmem:s24+$0x142D0];
	(pc) =	sbr.rel @p0 .LBB2_4-.Ltmp1, $4  }
0xe1: {  	v17 =	vld [tilespmem:s24+$0x22D0]  }
0xe2: {  	v4 =	vadd.f32 v18, v4;
	v22 =	vmul.f32 v19, v19;
	v21 =	vsub.f32 v20, v21;
	v18 =	vld [tilespmem:s24+$0x142E0]  }
0xe3: {  	v20 =	vld [tilespmem:s24+$0x22E0];
	s24 =	sshra.s32 s25, $0x2  }
0xe4: {  	s25 =	sadd.s32 $0x400, s25;
	v19 =	vld [tilespmem:s24+$0x142F0];
	v7 =	vadd.f32 v22, v7;
	v21 =	vmul.f32 v21, v21;
	v22 =	vsub.f32 v23, v24  }
0xe5: {  	v23 =	vld [tilespmem:s24+$0x22F0]  }
0xe6: {  	v24 =	vld [tilespmem:s24+$0x14200]  }
0xe7: {  	v25 =	vld [tilespmem:s24+$0x2200]  }
0xe8: {  	v26 =	vld [tilespmem:s24+$0x14210]  }
0xe9: {  	v27 =	vld [tilespmem:s24+$0x2210]  }
0xea: {  	v28 =	vld [tilespmem:s24+$0x14220]  }
0xeb: {  	v29 =	vld [tilespmem:s24+$0x2220]  }
0xec: {  	v30 =	vld [tilespmem:s24+$0x14230]  }
0xed: {  	v31 =	vld [tilespmem:s24+$0x2230]  }
0xee: {  	v32 =	vld [tilespmem:s24+$0x14240]  }
0xef: {  	v33 =	vld [tilespmem:s24+$0x2240]  }
0xf0: {  	v34 =	vld [tilespmem:s24+$0x14250]  }
0xf1: {  	v35 =	vld [tilespmem:s24+$0x2250]  }
0xf2: {  	v36 =	vld [tilespmem:s24+$0x14260]  }
0xf3: {  	v37 =	vld [tilespmem:s24+$0x2260]  }
0xf4: {  	v38 =	vld [tilespmem:s24+$0x14270]  }
0xf5: {  	v39 =	vld [tilespmem:s24+$0x2270]  }
0xf6: {  	v40 =	vld [tilespmem:s24+$0x14280]  }
0xf7: {  	v41 =	vld [tilespmem:s24+$0x2280]  }
0xf8: {  	v42 =	vld [tilespmem:s24+$0x14290]  }
0xf9: {  	v43 =	vld [tilespmem:s24+$0x2290]  }
0xfa: {  	v44 =	vld [tilespmem:s24+$0x142A0]  }
0xfb: {  	v45 =	vld [tilespmem:s24+$0x22A0]  }
0xfc: {  	v46 =	vld [tilespmem:s24+$0x142B0]  }
0xfd: {  	v47 =	vld [tilespmem:s24+$0x22B0]  }
0xfe: {  	v48 =	vld [tilespmem:s24+$0x142C0]  }
0xff: {  	v49 =	vld [tilespmem:s24+$0x22C0]  }
0x100: {  	v50 =	vld [tilespmem:s24+$0x142D0]  }
0x101: {  	v51 =	vld [tilespmem:s24+$0x22D0]  }
0x102: {  	v52 =	vld [tilespmem:s24+$0x142E0];
	s25 =	simm.s32 $0x0  }
0x103: {  	v53 =	vld [tilespmem:s24+$0x22E0];
	[tilespmem:s21], [sflag:$0x2] =	stream.linear.gather [hbm4b:s13+s25], $0x4000, $0x38  }
0x104: {  	_ =	swait.ge [sflag:s23], $0x80  }
0x105: {  	[sflag:s23] =	ssyncset.done $0x0  }
0x106: {  	[sflag:s23] =	ssyncadd.s32 $0xFFFFFF80  }
0x107: {  	[tilespmem:s31], [sflag:$0x1] =	stream.indirect.gather [hbm4b:s2+s17], $0x80, s19, s17, $0xb8;
	[tilespmem:$0x1C280] =	vst v63  }
0x108: {  	_ =	swait.ge [sflag:s28], $0x4000  }
0x109: {  	[sflag:s28] =	ssyncset.done $0x0  }
0x10a: {  	[sflag:s28] =	ssyncadd.s32 $0xFFFFC000  }
0x10b: {  	_ =	swait.ge [sflag:s29], $0x4000  }
0x10c: {  	v16 =	vsub.f32 v16, v17;
	[sflag:s29] =	ssyncset.done $0x0  }
0x10d: {  	s25 =	simm.s32 $0x0;
	v17 =	vsub.f32 v18, v20;
	v18 =	vsub.f32 v19, v23;
	v19 =	vmul.f32 v22, v22;
	[sflag:s29] =	ssyncadd.s32 $0xFFFFC000  }
0x10e: {  	v8 =	vadd.f32 v21, v8;
	v16 =	vmul.f32 v16, v16;
	v20 =	vsub.f32 v24, v25;
	v21 =	vld [tilespmem:s25+$0x182F0]  }
0x10f: {  	v17 =	vmul.f32 v17, v17;
	v3 =	vadd.f32 v19, v3;
	v19 =	vld [tilespmem:s25+$0x42F0]  }
0x110: {  	v0 =	vadd.f32 v16, v0;
	v16 =	vmul.f32 v20, v20;
	v20 =	vsub.f32 v26, v27;
	v22 =	vld [tilespmem:s25+$0x18200]  }
0x111: {  	v23 =	vsub.f32 v30, v31;
	v5 =	vadd.f32 v17, v5;
	v17 =	vld [tilespmem:s25+$0x4200]  }
0x112: {  	v18 =	vmul.f32 v18, v18;
	v15 =	vadd.f32 v16, v15;
	v16 =	vmul.f32 v20, v20;
	v20 =	vld [tilespmem:s25+$0x18210]  }
0x113: {  	v60 =	vsub.f32 v36, v37;
	v23 =	vmul.f32 v23, v23;
	v25 =	vld [tilespmem:s25+$0x4210]  }
0x114: {  	v14 =	vadd.f32 v18, v14;
	v18 =	vsub.f32 v28, v29;
	v59 =	vld [tilespmem:s25+$0x18220]  }
0x115: {  	v2 =	vadd.f32 v23, v2;
	v23 =	vmul.f32 v60, v60;
	v61 =	vld [tilespmem:s25+$0x4220]  }
0x116: {  	v10 =	vadd.f32 v16, v10;
	v16 =	vmul.f32 v18, v18;
	v18 =	vsub.f32 v34, v35;
	v62 =	vld [tilespmem:s25+$0x18230]  }
0x117: {  	v12 =	vadd.f32 v23, v12;
	v23 =	vsub.f32 v42, v43;
	v63 =	vld [tilespmem:s25+$0x4230]  }
0x118: {  	v43 =	vld [tilespmem:s25+$0x4240];
	v1 =	vadd.f32 v16, v1;
	v16 =	vmul.f32 v18, v18;
	v18 =	vsub.f32 v38, v39  }
0x119: {  	v58 =	vsub.f32 v32, v33;
	v54 =	vld [tilespmem:s25+$0x4250]  }
0x11a: {  	v55 =	vld [tilespmem:s25+$0x18260];
	v11 =	vadd.f32 v16, v11;
	v16 =	vmul.f32 v18, v18;
	v18 =	vsub.f32 v40, v41  }
0x11b: {  	v47 =	vsub.f32 v46, v47;
	v49 =	vsub.f32 v48, v49;
	v24 =	vmul.f32 v58, v58;
	v57 =	vld [tilespmem:s25+$0x4260]  }
0x11c: {  	v58 =	vld [tilespmem:s25+$0x18270];
	v13 =	vadd.f32 v16, v13;
	v16 =	vmul.f32 v18, v18;
	v18 =	vsub.f32 v44, v45  }
0x11d: {  	v6 =	vadd.f32 v24, v6;
	v60 =	vld [tilespmem:s25+$0x182A0];
	v23 =	vmul.f32 v23, v23;
	v20 =	vsub.f32 v20, v25  }
0x11e: {  	v41 =	vld [tilespmem:s25+$0x18240];
	v9 =	vadd.f32 v16, v9;
	v16 =	vmul.f32 v18, v18;
	v18 =	vsub.f32 v50, v51  }
0x11f: {  	v4 =	vadd.f32 v23, v4;
	v45 =	vld [tilespmem:s25+$0x18250];
	v17 =	vsub.f32 v22, v17;
	v20 =	vmul.f32 v20, v20  }
0x120: {  	v22 =	vld [tilespmem:s25+$0x18290];
	v7 =	vadd.f32 v16, v7;
	v16 =	vmul.f32 v18, v18;
	v18 =	vsub.f32 v52, v53  }
0x121: {  	v24 =	vsub.f32 v62, v63;
	v17 =	vmul.f32 v17, v17;
	v10 =	vadd.f32 v20, v10;
	v20 =	vld [tilespmem:s25+$0x42A0]  }
0x122: {  	v0 =	vadd.f32 v16, v0;
	v16 =	vmul.f32 v18, v18;
	v18 =	vsub.f32 v21, v19;
	v19 =	vld [tilespmem:s25+$0x18280]  }
0x123: {  	v23 =	vmul.f32 v47, v47;
	v15 =	vadd.f32 v17, v15;
	v17 =	vmul.f32 v24, v24;
	v21 =	vld [tilespmem:s25+$0x4280]  }
0x124: {  	v5 =	vadd.f32 v16, v5;
	v16 =	vmul.f32 v18, v18;
	v18 =	vsub.f32 v59, v61;
	v59 =	vld [tilespmem:s25+$0x4290]  }
0x125: {  	v8 =	vadd.f32 v23, v8;
	v23 =	vld [tilespmem:s25+$0x4270];
	v2 =	vadd.f32 v17, v2  }
0x126: {  	v14 =	vadd.f32 v16, v14;
	v16 =	vmul.f32 v18, v18;
	v18 =	vsub.f32 v41, v43  }
0x127: {  	v56 =	vmul.f32 v49, v49;
	v62 =	vld [tilespmem:s25+$0x42B0];
	v17 =	vsub.f32 v55, v57;
	v20 =	vsub.f32 v60, v20  }
0x128: {  	v61 =	vld [tilespmem:s25+$0x182B0];
	v1 =	vadd.f32 v16, v1;
	v16 =	vmul.f32 v18, v18;
	v18 =	vsub.f32 v45, v54  }
0x129: {  	v17 =	vmul.f32 v17, v17;
	v19 =	vsub.f32 v19, v21;
	v21 =	vsub.f32 v22, v59;
	v22 =	vld [tilespmem:s25+$0x42C0]  }
0x12a: {  	v6 =	vadd.f32 v16, v6;
	v16 =	vmul.f32 v18, v18;
	v18 =	vsub.f32 v58, v23;
	v23 =	vld [tilespmem:s25+$0x182C0]  }
0x12b: {  	v3 =	vadd.f32 v56, v3;
	v12 =	vadd.f32 v17, v12;
	v17 =	vld [tilespmem:s25+$0x42D0];
	v63 =	vmul.f32 v20, v20  }
0x12c: {  	v19 =	vmul.f32 v19, v19;
	v11 =	vadd.f32 v16, v11;
	v18 =	vmul.f32 v18, v18;
	v16 =	vld [tilespmem:s25+$0x182D0]  }
0x12d: {  	v20 =	vld [tilespmem:s25+$0x42E0];
	v24 =	vsub.f32 v61, v62;
	v7 =	vadd.f32 v63, v7;
	v21 =	vmul.f32 v21, v21  }
0x12e: {  	s24 =	simm.s32 $0x100;
	v9 =	vadd.f32 v19, v9;
	v13 =	vadd.f32 v18, v13;
	v18 =	vld [tilespmem:s25+$0x182E0]  }
0x12f: {  	v19 =	vld [tilespmem:s24+$0x182F0];
	v4 =	vadd.f32 v21, v4;
	v21 =	vmul.f32 v24, v24;
	s25 =	simm.s32 $0x800;
	v22 =	vsub.f32 v23, v22  }
.LBB2_6:
0x130: {  	p0 =	sne.s32 s25, $0xFC00;
	v23 =	vld [tilespmem:s24+$0x42F0]  }
0x131: {  	v24 =	vld [tilespmem:s24+$0x18200];
	v8 =	vadd.f32 v21, v8;
	v21 =	vmul.f32 v22, v22;
	v16 =	vsub.f32 v16, v17  }
0x132: {  	v17 =	vld [tilespmem:s24+$0x4200]  }
0x133: {  	v22 =	vld [tilespmem:s24+$0x18210];
	v3 =	vadd.f32 v21, v3;
	v16 =	vmul.f32 v16, v16;
	v18 =	vsub.f32 v18, v20  }
0x134: {  	v20 =	vld [tilespmem:s24+$0x4210]  }
0x135: {  	v21 =	vld [tilespmem:s24+$0x18220];
	v19 =	vsub.f32 v19, v23;
	v0 =	vadd.f32 v16, v0;
	v16 =	vmul.f32 v18, v18  }
0x136: {  	v18 =	vld [tilespmem:s24+$0x4220]  }
0x137: {  	v17 =	vsub.f32 v24, v17;
	v23 =	vld [tilespmem:s24+$0x18230];
	v19 =	vmul.f32 v19, v19;
	v5 =	vadd.f32 v16, v5  }
0x138: {  	v16 =	vld [tilespmem:s24+$0x4230]  }
0x139: {  	v17 =	vmul.f32 v17, v17;
	v20 =	vsub.f32 v22, v20;
	v22 =	vld [tilespmem:s24+$0x18240];
	v14 =	vadd.f32 v19, v14  }
0x13a: {  	v19 =	vld [tilespmem:s24+$0x4240]  }
0x13b: {  	v15 =	vadd.f32 v17, v15;
	v17 =	vmul.f32 v20, v20;
	v18 =	vsub.f32 v21, v18;
	v20 =	vld [tilespmem:s24+$0x18250]  }
0x13c: {  	v21 =	vld [tilespmem:s24+$0x4250]  }
0x13d: {  	v10 =	vadd.f32 v17, v10;
	v17 =	vmul.f32 v18, v18;
	v16 =	vsub.f32 v23, v16;
	v18 =	vld [tilespmem:s24+$0x18260]  }
0x13e: {  	v23 =	vld [tilespmem:s24+$0x4260]  }
0x13f: {  	v1 =	vadd.f32 v17, v1;
	v16 =	vmul.f32 v16, v16;
	v17 =	vsub.f32 v22, v19;
	v19 =	vld [tilespmem:s24+$0x18270]  }
0x140: {  	v22 =	vld [tilespmem:s24+$0x4270]  }
0x141: {  	v2 =	vadd.f32 v16, v2;
	v16 =	vmul.f32 v17, v17;
	v17 =	vsub.f32 v20, v21;
	v20 =	vld [tilespmem:s24+$0x18280]  }
0x142: {  	v21 =	vld [tilespmem:s24+$0x4280]  }
0x143: {  	v6 =	vadd.f32 v16, v6;
	v16 =	vmul.f32 v17, v17;
	v17 =	vsub.f32 v18, v23;
	v18 =	vld [tilespmem:s24+$0x18290]  }
0x144: {  	v23 =	vld [tilespmem:s24+$0x4290]  }
0x145: {  	v11 =	vadd.f32 v16, v11;
	v16 =	vmul.f32 v17, v17;
	v17 =	vsub.f32 v19, v22;
	v19 =	vld [tilespmem:s24+$0x182A0]  }
0x146: {  	v22 =	vld [tilespmem:s24+$0x42A0]  }
0x147: {  	v12 =	vadd.f32 v16, v12;
	v16 =	vmul.f32 v17, v17;
	v17 =	vsub.f32 v20, v21;
	v20 =	vld [tilespmem:s24+$0x182B0]  }
0x148: {  	v21 =	vld [tilespmem:s24+$0x42B0]  }
0x149: {  	v13 =	vadd.f32 v16, v13;
	v16 =	vmul.f32 v17, v17;
	v17 =	vsub.f32 v18, v23;
	v23 =	vld [tilespmem:s24+$0x182C0]  }
0x14a: {  	v24 =	vld [tilespmem:s24+$0x42C0]  }
.Ltmp2:
0x14b: {  	v9 =	vadd.f32 v16, v9;
	v18 =	vmul.f32 v17, v17;
	v19 =	vsub.f32 v19, v22;
	v16 =	vld [tilespmem:s24+$0x182D0];
	(pc) =	sbr.rel @p0 .LBB2_6-.Ltmp2, $4  }
0x14c: {  	v17 =	vld [tilespmem:s24+$0x42D0]  }
0x14d: {  	v4 =	vadd.f32 v18, v4;
	v22 =	vmul.f32 v19, v19;
	v21 =	vsub.f32 v20, v21;
	v18 =	vld [tilespmem:s24+$0x182E0]  }
0x14e: {  	v20 =	vld [tilespmem:s24+$0x42E0];
	s24 =	sshra.s32 s25, $0x2  }
0x14f: {  	s25 =	sadd.s32 $0x400, s25;
	v19 =	vld [tilespmem:s24+$0x182F0];
	v7 =	vadd.f32 v22, v7;
	v21 =	vmul.f32 v21, v21;
	v22 =	vsub.f32 v23, v24  }
0x150: {  	v23 =	vld [tilespmem:s24+$0x42F0]  }
0x151: {  	v24 =	vld [tilespmem:s24+$0x18200]  }
0x152: {  	v25 =	vld [tilespmem:s24+$0x4200]  }
0x153: {  	v26 =	vld [tilespmem:s24+$0x18210]  }
0x154: {  	v27 =	vld [tilespmem:s24+$0x4210]  }
0x155: {  	v28 =	vld [tilespmem:s24+$0x18220]  }
0x156: {  	v29 =	vld [tilespmem:s24+$0x4220]  }
0x157: {  	v30 =	vld [tilespmem:s24+$0x18230]  }
0x158: {  	v31 =	vld [tilespmem:s24+$0x4230]  }
0x159: {  	v32 =	vld [tilespmem:s24+$0x18240]  }
0x15a: {  	v33 =	vld [tilespmem:s24+$0x4240]  }
0x15b: {  	v34 =	vld [tilespmem:s24+$0x18250]  }
0x15c: {  	v35 =	vld [tilespmem:s24+$0x4250]  }
0x15d: {  	v36 =	vld [tilespmem:s24+$0x18260]  }
0x15e: {  	v37 =	vld [tilespmem:s24+$0x4260]  }
0x15f: {  	v38 =	vld [tilespmem:s24+$0x18270]  }
0x160: {  	v39 =	vld [tilespmem:s24+$0x4270]  }
0x161: {  	v40 =	vld [tilespmem:s24+$0x18280]  }
0x162: {  	v41 =	vld [tilespmem:s24+$0x4280]  }
0x163: {  	v42 =	vld [tilespmem:s24+$0x18290]  }
0x164: {  	v43 =	vld [tilespmem:s24+$0x4290]  }
0x165: {  	v44 =	vld [tilespmem:s24+$0x182A0]  }
0x166: {  	v45 =	vld [tilespmem:s24+$0x42A0]  }
0x167: {  	v46 =	vld [tilespmem:s24+$0x182B0]  }
0x168: {  	v47 =	vld [tilespmem:s24+$0x42B0]  }
0x169: {  	v48 =	vld [tilespmem:s24+$0x182C0]  }
0x16a: {  	v49 =	vld [tilespmem:s24+$0x42C0]  }
0x16b: {  	v50 =	vld [tilespmem:s24+$0x182D0]  }
0x16c: {  	v51 =	vld [tilespmem:s24+$0x42D0]  }
0x16d: {  	v52 =	vld [tilespmem:s24+$0x182E0]  }
0x16e: {  	v53 =	vld [tilespmem:s24+$0x42E0];
	_ =	swait.ge [sflag:s28], $0x4000  }
0x16f: {  	[sflag:s28] =	ssyncset.done $0x0  }
0x170: {  	[sflag:s28] =	ssyncadd.s32 $0xFFFFC000  }
0x171: {  	_ =	swait.ge [sflag:s29], $0x4000  }
0x172: {  	v16 =	vsub.f32 v16, v17;
	[sflag:s29] =	ssyncset.done $0x0  }
0x173: {  	s25 =	simm.s32 $0x0;
	[sflag:s29] =	ssyncadd.s32 $0xFFFFC000  }
0x174: {  	v8 =	vadd.f32 v21, v8;
	v16 =	vmul.f32 v16, v16;
	v21 =	vld [tilespmem:s25+$0x102F0]  }
0x175: {  	v17 =	vsub.f32 v18, v20;
	v18 =	vsub.f32 v19, v23;
	v19 =	vmul.f32 v22, v22;
	v22 =	vld [tilespmem:s25+$0x10200]  }
0x176: {  	v20 =	vsub.f32 v24, v25;
	v0 =	vadd.f32 v16, v0;
	v25 =	vld [tilespmem:s25+$0x8210]  }
0x177: {  	v23 =	vsub.f32 v30, v31;
	v58 =	vsub.f32 v32, v33;
	v59 =	vld [tilespmem:s25+$0x10220];
	v18 =	vmul.f32 v18, v18  }
0x178: {  	v60 =	vsub.f32 v36, v37;
	v61 =	vld [tilespmem:s25+$0x8220];
	v16 =	vmul.f32 v20, v20;
	v20 =	vsub.f32 v26, v27  }
0x179: {  	v47 =	vsub.f32 v46, v47;
	v62 =	vld [tilespmem:s25+$0x10230];
	v14 =	vadd.f32 v18, v14  }
0x17a: {  	v63 =	vld [tilespmem:s25+$0x8230];
	v15 =	vadd.f32 v16, v15;
	v16 =	vmul.f32 v20, v20;
	v18 =	vsub.f32 v28, v29  }
0x17b: {  	v17 =	vmul.f32 v17, v17;
	v49 =	vsub.f32 v48, v49;
	v54 =	vld [tilespmem:s25+$0x8250];
	v3 =	vadd.f32 v19, v3  }
0x17c: {  	v55 =	vld [tilespmem:s25+$0x10260];
	v10 =	vadd.f32 v16, v10;
	v16 =	vmul.f32 v18, v18;
	v18 =	vsub.f32 v34, v35  }
0x17d: {  	v5 =	vadd.f32 v17, v5;
	v17 =	vld [tilespmem:s25+$0x8200];
	v23 =	vmul.f32 v23, v23;
	v24 =	vmul.f32 v58, v58  }
0x17e: {  	v20 =	vld [tilespmem:s25+$0x10210];
	v1 =	vadd.f32 v16, v1;
	v16 =	vmul.f32 v18, v18;
	v18 =	vsub.f32 v38, v39  }
0x17f: {  	v57 =	vld [tilespmem:s25+$0x8260];
	v2 =	vadd.f32 v23, v2;
	v6 =	vadd.f32 v24, v6;
	v23 =	vmul.f32 v60, v60  }
0x180: {  	v19 =	vld [tilespmem:s25+$0x82F0];
	v11 =	vadd.f32 v16, v11;
	v16 =	vmul.f32 v18, v18;
	v18 =	vsub.f32 v40, v41  }
0x181: {  	v58 =	vld [tilespmem:s25+$0x10270];
	v12 =	vadd.f32 v23, v12;
	v23 =	vsub.f32 v42, v43  }
0x182: {  	v60 =	vld [tilespmem:s25+$0x102A0];
	v13 =	vadd.f32 v16, v13;
	v16 =	vmul.f32 v18, v18;
	v18 =	vsub.f32 v44, v45  }
0x183: {  	v43 =	vld [tilespmem:s25+$0x8240];
	v17 =	vsub.f32 v22, v17;
	v20 =	vsub.f32 v20, v25  }
0x184: {  	v22 =	vld [tilespmem:s25+$0x10290];
	v9 =	vadd.f32 v16, v9;
	v16 =	vmul.f32 v18, v18;
	v18 =	vsub.f32 v50, v51  }
0x185: {  	v24 =	vsub.f32 v62, v63;
	v23 =	vmul.f32 v23, v23;
	v41 =	vld [tilespmem:s25+$0x10240];
	v20 =	vmul.f32 v20, v20  }
0x186: {  	v45 =	vld [tilespmem:s25+$0x10250];
	v7 =	vadd.f32 v16, v7;
	v16 =	vmul.f32 v18, v18;
	v18 =	vsub.f32 v52, v53  }
0x187: {  	v17 =	vmul.f32 v17, v17;
	v4 =	vadd.f32 v23, v4;
	v10 =	vadd.f32 v20, v10;
	v20 =	vld [tilespmem:s25+$0x82A0]  }
0x188: {  	v0 =	vadd.f32 v16, v0;
	v16 =	vmul.f32 v18, v18;
	v18 =	vsub.f32 v21, v19;
	v19 =	vld [tilespmem:s25+$0x10280]  }
0x189: {  	v23 =	vmul.f32 v47, v47;
	v15 =	vadd.f32 v17, v15;
	v17 =	vmul.f32 v24, v24;
	v21 =	vld [tilespmem:s25+$0x8280]  }
0x18a: {  	v5 =	vadd.f32 v16, v5;
	v16 =	vmul.f32 v18, v18;
	v18 =	vsub.f32 v59, v61;
	v59 =	vld [tilespmem:s25+$0x8290]  }
0x18b: {  	v8 =	vadd.f32 v23, v8;
	v23 =	vld [tilespmem:s25+$0x8270];
	v2 =	vadd.f32 v17, v2  }
0x18c: {  	v14 =	vadd.f32 v16, v14;
	v16 =	vmul.f32 v18, v18;
	v18 =	vsub.f32 v41, v43  }
0x18d: {  	v56 =	vmul.f32 v49, v49;
	v62 =	vld [tilespmem:s25+$0x82B0];
	v17 =	vsub.f32 v55, v57;
	v20 =	vsub.f32 v60, v20  }
0x18e: {  	v61 =	vld [tilespmem:s25+$0x102B0];
	v1 =	vadd.f32 v16, v1;
	v16 =	vmul.f32 v18, v18;
	v18 =	vsub.f32 v45, v54  }
0x18f: {  	v17 =	vmul.f32 v17, v17;
	v19 =	vsub.f32 v19, v21;
	v21 =	vsub.f32 v22, v59;
	v22 =	vld [tilespmem:s25+$0x82C0]  }
0x190: {  	v6 =	vadd.f32 v16, v6;
	v16 =	vmul.f32 v18, v18;
	v18 =	vsub.f32 v58, v23;
	v23 =	vld [tilespmem:s25+$0x102C0]  }
0x191: {  	v3 =	vadd.f32 v56, v3;
	v12 =	vadd.f32 v17, v12;
	v17 =	vld [tilespmem:s25+$0x82D0];
	v63 =	vmul.f32 v20, v20  }
0x192: {  	v19 =	vmul.f32 v19, v19;
	v11 =	vadd.f32 v16, v11;
	v18 =	vmul.f32 v18, v18;
	v16 =	vld [tilespmem:s25+$0x102D0]  }
0x193: {  	v20 =	vld [tilespmem:s25+$0x82E0];
	v7 =	vadd.f32 v63, v7;
	v24 =	vsub.f32 v61, v62;
	v21 =	vmul.f32 v21, v21  }
0x194: {  	s24 =	simm.s32 $0x100;
	v9 =	vadd.f32 v19, v9;
	v13 =	vadd.f32 v18, v13;
	v18 =	vld [tilespmem:s25+$0x102E0]  }
0x195: {  	v19 =	vld [tilespmem:s24+$0x102F0];
	v4 =	vadd.f32 v21, v4;
	v21 =	vmul.f32 v24, v24;
	s25 =	simm.s32 $0x800;
	v22 =	vsub.f32 v23, v22  }
.LBB2_8:
0x196: {  	p0 =	sne.s32 s25, $0xFC00;
	v23 =	vld [tilespmem:s24+$0x82F0]  }
0x197: {  	v24 =	vld [tilespmem:s24+$0x10200];
	v8 =	vadd.f32 v21, v8;
	v21 =	vmul.f32 v22, v22;
	v16 =	vsub.f32 v16, v17  }
0x198: {  	v17 =	vld [tilespmem:s24+$0x8200]  }
0x199: {  	v22 =	vld [tilespmem:s24+$0x10210];
	v3 =	vadd.f32 v21, v3;
	v16 =	vmul.f32 v16, v16;
	v18 =	vsub.f32 v18, v20  }
0x19a: {  	v20 =	vld [tilespmem:s24+$0x8210]  }
0x19b: {  	v21 =	vld [tilespmem:s24+$0x10220];
	v19 =	vsub.f32 v19, v23;
	v0 =	vadd.f32 v16, v0;
	v16 =	vmul.f32 v18, v18  }
0x19c: {  	v18 =	vld [tilespmem:s24+$0x8220]  }
0x19d: {  	v17 =	vsub.f32 v24, v17;
	v23 =	vld [tilespmem:s24+$0x10230];
	v19 =	vmul.f32 v19, v19;
	v5 =	vadd.f32 v16, v5  }
0x19e: {  	v16 =	vld [tilespmem:s24+$0x8230]  }
0x19f: {  	v17 =	vmul.f32 v17, v17;
	v20 =	vsub.f32 v22, v20;
	v22 =	vld [tilespmem:s24+$0x10240];
	v14 =	vadd.f32 v19, v14  }
0x1a0: {  	v19 =	vld [tilespmem:s24+$0x8240]  }
0x1a1: {  	v15 =	vadd.f32 v17, v15;
	v17 =	vmul.f32 v20, v20;
	v18 =	vsub.f32 v21, v18;
	v20 =	vld [tilespmem:s24+$0x10250]  }
0x1a2: {  	v21 =	vld [tilespmem:s24+$0x8250]  }
0x1a3: {  	v10 =	vadd.f32 v17, v10;
	v17 =	vmul.f32 v18, v18;
	v16 =	vsub.f32 v23, v16;
	v18 =	vld [tilespmem:s24+$0x10260]  }
0x1a4: {  	v23 =	vld [tilespmem:s24+$0x8260]  }
0x1a5: {  	v1 =	vadd.f32 v17, v1;
	v16 =	vmul.f32 v16, v16;
	v17 =	vsub.f32 v22, v19;
	v19 =	vld [tilespmem:s24+$0x10270]  }
0x1a6: {  	v22 =	vld [tilespmem:s24+$0x8270]  }
0x1a7: {  	v2 =	vadd.f32 v16, v2;
	v16 =	vmul.f32 v17, v17;
	v17 =	vsub.f32 v20, v21;
	v20 =	vld [tilespmem:s24+$0x10280]  }
0x1a8: {  	v21 =	vld [tilespmem:s24+$0x8280]  }
0x1a9: {  	v6 =	vadd.f32 v16, v6;
	v16 =	vmul.f32 v17, v17;
	v17 =	vsub.f32 v18, v23;
	v18 =	vld [tilespmem:s24+$0x10290]  }
0x1aa: {  	v23 =	vld [tilespmem:s24+$0x8290]  }
0x1ab: {  	v11 =	vadd.f32 v16, v11;
	v16 =	vmul.f32 v17, v17;
	v17 =	vsub.f32 v19, v22;
	v19 =	vld [tilespmem:s24+$0x102A0]  }
0x1ac: {  	v22 =	vld [tilespmem:s24+$0x82A0]  }
0x1ad: {  	v12 =	vadd.f32 v16, v12;
	v16 =	vmul.f32 v17, v17;
	v17 =	vsub.f32 v20, v21;
	v20 =	vld [tilespmem:s24+$0x102B0]  }
0x1ae: {  	v21 =	vld [tilespmem:s24+$0x82B0]  }
0x1af: {  	v13 =	vadd.f32 v16, v13;
	v16 =	vmul.f32 v17, v17;
	v17 =	vsub.f32 v18, v23;
	v23 =	vld [tilespmem:s24+$0x102C0]  }
0x1b0: {  	v24 =	vld [tilespmem:s24+$0x82C0]  }
.Ltmp3:
0x1b1: {  	v9 =	vadd.f32 v16, v9;
	v18 =	vmul.f32 v17, v17;
	v19 =	vsub.f32 v19, v22;
	v16 =	vld [tilespmem:s24+$0x102D0];
	(pc) =	sbr.rel @p0 .LBB2_8-.Ltmp3, $4  }
0x1b2: {  	v17 =	vld [tilespmem:s24+$0x82D0]  }
0x1b3: {  	v4 =	vadd.f32 v18, v4;
	v22 =	vmul.f32 v19, v19;
	v21 =	vsub.f32 v20, v21;
	v18 =	vld [tilespmem:s24+$0x102E0]  }
0x1b4: {  	v20 =	vld [tilespmem:s24+$0x82E0];
	s24 =	sshra.s32 s25, $0x2  }
0x1b5: {  	s25 =	sadd.s32 $0x400, s25;
	v19 =	vld [tilespmem:s24+$0x102F0];
	v7 =	vadd.f32 v22, v7;
	v21 =	vmul.f32 v21, v21;
	v22 =	vsub.f32 v23, v24  }
0x1b6: {  	v23 =	vld [tilespmem:s24+$0x82F0]  }
0x1b7: {  	v24 =	vld [tilespmem:s24+$0x10200]  }
0x1b8: {  	v25 =	vld [tilespmem:s24+$0x8200]  }
0x1b9: {  	v26 =	vld [tilespmem:s24+$0x10210]  }
0x1ba: {  	v27 =	vld [tilespmem:s24+$0x8210]  }
0x1bb: {  	v28 =	vld [tilespmem:s24+$0x10220]  }
0x1bc: {  	v29 =	vld [tilespmem:s24+$0x8220]  }
0x1bd: {  	v30 =	vld [tilespmem:s24+$0x10230]  }
0x1be: {  	v31 =	vld [tilespmem:s24+$0x8230]  }
0x1bf: {  	v32 =	vld [tilespmem:s24+$0x10240]  }
0x1c0: {  	v33 =	vld [tilespmem:s24+$0x8240]  }
0x1c1: {  	v34 =	vld [tilespmem:s24+$0x10250]  }
0x1c2: {  	v35 =	vld [tilespmem:s24+$0x8250]  }
0x1c3: {  	v36 =	vld [tilespmem:s24+$0x10260]  }
0x1c4: {  	v37 =	vld [tilespmem:s24+$0x8260]  }
0x1c5: {  	v38 =	vld [tilespmem:s24+$0x10270]  }
0x1c6: {  	v39 =	vld [tilespmem:s24+$0x8270]  }
0x1c7: {  	v40 =	vld [tilespmem:s24+$0x10280]  }
0x1c8: {  	v41 =	vld [tilespmem:s24+$0x8280]  }
0x1c9: {  	v42 =	vld [tilespmem:s24+$0x10290]  }
0x1ca: {  	v43 =	vld [tilespmem:s24+$0x8290]  }
0x1cb: {  	v44 =	vld [tilespmem:s24+$0x102A0]  }
0x1cc: {  	v45 =	vld [tilespmem:s24+$0x82A0]  }
0x1cd: {  	v46 =	vld [tilespmem:s24+$0x102B0]  }
0x1ce: {  	v47 =	vld [tilespmem:s24+$0x82B0]  }
0x1cf: {  	v48 =	vld [tilespmem:s24+$0x102C0]  }
0x1d0: {  	v49 =	vld [tilespmem:s24+$0x82C0]  }
0x1d1: {  	v50 =	vld [tilespmem:s24+$0x102D0]  }
0x1d2: {  	v51 =	vld [tilespmem:s24+$0x82D0]  }
0x1d3: {  	v52 =	vld [tilespmem:s24+$0x102E0]  }
0x1d4: {  	v53 =	vld [tilespmem:s24+$0x82E0];
	_ =	swait.ge [sflag:s28], $0x4000  }
0x1d5: {  	[sflag:s28] =	ssyncset.done $0x0  }
0x1d6: {  	v16 =	vsub.f32 v16, v17;
	[sflag:s28] =	ssyncadd.s32 $0xFFFFC000  }
0x1d7: {  	_ =	swait.ge [sflag:s29], $0x4000;
	v17 =	vsub.f32 v18, v20;
	v18 =	vsub.f32 v19, v23  }
0x1d8: {  	v16 =	vmul.f32 v16, v16;
	[sflag:s29] =	ssyncset.done $0x0;
	v20 =	vsub.f32 v24, v25  }
0x1d9: {  	s25 =	simm.s32 $0x0;
	v8 =	vadd.f32 v21, v8;
	[sflag:s29] =	ssyncadd.s32 $0xFFFFC000;
	v18 =	vmul.f32 v18, v18  }
0x1da: {  	v0 =	vadd.f32 v16, v0;
	v21 =	vld [tilespmem:s25+$0x142F0];
	v16 =	vmul.f32 v20, v20;
	v20 =	vsub.f32 v26, v27  }
0x1db: {  	v19 =	vmul.f32 v22, v22;
	v23 =	vsub.f32 v30, v31;
	v22 =	vld [tilespmem:s25+$0x14200];
	v14 =	vadd.f32 v18, v14  }
0x1dc: {  	v25 =	vld [tilespmem:s25+$0xC210];
	v15 =	vadd.f32 v16, v15;
	v16 =	vmul.f32 v20, v20;
	v18 =	vsub.f32 v28, v29  }
0x1dd: {  	v17 =	vmul.f32 v17, v17;
	v59 =	vsub.f32 v32, v33;
	v60 =	vsub.f32 v36, v37;
	v61 =	vld [tilespmem:s25+$0xC220]  }
0x1de: {  	v62 =	vld [tilespmem:s25+$0x14230];
	v10 =	vadd.f32 v16, v10;
	v16 =	vmul.f32 v18, v18;
	v18 =	vsub.f32 v34, v35  }
0x1df: {  	v47 =	vsub.f32 v46, v47;
	v63 =	vld [tilespmem:s25+$0xC230];
	v3 =	vadd.f32 v19, v3;
	v23 =	vmul.f32 v23, v23  }
0x1e0: {  	v55 =	vld [tilespmem:s25+$0xC250];
	v16 =	vadd.f32 v16, v1;
	v1 =	vmul.f32 v18, v18;
	v18 =	vsub.f32 v38, v39  }
0x1e1: {  	v57 =	vld [tilespmem:s25+$0x14260];
	v5 =	vadd.f32 v17, v5;
	v23 =	vadd.f32 v23, v2;
	v2 =	vmul.f32 v60, v60  }
0x1e2: {  	v19 =	vld [tilespmem:s25+$0xC2F0];
	v11 =	vadd.f32 v1, v11;
	v1 =	vmul.f32 v18, v18;
	v18 =	vsub.f32 v40, v41  }
0x1e3: {  	v17 =	vld [tilespmem:s25+$0xC200];
	v41 =	vadd.f32 v2, v12;
	v2 =	vsub.f32 v42, v43  }
0x1e4: {  	v26 =	vld [tilespmem:s25+$0x14220];
	v43 =	vadd.f32 v1, v13;
	v1 =	vmul.f32 v18, v18;
	v13 =	vsub.f32 v44, v45  }
0x1e5: {  	v54 =	vsub.f32 v48, v49;
	v24 =	vmul.f32 v59, v59;
	v59 =	vld [tilespmem:s25+$0xC260];
	v2 =	vmul.f32 v2, v2  }
0x1e6: {  	v20 =	vld [tilespmem:s25+$0x14210];
	v56 =	vadd.f32 v1, v9;
	v1 =	vmul.f32 v13, v13;
	v9 =	vsub.f32 v50, v51  }
0x1e7: {  	v40 =	vld [tilespmem:s25+$0x14240];
	v58 =	vadd.f32 v2, v4;
	v2 =	vmul.f32 v47, v47;
	v13 =	vmul.f32 v54, v54  }
0x1e8: {  	v12 =	vld [tilespmem:s25+$0xC240];
	v60 =	vadd.f32 v1, v7;
	v7 =	vsub.f32 v52, v53  }
0x1e9: {  	v18 =	vld [tilespmem:s25+$0x14250];
	v1 =	vmul.f32 v9, v9;
	v4 =	vadd.f32 v2, v8;
	v3 =	vadd.f32 v13, v3  }
0x1ea: {  	v9 =	vld [tilespmem:s25+$0x14270];
	v2 =	vsub.f32 v21, v19;
	v13 =	vsub.f32 v22, v17  }
0x1eb: {  	v8 =	vld [tilespmem:s25+$0xC270];
	v17 =	vsub.f32 v20, v25;
	v0 =	vadd.f32 v1, v0;
	v1 =	vmul.f32 v7, v7  }
0x1ec: {  	v19 =	vld [tilespmem:s25+$0xC280];
	v21 =	vsub.f32 v62, v63;
	v2 =	vmul.f32 v2, v2  }
0x1ed: {  	v20 =	vld [tilespmem:s25+$0x14290];
	v13 =	vmul.f32 v13, v13;
	v17 =	vmul.f32 v17, v17;
	v1 =	vadd.f32 v1, v5  }
0x1ee: {  	v7 =	vld [tilespmem:s25+$0x14280];
	v5 =	vsub.f32 v26, v61;
	v2 =	vadd.f32 v2, v14  }
0x1ef: {  	v22 =	vld [tilespmem:s25+$0xC290];
	v14 =	vadd.f32 v13, v15;
	v15 =	vadd.f32 v17, v10;
	v10 =	vmul.f32 v21, v21  }
0x1f0: {  	v62 =	vld [tilespmem:s25+$0x142A0];
	v61 =	vsub.f32 v40, v12;
	v5 =	vmul.f32 v5, v5  }
0x1f1: {  	v6 =	vadd.f32 v24, v6;
	v17 =	vld [tilespmem:s25+$0xC2A0];
	v13 =	vadd.f32 v10, v23  }
0x1f2: {  	v23 =	vld [tilespmem:s25+$0xC2B0];
	v12 =	vadd.f32 v5, v16;
	v5 =	vmul.f32 v61, v61;
	v16 =	vsub.f32 v18, v55  }
0x1f3: {  	v21 =	vsub.f32 v57, v59;
	v7 =	vsub.f32 v7, v19;
	v18 =	vld [tilespmem:s25+$0x142B0]  }
0x1f4: {  	v63 =	vld [tilespmem:s25+$0x142C0];
	v10 =	vadd.f32 v5, v6;
	v5 =	vmul.f32 v16, v16;
	v6 =	vsub.f32 v9, v8  }
0x1f5: {  	v7 =	vmul.f32 v7, v7;
	v8 =	vmul.f32 v21, v21;
	v9 =	vsub.f32 v20, v22;
	v21 =	vld [tilespmem:s25+$0xC2C0]  }
0x1f6: {  	v19 =	vld [tilespmem:s25+$0x142D0];
	v11 =	vadd.f32 v5, v11;
	v5 =	vmul.f32 v6, v6;
	v6 =	vsub.f32 v62, v17  }
0x1f7: {  	v20 =	vld [tilespmem:s25+$0xC2D0];
	v7 =	vadd.f32 v7, v56;
	v16 =	vmul.f32 v9, v9  }
0x1f8: {  	v17 =	vld [tilespmem:s25+$0x142E0];
	v22 =	vsub.f32 v18, v23;
	v9 =	vadd.f32 v5, v43;
	v5 =	vmul.f32 v6, v6  }
0x1f9: {  	s24 =	simm.s32 $0x100;
	v8 =	vadd.f32 v8, v41;
	v18 =	vld [tilespmem:s25+$0xC2E0];
	v6 =	vadd.f32 v16, v58  }
0x1fa: {  	s25 =	simm.s32 $0x800;
	v16 =	vld [tilespmem:s24+$0x142F0];
	v22 =	vmul.f32 v22, v22;
	v21 =	vsub.f32 v63, v21;
	v5 =	vadd.f32 v5, v60  }
.LBB2_10:
0x1fb: {  	p0 =	sne.s32 s25, $0xFC00;
	v23 =	vld [tilespmem:s24+$0xC2F0]  }
0x1fc: {  	v24 =	vld [tilespmem:s24+$0x14200];
	v4 =	vadd.f32 v22, v4;
	v21 =	vmul.f32 v21, v21;
	v19 =	vsub.f32 v19, v20  }
0x1fd: {  	v20 =	vld [tilespmem:s24+$0xC200]  }
0x1fe: {  	v22 =	vld [tilespmem:s24+$0x14210];
	v3 =	vadd.f32 v21, v3;
	v19 =	vmul.f32 v19, v19;
	v17 =	vsub.f32 v17, v18  }
0x1ff: {  	v18 =	vld [tilespmem:s24+$0xC210]  }
0x200: {  	v21 =	vld [tilespmem:s24+$0x14220];
	v16 =	vsub.f32 v16, v23;
	v0 =	vadd.f32 v19, v0;
	v17 =	vmul.f32 v17, v17  }
0x201: {  	v19 =	vld [tilespmem:s24+$0xC220]  }
0x202: {  	v20 =	vsub.f32 v24, v20;
	v23 =	vld [tilespmem:s24+$0x14230];
	v16 =	vmul.f32 v16, v16;
	v1 =	vadd.f32 v17, v1  }
0x203: {  	v17 =	vld [tilespmem:s24+$0xC230]  }
0x204: {  	v20 =	vmul.f32 v20, v20;
	v18 =	vsub.f32 v22, v18;
	v22 =	vld [tilespmem:s24+$0x14240];
	v2 =	vadd.f32 v16, v2  }
0x205: {  	v16 =	vld [tilespmem:s24+$0xC240]  }
0x206: {  	v14 =	vadd.f32 v20, v14;
	v18 =	vmul.f32 v18, v18;
	v19 =	vsub.f32 v21, v19;
	v20 =	vld [tilespmem:s24+$0x14250]  }
0x207: {  	v21 =	vld [tilespmem:s24+$0xC250]  }
0x208: {  	v15 =	vadd.f32 v18, v15;
	v18 =	vmul.f32 v19, v19;
	v17 =	vsub.f32 v23, v17;
	v19 =	vld [tilespmem:s24+$0x14260]  }
0x209: {  	v23 =	vld [tilespmem:s24+$0xC260]  }
0x20a: {  	v12 =	vadd.f32 v18, v12;
	v17 =	vmul.f32 v17, v17;
	v16 =	vsub.f32 v22, v16;
	v18 =	vld [tilespmem:s24+$0x14270]  }
0x20b: {  	v22 =	vld [tilespmem:s24+$0xC270]  }
0x20c: {  	v13 =	vadd.f32 v17, v13;
	v16 =	vmul.f32 v16, v16;
	v17 =	vsub.f32 v20, v21;
	v20 =	vld [tilespmem:s24+$0x14280]  }
0x20d: {  	v21 =	vld [tilespmem:s24+$0xC280]  }
0x20e: {  	v10 =	vadd.f32 v16, v10;
	v16 =	vmul.f32 v17, v17;
	v17 =	vsub.f32 v19, v23;
	v19 =	vld [tilespmem:s24+$0x14290]  }
0x20f: {  	v23 =	vld [tilespmem:s24+$0xC290]  }
0x210: {  	v11 =	vadd.f32 v16, v11;
	v16 =	vmul.f32 v17, v17;
	v17 =	vsub.f32 v18, v22;
	v18 =	vld [tilespmem:s24+$0x142A0]  }
0x211: {  	v22 =	vld [tilespmem:s24+$0xC2A0]  }
0x212: {  	v8 =	vadd.f32 v16, v8;
	v16 =	vmul.f32 v17, v17;
	v17 =	vsub.f32 v20, v21;
	v21 =	vld [tilespmem:s24+$0x142B0]  }
0x213: {  	v24 =	vld [tilespmem:s24+$0xC2B0]  }
0x214: {  	v9 =	vadd.f32 v16, v9;
	v16 =	vmul.f32 v17, v17;
	v17 =	vsub.f32 v19, v23;
	v23 =	vld [tilespmem:s24+$0x142C0]  }
0x215: {  	v25 =	vld [tilespmem:s24+$0xC2C0]  }
.Ltmp4:
0x216: {  	v7 =	vadd.f32 v16, v7;
	v16 =	vmul.f32 v17, v17;
	v17 =	vsub.f32 v18, v22;
	v19 =	vld [tilespmem:s24+$0x142D0];
	(pc) =	sbr.rel @p0 .LBB2_10-.Ltmp4, $4  }
0x217: {  	v20 =	vld [tilespmem:s24+$0xC2D0]  }
0x218: {  	v6 =	vadd.f32 v16, v6;
	v22 =	vmul.f32 v17, v17;
	v21 =	vsub.f32 v21, v24;
	v17 =	vld [tilespmem:s24+$0x142E0]  }
0x219: {  	v18 =	vld [tilespmem:s24+$0xC2E0];
	s24 =	sshra.s32 s25, $0x2  }
0x21a: {  	s25 =	sadd.s32 $0x400, s25;
	v16 =	vld [tilespmem:s24+$0x142F0];
	v5 =	vadd.f32 v22, v5;
	v22 =	vmul.f32 v21, v21;
	v21 =	vsub.f32 v23, v25  }
0x21b: {  	v23 =	vld [tilespmem:s24+$0x14200]  }
0x21c: {  	v24 =	vld [tilespmem:s24+$0xC200]  }
0x21d: {  	v25 =	vld [tilespmem:s24+$0x14210]  }
0x21e: {  	v26 =	vld [tilespmem:s24+$0xC210]  }
0x21f: {  	v27 =	vld [tilespmem:s24+$0x14220]  }
0x220: {  	v28 =	vld [tilespmem:s24+$0xC220]  }
0x221: {  	v29 =	vld [tilespmem:s24+$0x14230]  }
0x222: {  	v30 =	vld [tilespmem:s24+$0xC230]  }
0x223: {  	v31 =	vld [tilespmem:s24+$0x14240]  }
0x224: {  	v60 =	vld [tilespmem:s24+$0xC240];
	v23 =	vsub.f32 v23, v24;
	v59 =	vsub.f32 v25, v26  }
0x225: {  	v61 =	vld [tilespmem:s24+$0x14250]  }
0x226: {  	v62 =	vld [tilespmem:s24+$0xC250];
	v27 =	vsub.f32 v27, v28;
	v23 =	vmul.f32 v23, v23;
	v24 =	vmul.f32 v59, v59  }
0x227: {  	v63 =	vld [tilespmem:s24+$0x14260];
	v29 =	vsub.f32 v29, v30  }
0x228: {  	v33 =	vld [tilespmem:s24+$0xC260];
	v32 =	vmul.f32 v27, v27;
	v14 =	vadd.f32 v23, v14;
	v15 =	vadd.f32 v24, v15  }
0x229: {  	v35 =	vld [tilespmem:s24+$0x14270];
	v25 =	vsub.f32 v31, v60  }
0x22a: {  	v36 =	vld [tilespmem:s24+$0xC270];
	v34 =	vmul.f32 v29, v29;
	v12 =	vadd.f32 v32, v12;
	v14 =	vadd.f32 v15, v14  }
0x22b: {  	v38 =	vld [tilespmem:s24+$0x14280];
	v26 =	vsub.f32 v61, v62;
	v37 =	vmul.f32 v25, v25  }
0x22c: {  	v39 =	vld [tilespmem:s24+$0xC280];
	v13 =	vadd.f32 v34, v13;
	v12 =	vadd.f32 v12, v14  }
0x22d: {  	v40 =	vld [tilespmem:s24+$0x14290];
	v10 =	vadd.f32 v37, v10  }
0x22e: {  	v41 =	vld [tilespmem:s24+$0xC290];
	v26 =	vmul.f32 v26, v26;
	v24 =	vsub.f32 v63, v33;
	v12 =	vadd.f32 v13, v12  }
0x22f: {  	v42 =	vld [tilespmem:s24+$0x142A0];
	v15 =	vsub.f32 v35, v36  }
0x230: {  	v43 =	vld [tilespmem:s24+$0xC2A0];
	v11 =	vadd.f32 v26, v11;
	v24 =	vmul.f32 v24, v24;
	v10 =	vadd.f32 v10, v12  }
0x231: {  	v44 =	vld [tilespmem:s24+$0x142B0];
	v15 =	vmul.f32 v15, v15;
	v14 =	vsub.f32 v38, v39  }
0x232: {  	v45 =	vld [tilespmem:s24+$0xC2B0];
	v8 =	vadd.f32 v24, v8;
	v10 =	vadd.f32 v11, v10  }
0x233: {  	v46 =	vld [tilespmem:s24+$0x142C0];
	v9 =	vadd.f32 v15, v9;
	v14 =	vmul.f32 v14, v14  }
0x234: {  	v47 =	vld [tilespmem:s24+$0xC2C0];
	v13 =	vsub.f32 v40, v41;
	v8 =	vadd.f32 v8, v10  }
0x235: {  	v48 =	vld [tilespmem:s24+$0x142D0];
	v4 =	vadd.f32 v22, v4;
	v7 =	vadd.f32 v14, v7  }
0x236: {  	v50 =	vld [tilespmem:s24+$0xC2D0];
	v13 =	vmul.f32 v13, v13;
	v12 =	vsub.f32 v42, v43;
	v8 =	vadd.f32 v9, v8  }
0x237: {  	v49 =	vmul.f32 v21, v21;
	v19 =	vsub.f32 v19, v20;
	v11 =	vsub.f32 v44, v45  }
0x238: {  	v51 =	vld [tilespmem:s24+$0x142E0];
	v6 =	vadd.f32 v13, v6;
	v12 =	vmul.f32 v12, v12;
	v7 =	vadd.f32 v7, v8  }
0x239: {  	v52 =	vld [tilespmem:s24+$0xC2E0];
	v3 =	vadd.f32 v49, v3;
	v55 =	vmul.f32 v19, v19;
	v10 =	vsub.f32 v46, v47  }
0x23a: {  	v54 =	vld [tilespmem:s24+$0xC2F0];
	v53 =	vmul.f32 v11, v11;
	v5 =	vadd.f32 v12, v5;
	v6 =	vadd.f32 v6, v7  }
0x23b: {  	v56 =	vsub.f32 v17, v18;
	v58 =	vsub.f32 v48, v50;
	v57 =	vmul.f32 v10, v10  }
0x23c: {  	v4 =	vadd.f32 v53, v4;
	v5 =	vadd.f32 v5, v6  }
0x23d: {  	v0 =	vadd.f32 v55, v0;
	v59 =	vmul.f32 v56, v56;
	v3 =	vadd.f32 v57, v3  }
0x23e: {  	v60 =	vmul.f32 v58, v58;
	v8 =	vsub.f32 v51, v52;
	v4 =	vadd.f32 v4, v5  }
0x23f: {  	v61 =	vsub.f32 v16, v54;
	v1 =	vadd.f32 v59, v1  }
0x240: {  	v0 =	vadd.f32 v60, v0;
	v62 =	vmul.f32 v8, v8;
	v3 =	vadd.f32 v3, v4;
	_ =	sdelay $0x1  }
0x241: {  	v63 =	vmul.f32 v61, v61;
	v1 =	vadd.f32 v62, v1;
	v0 =	vadd.f32 v0, v3;
	_ =	sdelay $0x1  }
0x242: {  	v2 =	vadd.f32 v63, v2;
	v0 =	vadd.f32 v1, v0;
	_ =	sdelay $0x1  }
0x243: {  	s22 =	sadd.s32 $0x1, s22;
	v0 =	vadd.f32 v2, v0  }
0x244: {  	p0 =	sne.s32 s22, s15  }
.Ltmp5:
0x245: {  	[tilespmem:$0x1C200] =	vst v0;
	(pc) =	sbr.rel @p0 .LBB2_1-.Ltmp5, $4  }
0x246: {  	[hbm4b:s14+s3] =	stream.linear.scatter [tilespmem:s1], [sflag:$0x4], $0x80, $0x38;
	[tilespmem:$0x1C280] =	vst v63  }
0x247: {  	_ =	swait.ge [sflag:s0], $0x80  }
0x248: {  	[sflag:s0] =	ssyncset.done $0x0  }
0x249: {  	[sflag:s0] =	ssyncadd.s32 $0xFFFFFF80  }
0x24a: {  	_ =	sfence.sel $0x180000  }
0x24b: {  	[bflag:$0x0] =	sbarrier.arrive $0xFFFF  }
0x24c: {  	_ =	strace $0x90000047  }
0x24d: {  	s0 =	stileid.u32;
	[bflag:$0x2] =	sbarrier.arrive $0xFFFF  }
0x24e: {  	p0 =	sne.s32 s0, $0x0;
	s0 =	rddreg [dreg:$0x4]  }
0x24f: {  	s0 =	sadd.s32 @!p0 $0x100000, s0  }
0x250: {  	[sflag:s0] =	ssyncadd.tile.s32 @!p0 $0x1;
	_ =	shalt  }
.Lfunc_end2:
_tile_overlayer_lowered:
.L_overlay_start_2:
0x251: {  	(tag) =	ssettag $0x2  }
0x252: {  	s0 =	rddreg [dreg:$0x0];
	s2 =	stileid.u32  }
0x253: {  	s1 =	rddreg [dreg:$0x1];
	p0 =	sne.s32 s2, $0x0  }
0x254: {  	s3 =	rddreg [dreg:$0x2];
	[bflag:$0x3] =	sbarrier.arrive $0xFFFF;
	s2 =	simm.s32 @!p0 $0x1C04  }
0x255: {  	[timem:s3], [sflag:s2] =	dma.local @!p0 [hbm:s0], s1  }
0x256: {  	s0 =	simm.s32 @!p0 $0x4  }
0x257: {  	_ =	swait.ge @!p0 [sflag:s0], s1  }
0x258: {  	s1 =	ssub.s32 @!p0 $0x0, s1;
	[sflag:s0] =	ssyncset.done @!p0 $0x0  }
0x259: {  	[sflag:s0] =	ssyncadd.s32 @!p0 s1  }
0x25a: {  	[bflag:$0x3] =	sbarrier.arrive $0xFFFF  }
0x25b: {  	_ =	shalt  }

</sc_bundles>
